<compile_context>
chip_gen: v7x
topology: tpu7x:2x2x1
jax: 0.10.2.dev20260603
libtpu: 0.0.44.dev20260713+nightly
codegen_flags: <defaults>
</compile_context>

<pallas_src>
import functools

import jax
import jax.numpy as jnp
from jax import lax
from jax.experimental import pallas as pl
from jax.experimental.pallas import tpu as pltpu
from jax.experimental.pallas import tpu_sc as plsc

N = 10000
E = 320000
D = 128

NC = 2
NS = 16
NW = NC * NS
CH = 128
NCH_MAIN = 78
NCH_LAST = 82
EPT = NCH_MAIN * CH
DEPTH = 3
NSLOT = 84
RPT = 624
RPT_LAST = N - (NS - 1) * RPT
N_PAD = 10240
DRPT = N_PAD // NS

@functools.cache
def _sc_kernels():
    mesh = plsc.VectorSubcoreMesh(
        core_axis_name="c", subcore_axis_name="s",
        num_cores=NC, num_subcores=NS,
    )

    def per_tile_rows(s, fn):

        @pl.when(s < NS - 1)
        def _():
            fn(pl.multiple_of(s * RPT, 8), RPT)

        @pl.when(s == NS - 1)
        def _():
            fn((NS - 1) * RPT, RPT_LAST)

    @functools.partial(
        pl.kernel,
        out_type=jax.ShapeDtypeStruct((NC * N, D), jnp.float32),
        mesh=mesh,
        scratch_types=[
            pltpu.VMEM_SHARED((N, D), jnp.float32),
            pltpu.VMEM((DEPTH, CH), jnp.int32),
            pltpu.VMEM((CH, D), jnp.float32),
            pltpu.SemaphoreType.DMA,
            pltpu.SemaphoreType.DMA,
            pltpu.SemaphoreType.DMA,
            pltpu.SemaphoreType.DMA,
            pltpu.SemaphoreType.DMA,
            pltpu.SemaphoreType.DMA,
        ],
    )
    def deg_kernel(dst_hbm, ones_hbm, zeros_hbm, out_hbm, acc, d_idx, ones_v,
                   ss0, ss1, ss2, is0, is1, is2):
        c = lax.axis_index("c")
        s = lax.axis_index("s")
        wid = s * NC + c
        nch = jnp.where(wid == NW - 1, NCH_LAST, NCH_MAIN)
        ssem = (ss0, ss1, ss2)
        isem = (is0, is1, is2)
        pltpu.sync_copy(ones_hbm, ones_v)

        def init(base, size):
            pltpu.sync_copy(
                zeros_hbm.at[pl.ds(base, size)], acc.at[pl.ds(base, size)]
            )

        per_tile_rows(s, init)
        plsc.subcore_barrier()

        def req_idx(i, b):
            ebase = pl.multiple_of(wid * EPT + i * CH, 8)
            pltpu.async_copy(dst_hbm.at[pl.ds(ebase, CH)], d_idx.at[b], isem[b])

        def wait_idx(b):
            pltpu.make_async_copy(
                dst_hbm.at[pl.ds(0, CH)], d_idx.at[b], isem[b]
            ).wait()

        for b in range(DEPTH - 1):
            req_idx(b, b)

        def body(j, carry):
            for k in range(DEPTH):
                i = DEPTH * j + k

                @pl.when(i < nch)
                def _():
                    wait_idx(k)
                    pltpu.async_copy(
                        ones_v, acc.at[d_idx.at[k]], ssem[k], add=True
                    )

                ip = i + DEPTH - 1
                bp = (k + DEPTH - 1) % DEPTH

                @pl.when(ip < nch)
                def _():
                    @pl.when(ip >= DEPTH)
                    def _():
                        pltpu.make_async_copy(
                            ones_v, acc.at[d_idx.at[bp]], ssem[bp]
                        ).wait()

                    req_idx(ip, bp)

            return carry

        lax.fori_loop(0, NSLOT // DEPTH, body, 0)
        for b in range(DEPTH):
            pltpu.make_async_copy(ones_v, acc.at[d_idx.at[b]], ssem[b]).wait()
        plsc.subcore_barrier()

        def writeback(base, size):
            out_base = pl.multiple_of(c * N + base, 8)
            pltpu.sync_copy(
                acc.at[pl.ds(base, size)], out_hbm.at[pl.ds(out_base, size)]
            )

        per_tile_rows(s, writeback)

    @functools.partial(
        pl.kernel,
        out_type=jax.ShapeDtypeStruct((NC * N, D), jnp.float32),
        mesh=mesh,
        scratch_types=[
            pltpu.VMEM_SHARED((N, D), jnp.float32),
            pltpu.VMEM((DEPTH, CH), jnp.int32),
            pltpu.VMEM((DEPTH, CH), jnp.int32),
            pltpu.VMEM((DEPTH, CH, D), jnp.float32),
            pltpu.SemaphoreType.DMA,
            pltpu.SemaphoreType.DMA,
            pltpu.SemaphoreType.DMA,
            pltpu.SemaphoreType.DMA,
            pltpu.SemaphoreType.DMA,
            pltpu.SemaphoreType.DMA,
            pltpu.SemaphoreType.DMA,
            pltpu.SemaphoreType.DMA,
            pltpu.SemaphoreType.DMA,
        ],
    )
    def agg_kernel(y_hbm, src_hbm, dst_hbm, zeros_hbm, out_hbm,
                   acc, s_idx, d_idx, rows,
                   gs0, gs1, gs2, ss0, ss1, ss2, is0, is1, is2):
        c = lax.axis_index("c")
        s = lax.axis_index("s")
        wid = s * NC + c
        nch = jnp.where(wid == NW - 1, NCH_LAST, NCH_MAIN)
        gsem = (gs0, gs1, gs2)
        ssem = (ss0, ss1, ss2)
        isem = (is0, is1, is2)

        def init(base, size):
            @pl.when(c == 0)
            def _():
                pltpu.sync_copy(
                    y_hbm.at[pl.ds(base, size)], acc.at[pl.ds(base, size)]
                )

            @pl.when(c != 0)
            def _():
                pltpu.sync_copy(
                    zeros_hbm.at[pl.ds(base, size)], acc.at[pl.ds(base, size)]
                )

        per_tile_rows(s, init)
        plsc.subcore_barrier()

        def req_idx(i, b):
            ebase = pl.multiple_of(wid * EPT + i * CH, 8)
            pltpu.async_copy(src_hbm.at[pl.ds(ebase, CH)], s_idx.at[b], isem[b])
            pltpu.async_copy(dst_hbm.at[pl.ds(ebase, CH)], d_idx.at[b], isem[b])

        def start_gather(b):
            pltpu.make_async_copy(
                src_hbm.at[pl.ds(0, CH)], s_idx.at[b], isem[b]
            ).wait()
            pltpu.make_async_copy(
                dst_hbm.at[pl.ds(0, CH)], d_idx.at[b], isem[b]
            ).wait()
            pltpu.async_copy(y_hbm.at[s_idx.at[b]], rows.at[b], gsem[b])

        req_idx(0, 0)
        req_idx(1, 1)
        start_gather(0)

        def body(j, carry):
            for k in range(DEPTH):
                i = DEPTH * j + k
                ig = i + 1
                bg = (k + 1) % DEPTH

                @pl.when(ig < nch)
                def _():
                    start_gather(bg)

                @pl.when(i < nch)
                def _():
                    pltpu.make_async_copy(
                        y_hbm.at[s_idx.at[k]], rows.at[k], gsem[k]
                    ).wait()
                    pltpu.async_copy(
                        rows.at[k], acc.at[d_idx.at[k]], ssem[k], add=True
                    )

                ip = i + 2
                bp = (k + 2) % DEPTH

                @pl.when(ip < nch)
                def _():
                    @pl.when(ip >= DEPTH)
                    def _():
                        pltpu.make_async_copy(
                            rows.at[bp], acc.at[d_idx.at[bp]], ssem[bp]
                        ).wait()

                    req_idx(ip, bp)

            return carry

        lax.fori_loop(0, NSLOT // DEPTH, body, 0)
        for b in range(DEPTH):
            pltpu.make_async_copy(
                rows.at[b], acc.at[d_idx.at[b]], ssem[b]
            ).wait()
        plsc.subcore_barrier()

        def writeback(base, size):
            out_base = pl.multiple_of(c * N + base, 8)
            pltpu.sync_copy(
                acc.at[pl.ds(base, size)], out_hbm.at[pl.ds(out_base, size)]
            )

        per_tile_rows(s, writeback)

    return deg_kernel, agg_kernel


_BLK = 1000
_GRID = N // _BLK


def _k0_body(x_ref, w_ref, xw_ref):
    xw_ref[...] = jnp.dot(
        x_ref[...], w_ref[...], preferred_element_type=jnp.float32
    )


def _k1_body(xw_ref, d0_ref, d1_ref, y_ref, dinv_ref):
    deg = d0_ref[...] + d1_ref[...] + 1.0
    dinv = lax.rsqrt(deg)
    dinv_ref[...] = dinv
    y_ref[...] = xw_ref[...] * dinv


def _k2_body(a0_ref, a1_ref, dinv_ref, b1_ref, w2_ref, y2_ref):
    dinv = dinv_ref[...]
    h = jnp.maximum(dinv * (a0_ref[...] + a1_ref[...]) + b1_ref[...], 0.0)
    hw = jnp.dot(h, w2_ref[...], preferred_element_type=jnp.float32)
    y2_ref[...] = hw * dinv


def _k3_body(a0_ref, a1_ref, dinv_ref, b2_ref, out_ref):
    out_ref[...] = dinv_ref[...] * (a0_ref[...] + a1_ref[...]) + b2_ref[...]


_row_spec = pl.BlockSpec((_BLK, D), lambda i: (i, 0))
_par1_spec = pl.BlockSpec((_BLK, D), lambda i: (i + _GRID, 0))
_dinv_spec = pl.BlockSpec((_BLK, 1), lambda i: (i, 0))
_deg1_spec = pl.BlockSpec((_BLK, 1), lambda i: (i + _GRID, 0))
_w_spec = pl.BlockSpec((D, D), lambda i: (0, 0))
_b_spec = pl.BlockSpec((1, D), lambda i: (0, 0))

_k0 = pl.pallas_call(
    _k0_body,
    grid=(_GRID,),
    in_specs=[_row_spec, _w_spec],
    out_specs=[_row_spec],
    out_shape=[jax.ShapeDtypeStruct((N, D), jnp.float32)],
)

_k1 = pl.pallas_call(
    _k1_body,
    grid=(_GRID,),
    in_specs=[_row_spec, _dinv_spec, _deg1_spec],
    out_specs=[_row_spec, _dinv_spec],
    out_shape=[
        jax.ShapeDtypeStruct((N, D), jnp.float32),
        jax.ShapeDtypeStruct((N, 1), jnp.float32),
    ],
)

_k2 = pl.pallas_call(
    _k2_body,
    grid=(_GRID,),
    in_specs=[_row_spec, _par1_spec, _dinv_spec, _b_spec, _w_spec],
    out_specs=[_row_spec],
    out_shape=[jax.ShapeDtypeStruct((N, D), jnp.float32)],
)

_k3 = pl.pallas_call(
    _k3_body,
    grid=(_GRID,),
    in_specs=[_row_spec, _par1_spec, _dinv_spec, _b_spec],
    out_specs=[_row_spec],
    out_shape=[jax.ShapeDtypeStruct((N, D), jnp.float32)],
)


def kernel(x, edge_index, W1, b1, W2, b2):
    ei = edge_index.astype(jnp.int32)
    src = ei[0]
    dst = ei[1]
    zeros_nd = jnp.zeros((N, D), jnp.float32)
    ones_ch = jnp.ones((CH, D), jnp.float32)
    b1r = b1.reshape(1, D)
    b2r = b2.reshape(1, D)

    _deg_kernel, _agg_kernel = _sc_kernels()
    degp = _deg_kernel(dst, ones_ch, zeros_nd)
    (xw,) = _k0(x, W1)
    y1, dinv = _k1(xw, degp[:, :1], degp[:, :1])

    agg1 = _agg_kernel(y1, src, dst, zeros_nd)
    (y2,) = _k2(agg1, agg1, dinv, b1r, W2)

    agg2 = _agg_kernel(y2, src, dst, zeros_nd)
    (out,) = _k3(agg2, agg2, dinv, b2r)
    return out

# --- scband reference (transcript-rebuilt; emitter-appended) ---
"""Pipeline reference for scband-gcn-23673859735792 (READ-ONLY COPY).

The authoritative reference and input builder live on the scoring server;
editing this copy changes nothing except your own understanding.
"""

import jax, jax.numpy as jnp
import numpy as np

N = 10000
E = 320000
D_IN = 128
D_HID = 128
D_OUT = 128


def gcn_conv(x, edge_index, W, b, num_nodes):
    # PyG-style GCNConv: x' = D^{-1/2}(A+I)D^{-1/2} X W + b
    src = edge_index[0]
    dst = edge_index[1]
    loop = jnp.arange(num_nodes, dtype=src.dtype)
    src = jnp.concatenate([src, loop])
    dst = jnp.concatenate([dst, loop])
    ones = jnp.ones(src.shape[0], dtype=x.dtype)
    deg = jax.ops.segment_sum(ones, dst, num_segments=num_nodes)
    deg_inv_sqrt = jnp.where(deg > 0, 1.0 / jnp.sqrt(deg), 0.0)
    norm = deg_inv_sqrt[src] * deg_inv_sqrt[dst]
    xw = x @ W
    msg = xw[src] * norm[:, None]
    out = jax.ops.segment_sum(msg, dst, num_segments=num_nodes)
    return out + b


def setup_inputs(seed: int = 0) -> dict:
    key = jax.random.key(seed)
    k1, k2, k3, k4, k5, k6 = jax.random.split(key, 6)
    x = jax.random.normal(k1, (N, D_IN), dtype=jnp.float32)
    edge_index = jax.random.randint(k2, (2, E), 0, N, dtype=jnp.int64)
    s1 = 1.0 / np.sqrt(D_IN)
    s2 = 1.0 / np.sqrt(D_HID)
    W1 = jax.random.uniform(k3, (D_IN, D_HID), dtype=jnp.float32, minval=-s1, maxval=s1)
    b1 = jax.random.uniform(k4, (D_HID,), dtype=jnp.float32, minval=-s1, maxval=s1)
    W2 = jax.random.uniform(k5, (D_HID, D_OUT), dtype=jnp.float32, minval=-s2, maxval=s2)
    b2 = jax.random.uniform(k6, (D_OUT,), dtype=jnp.float32, minval=-s2, maxval=s2)
    return {"x": x, "edge_index": edge_index, "W1": W1, "b1": b1, "W2": W2, "b2": b2}


def reference(x, edge_index, W1, b1, W2, b2):
    # dropout p=0.0 -> identity (eval semantics)
    h = gcn_conv(x, edge_index, W1, b1, N)
    h = jax.nn.relu(h)
    out = gcn_conv(h, edge_index, W2, b2, N)
    return out

if __name__ == "__main__":
    import jax
    _d = setup_inputs()
    print(jax.jit(kernel)(*tuple(_d.values())))

</pallas_src>

<mosaic_0001>
#map = affine_map<(d0, d1) -> (0, 0)>
#map1 = affine_map<(d0, d1) -> (0)>
module attributes {stable_mosaic.version = 14 : i64} {
  func.func @agg_kernel(%arg0: i32, %arg1: i32, %arg2: memref<10000x128xf32, #tpu.memory_space<hbm>>, %arg3: memref<320000xi32, #tpu.memory_space<hbm>>, %arg4: memref<320000xi32, #tpu.memory_space<hbm>>, %arg5: memref<10000x128xf32, #tpu.memory_space<hbm>>, %arg6: memref<20000x128xf32, #tpu.memory_space<hbm>>, %arg7: memref<10000x128xf32, #tpu.memory_space<vmem_shared>>, %arg8: memref<3x128xi32, #tpu.memory_space<vmem>>, %arg9: memref<3x128xi32, #tpu.memory_space<vmem>>, %arg10: memref<3x128x128xf32, #tpu.memory_space<vmem>>, %arg11: memref<!tpu.dma_semaphore, #tpu.memory_space<semaphore_mem>>, %arg12: memref<!tpu.dma_semaphore, #tpu.memory_space<semaphore_mem>>, %arg13: memref<!tpu.dma_semaphore, #tpu.memory_space<semaphore_mem>>, %arg14: memref<!tpu.dma_semaphore, #tpu.memory_space<semaphore_mem>>, %arg15: memref<!tpu.dma_semaphore, #tpu.memory_space<semaphore_mem>>, %arg16: memref<!tpu.dma_semaphore, #tpu.memory_space<semaphore_mem>>, %arg17: memref<!tpu.dma_semaphore, #tpu.memory_space<semaphore_mem>>, %arg18: memref<!tpu.dma_semaphore, #tpu.memory_space<semaphore_mem>>, %arg19: memref<!tpu.dma_semaphore, #tpu.memory_space<semaphore_mem>>) attributes {dimension_semantics = [#tpu.dimension_semantics<core_parallel>, #tpu.dimension_semantics<subcore_parallel>], iteration_bounds = array<i64: 2, 16>, scalar_prefetch = 0 : i64, scratch_operands = 13 : i64, tpu.core_type = #tpu.core_type<sc_vector_subcore>, window_params = [{transform_indices = #map}, {transform_indices = #map1}, {transform_indices = #map1}, {transform_indices = #map}, {transform_indices = #map}]} {
    %mul3A = arith.constant 2 : i32
    %mul3A_0 = arith.muli %arg1, %mul3A : i32
    %add3A = arith.addi %mul3A_0, %arg0 : i32
    %eq3A = arith.constant 31 : i32
    %eq3A_1 = arith.cmpi eq, %add3A, %eq3A : i32
    %jit3A = arith.constant 82 : i32
    %jit3A_2 = arith.constant 78 : i32
    %select_n3A = arith.select %eq3A_1, %jit3A, %jit3A_2 : i32
    %lt3A = arith.constant 15 : i32
    %lt3A_3 = arith.cmpi slt, %arg1, %lt3A : i32
    %convert_element_type3A = arith.extui %lt3A_3 : i1 to i32
    %cond3A = arith.constant 0 : i32
    %cond3A_4 = arith.cmpi ne, %convert_element_type3A, %cond3A : i32
    scf.if %cond3A_4 {
      %mul3A_139 = arith.constant 624 : i32
      %mul3A_140 = arith.muli %arg1, %mul3A_139 : i32
      %multiple_of3A_141 = tpu.assume_multiple %mul3A_140, 8 : i32
      %eq3A_142 = arith.constant 0 : i32
      %eq3A_143 = arith.cmpi eq, %arg0, %eq3A_142 : i32
      %convert_element_type3A_144 = arith.extui %eq3A_143 : i1 to i32
      %cond3A_145 = arith.constant 0 : i32
      %cond3A_146 = arith.cmpi ne, %convert_element_type3A_144, %cond3A_145 : i32
      scf.if %cond3A_146 {
        "tpu.region"() ({
          %run_scoped3A = tpu.sem_alloc : memref<!tpu.dma_semaphore, #tpu.memory_space<semaphore_mem>>
          %dma_start3A_151 = arith.constant 0 : i32
          %dma_start3A_152 = tpu.memref_slice %arg7[%multiple_of3A_141, %dma_start3A_151] : memref<10000x128xf32, #tpu.memory_space<vmem_shared>> -> memref<624x128xf32, #tpu.memory_space<vmem_shared>>
          %dma_start3A_153 = arith.constant 0 : i32
          %dma_start3A_154 = tpu.memref_slice %arg2[%multiple_of3A_141, %dma_start3A_153] : memref<10000x128xf32, #tpu.memory_space<hbm>> -> memref<624x128xf32, #tpu.memory_space<hbm>>
          tpu.enqueue_dma source(%dma_start3A_154 : memref<624x128xf32, #tpu.memory_space<hbm>>) target(%dma_start3A_152 : memref<624x128xf32, #tpu.memory_space<vmem_shared>>) target_semaphore(%run_scoped3A : memref<!tpu.dma_semaphore, #tpu.memory_space<semaphore_mem>>)
          %dma_wait3A_155 = arith.constant 0 : i32
          %dma_wait3A_156 = tpu.memref_slice %arg7[%multiple_of3A_141, %dma_wait3A_155] : memref<10000x128xf32, #tpu.memory_space<vmem_shared>> -> memref<624x128xf32, #tpu.memory_space<vmem_shared>>
          %dma_wait3A_157 = arith.constant 0 : i32
          %dma_wait3A_158 = tpu.memref_slice %arg2[%multiple_of3A_141, %dma_wait3A_157] : memref<10000x128xf32, #tpu.memory_space<hbm>> -> memref<624x128xf32, #tpu.memory_space<hbm>>
          tpu.wait_dma2 semaphore(%run_scoped3A : memref<!tpu.dma_semaphore, #tpu.memory_space<semaphore_mem>>) src(%dma_wait3A_158 : memref<624x128xf32, #tpu.memory_space<hbm>>) dst(%dma_wait3A_156 : memref<624x128xf32, #tpu.memory_space<vmem_shared>>)
          tpu.yield
        }) : () -> ()
      } else {
      }
      %ne3A = arith.constant 0 : i32
      %ne3A_147 = arith.cmpi ne, %arg0, %ne3A : i32
      %convert_element_type3A_148 = arith.extui %ne3A_147 : i1 to i32
      %cond3A_149 = arith.constant 0 : i32
      %cond3A_150 = arith.cmpi ne, %convert_element_type3A_148, %cond3A_149 : i32
      scf.if %cond3A_150 {
        "tpu.region"() ({
          %run_scoped3A = tpu.sem_alloc : memref<!tpu.dma_semaphore, #tpu.memory_space<semaphore_mem>>
          %dma_start3A_151 = arith.constant 0 : i32
          %dma_start3A_152 = tpu.memref_slice %arg7[%multiple_of3A_141, %dma_start3A_151] : memref<10000x128xf32, #tpu.memory_space<vmem_shared>> -> memref<624x128xf32, #tpu.memory_space<vmem_shared>>
          %dma_start3A_153 = arith.constant 0 : i32
          %dma_start3A_154 = tpu.memref_slice %arg5[%multiple_of3A_141, %dma_start3A_153] : memref<10000x128xf32, #tpu.memory_space<hbm>> -> memref<624x128xf32, #tpu.memory_space<hbm>>
          tpu.enqueue_dma source(%dma_start3A_154 : memref<624x128xf32, #tpu.memory_space<hbm>>) target(%dma_start3A_152 : memref<624x128xf32, #tpu.memory_space<vmem_shared>>) target_semaphore(%run_scoped3A : memref<!tpu.dma_semaphore, #tpu.memory_space<semaphore_mem>>)
          %dma_wait3A_155 = arith.constant 0 : i32
          %dma_wait3A_156 = tpu.memref_slice %arg7[%multiple_of3A_141, %dma_wait3A_155] : memref<10000x128xf32, #tpu.memory_space<vmem_shared>> -> memref<624x128xf32, #tpu.memory_space<vmem_shared>>
          %dma_wait3A_157 = arith.constant 0 : i32
          %dma_wait3A_158 = tpu.memref_slice %arg5[%multiple_of3A_141, %dma_wait3A_157] : memref<10000x128xf32, #tpu.memory_space<hbm>> -> memref<624x128xf32, #tpu.memory_space<hbm>>
          tpu.wait_dma2 semaphore(%run_scoped3A : memref<!tpu.dma_semaphore, #tpu.memory_space<semaphore_mem>>) src(%dma_wait3A_158 : memref<624x128xf32, #tpu.memory_space<hbm>>) dst(%dma_wait3A_156 : memref<624x128xf32, #tpu.memory_space<vmem_shared>>)
          tpu.yield
        }) : () -> ()
      } else {
      }
    } else {
    }
    %eq3A_5 = arith.constant 15 : i32
    %eq3A_6 = arith.cmpi eq, %arg1, %eq3A_5 : i32
    %convert_element_type3A_7 = arith.extui %eq3A_6 : i1 to i32
    %cond3A_8 = arith.constant 0 : i32
    %cond3A_9 = arith.cmpi ne, %convert_element_type3A_7, %cond3A_8 : i32
    scf.if %cond3A_9 {
      %eq3A_139 = arith.constant 0 : i32
      %eq3A_140 = arith.cmpi eq, %arg0, %eq3A_139 : i32
      %convert_element_type3A_141 = arith.extui %eq3A_140 : i1 to i32
      %cond3A_142 = arith.constant 0 : i32
      %cond3A_143 = arith.cmpi ne, %convert_element_type3A_141, %cond3A_142 : i32
      scf.if %cond3A_143 {
        "tpu.region"() ({
          %run_scoped3A = tpu.sem_alloc : memref<!tpu.dma_semaphore, #tpu.memory_space<semaphore_mem>>
          %dma_start3A_148 = arith.constant 9360 : i32
          %dma_start3A_149 = arith.constant 0 : i32
          %dma_start3A_150 = tpu.memref_slice %arg7[%dma_start3A_148, %dma_start3A_149] : memref<10000x128xf32, #tpu.memory_space<vmem_shared>> -> memref<640x128xf32, #tpu.memory_space<vmem_shared>>
          %dma_start3A_151 = arith.constant 9360 : i32
          %dma_start3A_152 = arith.constant 0 : i32
          %dma_start3A_153 = tpu.memref_slice %arg2[%dma_start3A_151, %dma_start3A_152] : memref<10000x128xf32, #tpu.memory_space<hbm>> -> memref<640x128xf32, #tpu.memory_space<hbm>>
          tpu.enqueue_dma source(%dma_start3A_153 : memref<640x128xf32, #tpu.memory_space<hbm>>) target(%dma_start3A_150 : memref<640x128xf32, #tpu.memory_space<vmem_shared>>) target_semaphore(%run_scoped3A : memref<!tpu.dma_semaphore, #tpu.memory_space<semaphore_mem>>)
          %dma_wait3A_154 = arith.constant 9360 : i32
          %dma_wait3A_155 = arith.constant 0 : i32
          %dma_wait3A_156 = tpu.memref_slice %arg7[%dma_wait3A_154, %dma_wait3A_155] : memref<10000x128xf32, #tpu.memory_space<vmem_shared>> -> memref<640x128xf32, #tpu.memory_space<vmem_shared>>
          %dma_wait3A_157 = arith.constant 9360 : i32
          %dma_wait3A_158 = arith.constant 0 : i32
          %dma_wait3A_159 = tpu.memref_slice %arg2[%dma_wait3A_157, %dma_wait3A_158] : memref<10000x128xf32, #tpu.memory_space<hbm>> -> memref<640x128xf32, #tpu.memory_space<hbm>>
          tpu.wait_dma2 semaphore(%run_scoped3A : memref<!tpu.dma_semaphore, #tpu.memory_space<semaphore_mem>>) src(%dma_wait3A_159 : memref<640x128xf32, #tpu.memory_space<hbm>>) dst(%dma_wait3A_156 : memref<640x128xf32, #tpu.memory_space<vmem_shared>>)
          tpu.yield
        }) : () -> ()
      } else {
      }
      %ne3A = arith.constant 0 : i32
      %ne3A_144 = arith.cmpi ne, %arg0, %ne3A : i32
      %convert_element_type3A_145 = arith.extui %ne3A_144 : i1 to i32
      %cond3A_146 = arith.constant 0 : i32
      %cond3A_147 = arith.cmpi ne, %convert_element_type3A_145, %cond3A_146 : i32
      scf.if %cond3A_147 {
        "tpu.region"() ({
          %run_scoped3A = tpu.sem_alloc : memref<!tpu.dma_semaphore, #tpu.memory_space<semaphore_mem>>
          %dma_start3A_148 = arith.constant 9360 : i32
          %dma_start3A_149 = arith.constant 0 : i32
          %dma_start3A_150 = tpu.memref_slice %arg7[%dma_start3A_148, %dma_start3A_149] : memref<10000x128xf32, #tpu.memory_space<vmem_shared>> -> memref<640x128xf32, #tpu.memory_space<vmem_shared>>
          %dma_start3A_151 = arith.constant 9360 : i32
          %dma_start3A_152 = arith.constant 0 : i32
          %dma_start3A_153 = tpu.memref_slice %arg5[%dma_start3A_151, %dma_start3A_152] : memref<10000x128xf32, #tpu.memory_space<hbm>> -> memref<640x128xf32, #tpu.memory_space<hbm>>
          tpu.enqueue_dma source(%dma_start3A_153 : memref<640x128xf32, #tpu.memory_space<hbm>>) target(%dma_start3A_150 : memref<640x128xf32, #tpu.memory_space<vmem_shared>>) target_semaphore(%run_scoped3A : memref<!tpu.dma_semaphore, #tpu.memory_space<semaphore_mem>>)
          %dma_wait3A_154 = arith.constant 9360 : i32
          %dma_wait3A_155 = arith.constant 0 : i32
          %dma_wait3A_156 = tpu.memref_slice %arg7[%dma_wait3A_154, %dma_wait3A_155] : memref<10000x128xf32, #tpu.memory_space<vmem_shared>> -> memref<640x128xf32, #tpu.memory_space<vmem_shared>>
          %dma_wait3A_157 = arith.constant 9360 : i32
          %dma_wait3A_158 = arith.constant 0 : i32
          %dma_wait3A_159 = tpu.memref_slice %arg5[%dma_wait3A_157, %dma_wait3A_158] : memref<10000x128xf32, #tpu.memory_space<hbm>> -> memref<640x128xf32, #tpu.memory_space<hbm>>
          tpu.wait_dma2 semaphore(%run_scoped3A : memref<!tpu.dma_semaphore, #tpu.memory_space<semaphore_mem>>) src(%dma_wait3A_159 : memref<640x128xf32, #tpu.memory_space<hbm>>) dst(%dma_wait3A_156 : memref<640x128xf32, #tpu.memory_space<vmem_shared>>)
          tpu.yield
        }) : () -> ()
      } else {
      }
    } else {
    }
    %barrier3A = arith.constant 0 : index
    tpu.barrier barrier_id(%barrier3A)
    %mul3A_10 = arith.constant 9984 : i32
    %mul3A_11 = arith.muli %add3A, %mul3A_10 : i32
    %add3A_12 = arith.constant 0 : i32
    %add3A_13 = arith.addi %mul3A_11, %add3A_12 : i32
    %multiple_of3A = tpu.assume_multiple %add3A_13, 8 : i32
    %dma_start3A = arith.constant 0 : i32
    %dma_start3A_14 = arith.constant 0 : i32
    %dma_start3A_15 = tpu.memref_slice %arg8[%dma_start3A, %dma_start3A_14] : memref<3x128xi32, #tpu.memory_space<vmem>> -> memref<1x128xi32, #tpu.memory_space<vmem>>
    %dma_start3A_16 = tpu.memref_squeeze %dma_start3A_15 : memref<1x128xi32, #tpu.memory_space<vmem>> -> memref<128xi32, #tpu.memory_space<vmem>>
    %dma_start3A_17 = tpu.memref_slice %arg3[%multiple_of3A] : memref<320000xi32, #tpu.memory_space<hbm>> -> memref<128xi32, #tpu.memory_space<hbm>>
    %dma_start3A_18 = arith.constant 0 : i32
    %dma_start3A_19 = tpu.memref_slice %arg8[%dma_start3A, %dma_start3A_18] : memref<3x128xi32, #tpu.memory_space<vmem>> -> memref<1x128xi32, #tpu.memory_space<vmem>>
    %dma_start3A_20 = tpu.memref_squeeze %dma_start3A_19 : memref<1x128xi32, #tpu.memory_space<vmem>> -> memref<128xi32, #tpu.memory_space<vmem>>
    %dma_start3A_21 = tpu.memref_slice %arg3[%multiple_of3A] : memref<320000xi32, #tpu.memory_space<hbm>> -> memref<128xi32, #tpu.memory_space<hbm>>
    tpu.enqueue_dma source(%dma_start3A_21 : memref<128xi32, #tpu.memory_space<hbm>>) target(%dma_start3A_20 : memref<128xi32, #tpu.memory_space<vmem>>) target_semaphore(%arg17 : memref<!tpu.dma_semaphore, #tpu.memory_space<semaphore_mem>>)
    %dma_start3A_22 = arith.constant 0 : i32
    %dma_start3A_23 = arith.constant 0 : i32
    %dma_start3A_24 = tpu.memref_slice %arg9[%dma_start3A_22, %dma_start3A_23] : memref<3x128xi32, #tpu.memory_space<vmem>> -> memref<1x128xi32, #tpu.memory_space<vmem>>
    %dma_start3A_25 = tpu.memref_squeeze %dma_start3A_24 : memref<1x128xi32, #tpu.memory_space<vmem>> -> memref<128xi32, #tpu.memory_space<vmem>>
    %dma_start3A_26 = tpu.memref_slice %arg4[%multiple_of3A] : memref<320000xi32, #tpu.memory_space<hbm>> -> memref<128xi32, #tpu.memory_space<hbm>>
    %dma_start3A_27 = arith.constant 0 : i32
    %dma_start3A_28 = tpu.memref_slice %arg9[%dma_start3A_22, %dma_start3A_27] : memref<3x128xi32, #tpu.memory_space<vmem>> -> memref<1x128xi32, #tpu.memory_space<vmem>>
    %dma_start3A_29 = tpu.memref_squeeze %dma_start3A_28 : memref<1x128xi32, #tpu.memory_space<vmem>> -> memref<128xi32, #tpu.memory_space<vmem>>
    %dma_start3A_30 = tpu.memref_slice %arg4[%multiple_of3A] : memref<320000xi32, #tpu.memory_space<hbm>> -> memref<128xi32, #tpu.memory_space<hbm>>
    tpu.enqueue_dma source(%dma_start3A_30 : memref<128xi32, #tpu.memory_space<hbm>>) target(%dma_start3A_29 : memref<128xi32, #tpu.memory_space<vmem>>) target_semaphore(%arg17 : memref<!tpu.dma_semaphore, #tpu.memory_space<semaphore_mem>>)
    %mul3A_31 = arith.constant 9984 : i32
    %mul3A_32 = arith.muli %add3A, %mul3A_31 : i32
    %add3A_33 = arith.constant 128 : i32
    %add3A_34 = arith.addi %mul3A_32, %add3A_33 : i32
    %multiple_of3A_35 = tpu.assume_multiple %add3A_34, 8 : i32
    %dma_start3A_36 = arith.constant 1 : i32
    %dma_start3A_37 = arith.constant 0 : i32
    %dma_start3A_38 = tpu.memref_slice %arg8[%dma_start3A_36, %dma_start3A_37] : memref<3x128xi32, #tpu.memory_space<vmem>> -> memref<1x128xi32, #tpu.memory_space<vmem>>
    %dma_start3A_39 = tpu.memref_squeeze %dma_start3A_38 : memref<1x128xi32, #tpu.memory_space<vmem>> -> memref<128xi32, #tpu.memory_space<vmem>>
    %dma_start3A_40 = tpu.memref_slice %arg3[%multiple_of3A_35] : memref<320000xi32, #tpu.memory_space<hbm>> -> memref<128xi32, #tpu.memory_space<hbm>>
    %dma_start3A_41 = arith.constant 0 : i32
    %dma_start3A_42 = tpu.memref_slice %arg8[%dma_start3A_36, %dma_start3A_41] : memref<3x128xi32, #tpu.memory_space<vmem>> -> memref<1x128xi32, #tpu.memory_space<vmem>>
    %dma_start3A_43 = tpu.memref_squeeze %dma_start3A_42 : memref<1x128xi32, #tpu.memory_space<vmem>> -> memref<128xi32, #tpu.memory_space<vmem>>
    %dma_start3A_44 = tpu.memref_slice %arg3[%multiple_of3A_35] : memref<320000xi32, #tpu.memory_space<hbm>> -> memref<128xi32, #tpu.memory_space<hbm>>
    tpu.enqueue_dma source(%dma_start3A_44 : memref<128xi32, #tpu.memory_space<hbm>>) target(%dma_start3A_43 : memref<128xi32, #tpu.memory_space<vmem>>) target_semaphore(%arg18 : memref<!tpu.dma_semaphore, #tpu.memory_space<semaphore_mem>>)
    %dma_start3A_45 = arith.constant 1 : i32
    %dma_start3A_46 = arith.constant 0 : i32
    %dma_start3A_47 = tpu.memref_slice %arg9[%dma_start3A_45, %dma_start3A_46] : memref<3x128xi32, #tpu.memory_space<vmem>> -> memref<1x128xi32, #tpu.memory_space<vmem>>
    %dma_start3A_48 = tpu.memref_squeeze %dma_start3A_47 : memref<1x128xi32, #tpu.memory_space<vmem>> -> memref<128xi32, #tpu.memory_space<vmem>>
    %dma_start3A_49 = tpu.memref_slice %arg4[%multiple_of3A_35] : memref<320000xi32, #tpu.memory_space<hbm>> -> memref<128xi32, #tpu.memory_space<hbm>>
    %dma_start3A_50 = arith.constant 0 : i32
    %dma_start3A_51 = tpu.memref_slice %arg9[%dma_start3A_45, %dma_start3A_50] : memref<3x128xi32, #tpu.memory_space<vmem>> -> memref<1x128xi32, #tpu.memory_space<vmem>>
    %dma_start3A_52 = tpu.memref_squeeze %dma_start3A_51 : memref<1x128xi32, #tpu.memory_space<vmem>> -> memref<128xi32, #tpu.memory_space<vmem>>
    %dma_start3A_53 = tpu.memref_slice %arg4[%multiple_of3A_35] : memref<320000xi32, #tpu.memory_space<hbm>> -> memref<128xi32, #tpu.memory_space<hbm>>
    tpu.enqueue_dma source(%dma_start3A_53 : memref<128xi32, #tpu.memory_space<hbm>>) target(%dma_start3A_52 : memref<128xi32, #tpu.memory_space<vmem>>) target_semaphore(%arg18 : memref<!tpu.dma_semaphore, #tpu.memory_space<semaphore_mem>>)
    %dma_wait3A = arith.constant 0 : i32
    %dma_wait3A_54 = arith.constant 0 : i32
    %dma_wait3A_55 = tpu.memref_slice %arg8[%dma_wait3A, %dma_wait3A_54] : memref<3x128xi32, #tpu.memory_space<vmem>> -> memref<1x128xi32, #tpu.memory_space<vmem>>
    %dma_wait3A_56 = tpu.memref_squeeze %dma_wait3A_55 : memref<1x128xi32, #tpu.memory_space<vmem>> -> memref<128xi32, #tpu.memory_space<vmem>>
    %dma_wait3A_57 = arith.constant 0 : i32
    %dma_wait3A_58 = tpu.memref_slice %arg3[%dma_wait3A_57] : memref<320000xi32, #tpu.memory_space<hbm>> -> memref<128xi32, #tpu.memory_space<hbm>>
    %dma_wait3A_59 = arith.constant 0 : i32
    %dma_wait3A_60 = tpu.memref_slice %arg8[%dma_wait3A, %dma_wait3A_59] : memref<3x128xi32, #tpu.memory_space<vmem>> -> memref<1x128xi32, #tpu.memory_space<vmem>>
    %dma_wait3A_61 = tpu.memref_squeeze %dma_wait3A_60 : memref<1x128xi32, #tpu.memory_space<vmem>> -> memref<128xi32, #tpu.memory_space<vmem>>
    %dma_wait3A_62 = arith.constant 0 : i32
    %dma_wait3A_63 = tpu.memref_slice %arg3[%dma_wait3A_62] : memref<320000xi32, #tpu.memory_space<hbm>> -> memref<128xi32, #tpu.memory_space<hbm>>
    tpu.wait_dma2 semaphore(%arg17 : memref<!tpu.dma_semaphore, #tpu.memory_space<semaphore_mem>>) src(%dma_wait3A_63 : memref<128xi32, #tpu.memory_space<hbm>>) dst(%dma_wait3A_61 : memref<128xi32, #tpu.memory_space<vmem>>)
    %dma_wait3A_64 = arith.constant 0 : i32
    %dma_wait3A_65 = arith.constant 0 : i32
    %dma_wait3A_66 = tpu.memref_slice %arg9[%dma_wait3A_64, %dma_wait3A_65] : memref<3x128xi32, #tpu.memory_space<vmem>> -> memref<1x128xi32, #tpu.memory_space<vmem>>
    %dma_wait3A_67 = tpu.memref_squeeze %dma_wait3A_66 : memref<1x128xi32, #tpu.memory_space<vmem>> -> memref<128xi32, #tpu.memory_space<vmem>>
    %dma_wait3A_68 = arith.constant 0 : i32
    %dma_wait3A_69 = tpu.memref_slice %arg4[%dma_wait3A_68] : memref<320000xi32, #tpu.memory_space<hbm>> -> memref<128xi32, #tpu.memory_space<hbm>>
    %dma_wait3A_70 = arith.constant 0 : i32
    %dma_wait3A_71 = tpu.memref_slice %arg9[%dma_wait3A_64, %dma_wait3A_70] : memref<3x128xi32, #tpu.memory_space<vmem>> -> memref<1x128xi32, #tpu.memory_space<vmem>>
    %dma_wait3A_72 = tpu.memref_squeeze %dma_wait3A_71 : memref<1x128xi32, #tpu.memory_space<vmem>> -> memref<128xi32, #tpu.memory_space<vmem>>
    %dma_wait3A_73 = arith.constant 0 : i32
    %dma_wait3A_74 = tpu.memref_slice %arg4[%dma_wait3A_73] : memref<320000xi32, #tpu.memory_space<hbm>> -> memref<128xi32, #tpu.memory_space<hbm>>
    tpu.wait_dma2 semaphore(%arg17 : memref<!tpu.dma_semaphore, #tpu.memory_space<semaphore_mem>>) src(%dma_wait3A_74 : memref<128xi32, #tpu.memory_space<hbm>>) dst(%dma_wait3A_72 : memref<128xi32, #tpu.memory_space<vmem>>)
    %dma_start3A_75 = arith.constant 0 : i32
    %dma_start3A_76 = arith.constant 0 : i32
    %dma_start3A_77 = arith.constant 0 : i32
    %dma_start3A_78 = arith.constant 0 : i32
    %dma_start3A_79 = tpu.memref_slice %arg10[%dma_start3A_76, %dma_start3A_77, %dma_start3A_78] : memref<3x128x128xf32, #tpu.memory_space<vmem>> -> memref<1x128x128xf32, #tpu.memory_space<vmem>>
    %dma_start3A_80 = tpu.memref_squeeze %dma_start3A_79 : memref<1x128x128xf32, #tpu.memory_space<vmem>> -> memref<128x128xf32, #tpu.memory_space<vmem>>
    %dma_start3A_81 = arith.constant 0 : i32
    %dma_start3A_82 = tpu.memref_slice %arg8[%dma_start3A_75, %dma_start3A_81] : memref<3x128xi32, #tpu.memory_space<vmem>> -> memref<1x128xi32, #tpu.memory_space<vmem>>
    %dma_start3A_83 = tpu.memref_squeeze %dma_start3A_82 : memref<1x128xi32, #tpu.memory_space<vmem>> -> memref<128xi32, #tpu.memory_space<vmem>>
    %dma_start3A_84 = arith.constant 0 : i32
    %dma_start3A_85 = arith.constant 0 : i32
    %dma_start3A_86 = tpu.memref_slice %arg2[%dma_start3A_84, %dma_start3A_85] : memref<10000x128xf32, #tpu.memory_space<hbm>> -> memref<10000x128xf32, #tpu.memory_space<hbm>>
    tpu.enqueue_indirect_dma source(%dma_start3A_86 : memref<10000x128xf32, #tpu.memory_space<hbm>>) target(%dma_start3A_80 : memref<128x128xf32, #tpu.memory_space<vmem>>) offsets(%dma_start3A_83 : memref<128xi32, #tpu.memory_space<vmem>>) semaphore(%arg11 : memref<!tpu.dma_semaphore, #tpu.memory_space<semaphore_mem>>)
    %scan3A = arith.constant 0 : i32
    %scan3A_87 = arith.constant 0 : i32
    %scan3A_88 = arith.constant 28 : i32
    %scan3A_89 = arith.addi %scan3A_87, %scan3A_88 : i32
    %scan3A_90 = arith.constant 1 : i32
    scf.for %scan3A_139 = %scan3A_87 to %scan3A_89 step %scan3A_90  : i32 {
      %mul3A_140 = arith.constant 3 : i32
      %mul3A_141 = arith.muli %mul3A_140, %scan3A_139 : i32
      %add3A_142 = arith.constant 0 : i32
      %add3A_143 = arith.addi %mul3A_141, %add3A_142 : i32
      %add3A_144 = arith.constant 1 : i32
      %add3A_145 = arith.addi %add3A_143, %add3A_144 : i32
      %lt3A_146 = arith.cmpi slt, %add3A_145, %select_n3A : i32
      %convert_element_type3A_147 = arith.extui %lt3A_146 : i1 to i32
      %cond3A_148 = arith.constant 0 : i32
      %cond3A_149 = arith.cmpi ne, %convert_element_type3A_147, %cond3A_148 : i32
      scf.if %cond3A_149 {
        %dma_wait3A_200 = arith.constant 1 : i32
        %dma_wait3A_201 = arith.constant 0 : i32
        %dma_wait3A_202 = tpu.memref_slice %arg8[%dma_wait3A_200, %dma_wait3A_201] : memref<3x128xi32, #tpu.memory_space<vmem>> -> memref<1x128xi32, #tpu.memory_space<vmem>>
        %dma_wait3A_203 = tpu.memref_squeeze %dma_wait3A_202 : memref<1x128xi32, #tpu.memory_space<vmem>> -> memref<128xi32, #tpu.memory_space<vmem>>
        %dma_wait3A_204 = arith.constant 0 : i32
        %dma_wait3A_205 = tpu.memref_slice %arg3[%dma_wait3A_204] : memref<320000xi32, #tpu.memory_space<hbm>> -> memref<128xi32, #tpu.memory_space<hbm>>
        %dma_wait3A_206 = arith.constant 0 : i32
        %dma_wait3A_207 = tpu.memref_slice %arg8[%dma_wait3A_200, %dma_wait3A_206] : memref<3x128xi32, #tpu.memory_space<vmem>> -> memref<1x128xi32, #tpu.memory_space<vmem>>
        %dma_wait3A_208 = tpu.memref_squeeze %dma_wait3A_207 : memref<1x128xi32, #tpu.memory_space<vmem>> -> memref<128xi32, #tpu.memory_space<vmem>>
        %dma_wait3A_209 = arith.constant 0 : i32
        %dma_wait3A_210 = tpu.memref_slice %arg3[%dma_wait3A_209] : memref<320000xi32, #tpu.memory_space<hbm>> -> memref<128xi32, #tpu.memory_space<hbm>>
        tpu.wait_dma2 semaphore(%arg18 : memref<!tpu.dma_semaphore, #tpu.memory_space<semaphore_mem>>) src(%dma_wait3A_210 : memref<128xi32, #tpu.memory_space<hbm>>) dst(%dma_wait3A_208 : memref<128xi32, #tpu.memory_space<vmem>>)
        %dma_wait3A_211 = arith.constant 1 : i32
        %dma_wait3A_212 = arith.constant 0 : i32
        %dma_wait3A_213 = tpu.memref_slice %arg9[%dma_wait3A_211, %dma_wait3A_212] : memref<3x128xi32, #tpu.memory_space<vmem>> -> memref<1x128xi32, #tpu.memory_space<vmem>>
        %dma_wait3A_214 = tpu.memref_squeeze %dma_wait3A_213 : memref<1x128xi32, #tpu.memory_space<vmem>> -> memref<128xi32, #tpu.memory_space<vmem>>
        %dma_wait3A_215 = arith.constant 0 : i32
        %dma_wait3A_216 = tpu.memref_slice %arg4[%dma_wait3A_215] : memref<320000xi32, #tpu.memory_space<hbm>> -> memref<128xi32, #tpu.memory_space<hbm>>
        %dma_wait3A_217 = arith.constant 0 : i32
        %dma_wait3A_218 = tpu.memref_slice %arg9[%dma_wait3A_211, %dma_wait3A_217] : memref<3x128xi32, #tpu.memory_space<vmem>> -> memref<1x128xi32, #tpu.memory_space<vmem>>
        %dma_wait3A_219 = tpu.memref_squeeze %dma_wait3A_218 : memref<1x128xi32, #tpu.memory_space<vmem>> -> memref<128xi32, #tpu.memory_space<vmem>>
        %dma_wait3A_220 = arith.constant 0 : i32
        %dma_wait3A_221 = tpu.memref_slice %arg4[%dma_wait3A_220] : memref<320000xi32, #tpu.memory_space<hbm>> -> memref<128xi32, #tpu.memory_space<hbm>>
        tpu.wait_dma2 semaphore(%arg18 : memref<!tpu.dma_semaphore, #tpu.memory_space<semaphore_mem>>) src(%dma_wait3A_221 : memref<128xi32, #tpu.memory_space<hbm>>) dst(%dma_wait3A_219 : memref<128xi32, #tpu.memory_space<vmem>>)
        %dma_start3A_222 = arith.constant 1 : i32
        %dma_start3A_223 = arith.constant 1 : i32
        %dma_start3A_224 = arith.constant 0 : i32
        %dma_start3A_225 = arith.constant 0 : i32
        %dma_start3A_226 = tpu.memref_slice %arg10[%dma_start3A_223, %dma_start3A_224, %dma_start3A_225] : memref<3x128x128xf32, #tpu.memory_space<vmem>> -> memref<1x128x128xf32, #tpu.memory_space<vmem>>
        %dma_start3A_227 = tpu.memref_squeeze %dma_start3A_226 : memref<1x128x128xf32, #tpu.memory_space<vmem>> -> memref<128x128xf32, #tpu.memory_space<vmem>>
        %dma_start3A_228 = arith.constant 0 : i32
        %dma_start3A_229 = tpu.memref_slice %arg8[%dma_start3A_222, %dma_start3A_228] : memref<3x128xi32, #tpu.memory_space<vmem>> -> memref<1x128xi32, #tpu.memory_space<vmem>>
        %dma_start3A_230 = tpu.memref_squeeze %dma_start3A_229 : memref<1x128xi32, #tpu.memory_space<vmem>> -> memref<128xi32, #tpu.memory_space<vmem>>
        %dma_start3A_231 = arith.constant 0 : i32
        %dma_start3A_232 = arith.constant 0 : i32
        %dma_start3A_233 = tpu.memref_slice %arg2[%dma_start3A_231, %dma_start3A_232] : memref<10000x128xf32, #tpu.memory_space<hbm>> -> memref<10000x128xf32, #tpu.memory_space<hbm>>
        tpu.enqueue_indirect_dma source(%dma_start3A_233 : memref<10000x128xf32, #tpu.memory_space<hbm>>) target(%dma_start3A_227 : memref<128x128xf32, #tpu.memory_space<vmem>>) offsets(%dma_start3A_230 : memref<128xi32, #tpu.memory_space<vmem>>) semaphore(%arg12 : memref<!tpu.dma_semaphore, #tpu.memory_space<semaphore_mem>>)
      } else {
      }
      %lt3A_150 = arith.cmpi slt, %add3A_143, %select_n3A : i32
      %convert_element_type3A_151 = arith.extui %lt3A_150 : i1 to i32
      %cond3A_152 = arith.constant 0 : i32
      %cond3A_153 = arith.cmpi ne, %convert_element_type3A_151, %cond3A_152 : i32
      scf.if %cond3A_153 {
        %dma_wait3A_200 = arith.constant 0 : i32
        %dma_wait3A_201 = arith.constant 0 : i32
        %dma_wait3A_202 = arith.constant 0 : i32
        %dma_wait3A_203 = arith.constant 0 : i32
        %dma_wait3A_204 = tpu.memref_slice %arg10[%dma_wait3A_201, %dma_wait3A_202, %dma_wait3A_203] : memref<3x128x128xf32, #tpu.memory_space<vmem>> -> memref<1x128x128xf32, #tpu.memory_space<vmem>>
        %dma_wait3A_205 = tpu.memref_squeeze %dma_wait3A_204 : memref<1x128x128xf32, #tpu.memory_space<vmem>> -> memref<128x128xf32, #tpu.memory_space<vmem>>
        %dma_wait3A_206 = arith.constant 0 : i32
        %dma_wait3A_207 = tpu.memref_slice %arg8[%dma_wait3A_200, %dma_wait3A_206] : memref<3x128xi32, #tpu.memory_space<vmem>> -> memref<1x128xi32, #tpu.memory_space<vmem>>
        %dma_wait3A_208 = tpu.memref_squeeze %dma_wait3A_207 : memref<1x128xi32, #tpu.memory_space<vmem>> -> memref<128xi32, #tpu.memory_space<vmem>>
        %dma_wait3A_209 = arith.constant 0 : i32
        %dma_wait3A_210 = arith.constant 0 : i32
        %dma_wait3A_211 = tpu.memref_slice %arg2[%dma_wait3A_209, %dma_wait3A_210] : memref<10000x128xf32, #tpu.memory_space<hbm>> -> memref<10000x128xf32, #tpu.memory_space<hbm>>
        tpu.wait_indirect_dma semaphore(%arg11 : memref<!tpu.dma_semaphore, #tpu.memory_space<semaphore_mem>>) src(%dma_wait3A_211 : memref<10000x128xf32, #tpu.memory_space<hbm>>) dst(%dma_wait3A_205 : memref<128x128xf32, #tpu.memory_space<vmem>>)
        %dma_start3A_212 = arith.constant 0 : i32
        %dma_start3A_213 = arith.constant 0 : i32
        %dma_start3A_214 = arith.constant 0 : i32
        %dma_start3A_215 = arith.constant 0 : i32
        %dma_start3A_216 = tpu.memref_slice %arg10[%dma_start3A_212, %dma_start3A_214, %dma_start3A_215] : memref<3x128x128xf32, #tpu.memory_space<vmem>> -> memref<1x128x128xf32, #tpu.memory_space<vmem>>
        %dma_start3A_217 = tpu.memref_squeeze %dma_start3A_216 : memref<1x128x128xf32, #tpu.memory_space<vmem>> -> memref<128x128xf32, #tpu.memory_space<vmem>>
        %dma_start3A_218 = arith.constant 0 : i32
        %dma_start3A_219 = tpu.memref_slice %arg9[%dma_start3A_213, %dma_start3A_218] : memref<3x128xi32, #tpu.memory_space<vmem>> -> memref<1x128xi32, #tpu.memory_space<vmem>>
        %dma_start3A_220 = tpu.memref_squeeze %dma_start3A_219 : memref<1x128xi32, #tpu.memory_space<vmem>> -> memref<128xi32, #tpu.memory_space<vmem>>
        %dma_start3A_221 = arith.constant 0 : i32
        %dma_start3A_222 = arith.constant 0 : i32
        %dma_start3A_223 = tpu.memref_slice %arg7[%dma_start3A_221, %dma_start3A_222] : memref<10000x128xf32, #tpu.memory_space<vmem_shared>> -> memref<10000x128xf32, #tpu.memory_space<vmem_shared>>
        tpu.enqueue_indirect_dma source(%dma_start3A_217 : memref<128x128xf32, #tpu.memory_space<vmem>>) target(%dma_start3A_223 : memref<10000x128xf32, #tpu.memory_space<vmem_shared>>) offsets(%dma_start3A_220 : memref<128xi32, #tpu.memory_space<vmem>>) semaphore(%arg14 : memref<!tpu.dma_semaphore, #tpu.memory_space<semaphore_mem>>) {add = true}
      } else {
      }
      %add3A_154 = arith.constant 2 : i32
      %add3A_155 = arith.addi %add3A_143, %add3A_154 : i32
      %lt3A_156 = arith.cmpi slt, %add3A_155, %select_n3A : i32
      %convert_element_type3A_157 = arith.extui %lt3A_156 : i1 to i32
      %cond3A_158 = arith.constant 0 : i32
      %cond3A_159 = arith.cmpi ne, %convert_element_type3A_157, %cond3A_158 : i32
      scf.if %cond3A_159 {
        %ge3A = arith.constant 3 : i32
        %ge3A_200 = arith.cmpi sge, %add3A_155, %ge3A : i32
        %convert_element_type3A_201 = arith.extui %ge3A_200 : i1 to i32
        %cond3A_202 = arith.constant 0 : i32
        %cond3A_203 = arith.cmpi ne, %convert_element_type3A_201, %cond3A_202 : i32
        scf.if %cond3A_203 {
          %dma_wait3A_228 = arith.constant 2 : i32
          %dma_wait3A_229 = arith.constant 2 : i32
          %dma_wait3A_230 = arith.constant 0 : i32
          %dma_wait3A_231 = arith.constant 0 : i32
          %dma_wait3A_232 = tpu.memref_slice %arg10[%dma_wait3A_228, %dma_wait3A_230, %dma_wait3A_231] : memref<3x128x128xf32, #tpu.memory_space<vmem>> -> memref<1x128x128xf32, #tpu.memory_space<vmem>>
          %dma_wait3A_233 = tpu.memref_squeeze %dma_wait3A_232 : memref<1x128x128xf32, #tpu.memory_space<vmem>> -> memref<128x128xf32, #tpu.memory_space<vmem>>
          %dma_wait3A_234 = arith.constant 0 : i32
          %dma_wait3A_235 = tpu.memref_slice %arg9[%dma_wait3A_229, %dma_wait3A_234] : memref<3x128xi32, #tpu.memory_space<vmem>> -> memref<1x128xi32, #tpu.memory_space<vmem>>
          %dma_wait3A_236 = tpu.memref_squeeze %dma_wait3A_235 : memref<1x128xi32, #tpu.memory_space<vmem>> -> memref<128xi32, #tpu.memory_space<vmem>>
          %dma_wait3A_237 = arith.constant 0 : i32
          %dma_wait3A_238 = arith.constant 0 : i32
          %dma_wait3A_239 = tpu.memref_slice %arg7[%dma_wait3A_237, %dma_wait3A_238] : memref<10000x128xf32, #tpu.memory_space<vmem_shared>> -> memref<10000x128xf32, #tpu.memory_space<vmem_shared>>
          tpu.wait_indirect_dma semaphore(%arg16 : memref<!tpu.dma_semaphore, #tpu.memory_space<semaphore_mem>>) src(%dma_wait3A_233 : memref<128x128xf32, #tpu.memory_space<vmem>>) dst(%dma_wait3A_239 : memref<10000x128xf32, #tpu.memory_space<vmem_shared>>)
        } else {
        }
        %mul3A_204 = arith.constant 9984 : i32
        %mul3A_205 = arith.muli %add3A, %mul3A_204 : i32
        %mul3A_206 = arith.constant 128 : i32
        %mul3A_207 = arith.muli %add3A_155, %mul3A_206 : i32
        %add3A_208 = arith.addi %mul3A_205, %mul3A_207 : i32
        %multiple_of3A_209 = tpu.assume_multiple %add3A_208, 8 : i32
        %dma_start3A_210 = arith.constant 2 : i32
        %dma_start3A_211 = arith.constant 0 : i32
        %dma_start3A_212 = tpu.memref_slice %arg8[%dma_start3A_210, %dma_start3A_211] : memref<3x128xi32, #tpu.memory_space<vmem>> -> memref<1x128xi32, #tpu.memory_space<vmem>>
        %dma_start3A_213 = tpu.memref_squeeze %dma_start3A_212 : memref<1x128xi32, #tpu.memory_space<vmem>> -> memref<128xi32, #tpu.memory_space<vmem>>
        %dma_start3A_214 = tpu.memref_slice %arg3[%multiple_of3A_209] : memref<320000xi32, #tpu.memory_space<hbm>> -> memref<128xi32, #tpu.memory_space<hbm>>
        %dma_start3A_215 = arith.constant 0 : i32
        %dma_start3A_216 = tpu.memref_slice %arg8[%dma_start3A_210, %dma_start3A_215] : memref<3x128xi32, #tpu.memory_space<vmem>> -> memref<1x128xi32, #tpu.memory_space<vmem>>
        %dma_start3A_217 = tpu.memref_squeeze %dma_start3A_216 : memref<1x128xi32, #tpu.memory_space<vmem>> -> memref<128xi32, #tpu.memory_space<vmem>>
        %dma_start3A_218 = tpu.memref_slice %arg3[%multiple_of3A_209] : memref<320000xi32, #tpu.memory_space<hbm>> -> memref<128xi32, #tpu.memory_space<hbm>>
        tpu.enqueue_dma source(%dma_start3A_218 : memref<128xi32, #tpu.memory_space<hbm>>) target(%dma_start3A_217 : memref<128xi32, #tpu.memory_space<vmem>>) target_semaphore(%arg19 : memref<!tpu.dma_semaphore, #tpu.memory_space<semaphore_mem>>)
        %dma_start3A_219 = arith.constant 2 : i32
        %dma_start3A_220 = arith.constant 0 : i32
        %dma_start3A_221 = tpu.memref_slice %arg9[%dma_start3A_219, %dma_start3A_220] : memref<3x128xi32, #tpu.memory_space<vmem>> -> memref<1x128xi32, #tpu.memory_space<vmem>>
        %dma_start3A_222 = tpu.memref_squeeze %dma_start3A_221 : memref<1x128xi32, #tpu.memory_space<vmem>> -> memref<128xi32, #tpu.memory_space<vmem>>
        %dma_start3A_223 = tpu.memref_slice %arg4[%multiple_of3A_209] : memref<320000xi32, #tpu.memory_space<hbm>> -> memref<128xi32, #tpu.memory_space<hbm>>
        %dma_start3A_224 = arith.constant 0 : i32
        %dma_start3A_225 = tpu.memref_slice %arg9[%dma_start3A_219, %dma_start3A_224] : memref<3x128xi32, #tpu.memory_space<vmem>> -> memref<1x128xi32, #tpu.memory_space<vmem>>
        %dma_start3A_226 = tpu.memref_squeeze %dma_start3A_225 : memref<1x128xi32, #tpu.memory_space<vmem>> -> memref<128xi32, #tpu.memory_space<vmem>>
        %dma_start3A_227 = tpu.memref_slice %arg4[%multiple_of3A_209] : memref<320000xi32, #tpu.memory_space<hbm>> -> memref<128xi32, #tpu.memory_space<hbm>>
        tpu.enqueue_dma source(%dma_start3A_227 : memref<128xi32, #tpu.memory_space<hbm>>) target(%dma_start3A_226 : memref<128xi32, #tpu.memory_space<vmem>>) target_semaphore(%arg19 : memref<!tpu.dma_semaphore, #tpu.memory_space<semaphore_mem>>)
      } else {
      }
      %mul3A_160 = arith.constant 3 : i32
      %mul3A_161 = arith.muli %mul3A_160, %scan3A_139 : i32
      %add3A_162 = arith.constant 1 : i32
      %add3A_163 = arith.addi %mul3A_161, %add3A_162 : i32
      %add3A_164 = arith.constant 1 : i32
      %add3A_165 = arith.addi %add3A_163, %add3A_164 : i32
      %lt3A_166 = arith.cmpi slt, %add3A_165, %select_n3A : i32
      %convert_element_type3A_167 = arith.extui %lt3A_166 : i1 to i32
      %cond3A_168 = arith.constant 0 : i32
      %cond3A_169 = arith.cmpi ne, %convert_element_type3A_167, %cond3A_168 : i32
      scf.if %cond3A_169 {
        %dma_wait3A_200 = arith.constant 2 : i32
        %dma_wait3A_201 = arith.constant 0 : i32
        %dma_wait3A_202 = tpu.memref_slice %arg8[%dma_wait3A_200, %dma_wait3A_201] : memref<3x128xi32, #tpu.memory_space<vmem>> -> memref<1x128xi32, #tpu.memory_space<vmem>>
        %dma_wait3A_203 = tpu.memref_squeeze %dma_wait3A_202 : memref<1x128xi32, #tpu.memory_space<vmem>> -> memref<128xi32, #tpu.memory_space<vmem>>
        %dma_wait3A_204 = arith.constant 0 : i32
        %dma_wait3A_205 = tpu.memref_slice %arg3[%dma_wait3A_204] : memref<320000xi32, #tpu.memory_space<hbm>> -> memref<128xi32, #tpu.memory_space<hbm>>
        %dma_wait3A_206 = arith.constant 0 : i32
        %dma_wait3A_207 = tpu.memref_slice %arg8[%dma_wait3A_200, %dma_wait3A_206] : memref<3x128xi32, #tpu.memory_space<vmem>> -> memref<1x128xi32, #tpu.memory_space<vmem>>
        %dma_wait3A_208 = tpu.memref_squeeze %dma_wait3A_207 : memref<1x128xi32, #tpu.memory_space<vmem>> -> memref<128xi32, #tpu.memory_space<vmem>>
        %dma_wait3A_209 = arith.constant 0 : i32
        %dma_wait3A_210 = tpu.memref_slice %arg3[%dma_wait3A_209] : memref<320000xi32, #tpu.memory_space<hbm>> -> memref<128xi32, #tpu.memory_space<hbm>>
        tpu.wait_dma2 semaphore(%arg19 : memref<!tpu.dma_semaphore, #tpu.memory_space<semaphore_mem>>) src(%dma_wait3A_210 : memref<128xi32, #tpu.memory_space<hbm>>) dst(%dma_wait3A_208 : memref<128xi32, #tpu.memory_space<vmem>>)
        %dma_wait3A_211 = arith.constant 2 : i32
        %dma_wait3A_212 = arith.constant 0 : i32
        %dma_wait3A_213 = tpu.memref_slice %arg9[%dma_wait3A_211, %dma_wait3A_212] : memref<3x128xi32, #tpu.memory_space<vmem>> -> memref<1x128xi32, #tpu.memory_space<vmem>>
        %dma_wait3A_214 = tpu.memref_squeeze %dma_wait3A_213 : memref<1x128xi32, #tpu.memory_space<vmem>> -> memref<128xi32, #tpu.memory_space<vmem>>
        %dma_wait3A_215 = arith.constant 0 : i32
        %dma_wait3A_216 = tpu.memref_slice %arg4[%dma_wait3A_215] : memref<320000xi32, #tpu.memory_space<hbm>> -> memref<128xi32, #tpu.memory_space<hbm>>
        %dma_wait3A_217 = arith.constant 0 : i32
        %dma_wait3A_218 = tpu.memref_slice %arg9[%dma_wait3A_211, %dma_wait3A_217] : memref<3x128xi32, #tpu.memory_space<vmem>> -> memref<1x128xi32, #tpu.memory_space<vmem>>
        %dma_wait3A_219 = tpu.memref_squeeze %dma_wait3A_218 : memref<1x128xi32, #tpu.memory_space<vmem>> -> memref<128xi32, #tpu.memory_space<vmem>>
        %dma_wait3A_220 = arith.constant 0 : i32
        %dma_wait3A_221 = tpu.memref_slice %arg4[%dma_wait3A_220] : memref<320000xi32, #tpu.memory_space<hbm>> -> memref<128xi32, #tpu.memory_space<hbm>>
        tpu.wait_dma2 semaphore(%arg19 : memref<!tpu.dma_semaphore, #tpu.memory_space<semaphore_mem>>) src(%dma_wait3A_221 : memref<128xi32, #tpu.memory_space<hbm>>) dst(%dma_wait3A_219 : memref<128xi32, #tpu.memory_space<vmem>>)
        %dma_start3A_222 = arith.constant 2 : i32
        %dma_start3A_223 = arith.constant 2 : i32
        %dma_start3A_224 = arith.constant 0 : i32
        %dma_start3A_225 = arith.constant 0 : i32
        %dma_start3A_226 = tpu.memref_slice %arg10[%dma_start3A_223, %dma_start3A_224, %dma_start3A_225] : memref<3x128x128xf32, #tpu.memory_space<vmem>> -> memref<1x128x128xf32, #tpu.memory_space<vmem>>
        %dma_start3A_227 = tpu.memref_squeeze %dma_start3A_226 : memref<1x128x128xf32, #tpu.memory_space<vmem>> -> memref<128x128xf32, #tpu.memory_space<vmem>>
        %dma_start3A_228 = arith.constant 0 : i32
        %dma_start3A_229 = tpu.memref_slice %arg8[%dma_start3A_222, %dma_start3A_228] : memref<3x128xi32, #tpu.memory_space<vmem>> -> memref<1x128xi32, #tpu.memory_space<vmem>>
        %dma_start3A_230 = tpu.memref_squeeze %dma_start3A_229 : memref<1x128xi32, #tpu.memory_space<vmem>> -> memref<128xi32, #tpu.memory_space<vmem>>
        %dma_start3A_231 = arith.constant 0 : i32
        %dma_start3A_232 = arith.constant 0 : i32
        %dma_start3A_233 = tpu.memref_slice %arg2[%dma_start3A_231, %dma_start3A_232] : memref<10000x128xf32, #tpu.memory_space<hbm>> -> memref<10000x128xf32, #tpu.memory_space<hbm>>
        tpu.enqueue_indirect_dma source(%dma_start3A_233 : memref<10000x128xf32, #tpu.memory_space<hbm>>) target(%dma_start3A_227 : memref<128x128xf32, #tpu.memory_space<vmem>>) offsets(%dma_start3A_230 : memref<128xi32, #tpu.memory_space<vmem>>) semaphore(%arg13 : memref<!tpu.dma_semaphore, #tpu.memory_space<semaphore_mem>>)
      } else {
      }
      %lt3A_170 = arith.cmpi slt, %add3A_163, %select_n3A : i32
      %convert_element_type3A_171 = arith.extui %lt3A_170 : i1 to i32
      %cond3A_172 = arith.constant 0 : i32
      %cond3A_173 = arith.cmpi ne, %convert_element_type3A_171, %cond3A_172 : i32
      scf.if %cond3A_173 {
        %dma_wait3A_200 = arith.constant 1 : i32
        %dma_wait3A_201 = arith.constant 1 : i32
        %dma_wait3A_202 = arith.constant 0 : i32
        %dma_wait3A_203 = arith.constant 0 : i32
        %dma_wait3A_204 = tpu.memref_slice %arg10[%dma_wait3A_201, %dma_wait3A_202, %dma_wait3A_203] : memref<3x128x128xf32, #tpu.memory_space<vmem>> -> memref<1x128x128xf32, #tpu.memory_space<vmem>>
        %dma_wait3A_205 = tpu.memref_squeeze %dma_wait3A_204 : memref<1x128x128xf32, #tpu.memory_space<vmem>> -> memref<128x128xf32, #tpu.memory_space<vmem>>
        %dma_wait3A_206 = arith.constant 0 : i32
        %dma_wait3A_207 = tpu.memref_slice %arg8[%dma_wait3A_200, %dma_wait3A_206] : memref<3x128xi32, #tpu.memory_space<vmem>> -> memref<1x128xi32, #tpu.memory_space<vmem>>
        %dma_wait3A_208 = tpu.memref_squeeze %dma_wait3A_207 : memref<1x128xi32, #tpu.memory_space<vmem>> -> memref<128xi32, #tpu.memory_space<vmem>>
        %dma_wait3A_209 = arith.constant 0 : i32
        %dma_wait3A_210 = arith.constant 0 : i32
        %dma_wait3A_211 = tpu.memref_slice %arg2[%dma_wait3A_209, %dma_wait3A_210] : memref<10000x128xf32, #tpu.memory_space<hbm>> -> memref<10000x128xf32, #tpu.memory_space<hbm>>
        tpu.wait_indirect_dma semaphore(%arg12 : memref<!tpu.dma_semaphore, #tpu.memory_space<semaphore_mem>>) src(%dma_wait3A_211 : memref<10000x128xf32, #tpu.memory_space<hbm>>) dst(%dma_wait3A_205 : memref<128x128xf32, #tpu.memory_space<vmem>>)
        %dma_start3A_212 = arith.constant 1 : i32
        %dma_start3A_213 = arith.constant 1 : i32
        %dma_start3A_214 = arith.constant 0 : i32
        %dma_start3A_215 = arith.constant 0 : i32
        %dma_start3A_216 = tpu.memref_slice %arg10[%dma_start3A_212, %dma_start3A_214, %dma_start3A_215] : memref<3x128x128xf32, #tpu.memory_space<vmem>> -> memref<1x128x128xf32, #tpu.memory_space<vmem>>
        %dma_start3A_217 = tpu.memref_squeeze %dma_start3A_216 : memref<1x128x128xf32, #tpu.memory_space<vmem>> -> memref<128x128xf32, #tpu.memory_space<vmem>>
        %dma_start3A_218 = arith.constant 0 : i32
        %dma_start3A_219 = tpu.memref_slice %arg9[%dma_start3A_213, %dma_start3A_218] : memref<3x128xi32, #tpu.memory_space<vmem>> -> memref<1x128xi32, #tpu.memory_space<vmem>>
        %dma_start3A_220 = tpu.memref_squeeze %dma_start3A_219 : memref<1x128xi32, #tpu.memory_space<vmem>> -> memref<128xi32, #tpu.memory_space<vmem>>
        %dma_start3A_221 = arith.constant 0 : i32
        %dma_start3A_222 = arith.constant 0 : i32
        %dma_start3A_223 = tpu.memref_slice %arg7[%dma_start3A_221, %dma_start3A_222] : memref<10000x128xf32, #tpu.memory_space<vmem_shared>> -> memref<10000x128xf32, #tpu.memory_space<vmem_shared>>
        tpu.enqueue_indirect_dma source(%dma_start3A_217 : memref<128x128xf32, #tpu.memory_space<vmem>>) target(%dma_start3A_223 : memref<10000x128xf32, #tpu.memory_space<vmem_shared>>) offsets(%dma_start3A_220 : memref<128xi32, #tpu.memory_space<vmem>>) semaphore(%arg15 : memref<!tpu.dma_semaphore, #tpu.memory_space<semaphore_mem>>) {add = true}
      } else {
      }
      %add3A_174 = arith.constant 2 : i32
      %add3A_175 = arith.addi %add3A_163, %add3A_174 : i32
      %lt3A_176 = arith.cmpi slt, %add3A_175, %select_n3A : i32
      %convert_element_type3A_177 = arith.extui %lt3A_176 : i1 to i32
      %cond3A_178 = arith.constant 0 : i32
      %cond3A_179 = arith.cmpi ne, %convert_element_type3A_177, %cond3A_178 : i32
      scf.if %cond3A_179 {
        %ge3A = arith.constant 3 : i32
        %ge3A_200 = arith.cmpi sge, %add3A_175, %ge3A : i32
        %convert_element_type3A_201 = arith.extui %ge3A_200 : i1 to i32
        %cond3A_202 = arith.constant 0 : i32
        %cond3A_203 = arith.cmpi ne, %convert_element_type3A_201, %cond3A_202 : i32
        scf.if %cond3A_203 {
          %dma_wait3A_228 = arith.constant 0 : i32
          %dma_wait3A_229 = arith.constant 0 : i32
          %dma_wait3A_230 = arith.constant 0 : i32
          %dma_wait3A_231 = arith.constant 0 : i32
          %dma_wait3A_232 = tpu.memref_slice %arg10[%dma_wait3A_228, %dma_wait3A_230, %dma_wait3A_231] : memref<3x128x128xf32, #tpu.memory_space<vmem>> -> memref<1x128x128xf32, #tpu.memory_space<vmem>>
          %dma_wait3A_233 = tpu.memref_squeeze %dma_wait3A_232 : memref<1x128x128xf32, #tpu.memory_space<vmem>> -> memref<128x128xf32, #tpu.memory_space<vmem>>
          %dma_wait3A_234 = arith.constant 0 : i32
          %dma_wait3A_235 = tpu.memref_slice %arg9[%dma_wait3A_229, %dma_wait3A_234] : memref<3x128xi32, #tpu.memory_space<vmem>> -> memref<1x128xi32, #tpu.memory_space<vmem>>
          %dma_wait3A_236 = tpu.memref_squeeze %dma_wait3A_235 : memref<1x128xi32, #tpu.memory_space<vmem>> -> memref<128xi32, #tpu.memory_space<vmem>>
          %dma_wait3A_237 = arith.constant 0 : i32
          %dma_wait3A_238 = arith.constant 0 : i32
          %dma_wait3A_239 = tpu.memref_slice %arg7[%dma_wait3A_237, %dma_wait3A_238] : memref<10000x128xf32, #tpu.memory_space<vmem_shared>> -> memref<10000x128xf32, #tpu.memory_space<vmem_shared>>
          tpu.wait_indirect_dma semaphore(%arg14 : memref<!tpu.dma_semaphore, #tpu.memory_space<semaphore_mem>>) src(%dma_wait3A_233 : memref<128x128xf32, #tpu.memory_space<vmem>>) dst(%dma_wait3A_239 : memref<10000x128xf32, #tpu.memory_space<vmem_shared>>)
        } else {
        }
        %mul3A_204 = arith.constant 9984 : i32
        %mul3A_205 = arith.muli %add3A, %mul3A_204 : i32
        %mul3A_206 = arith.constant 128 : i32
        %mul3A_207 = arith.muli %add3A_175, %mul3A_206 : i32
        %add3A_208 = arith.addi %mul3A_205, %mul3A_207 : i32
        %multiple_of3A_209 = tpu.assume_multiple %add3A_208, 8 : i32
        %dma_start3A_210 = arith.constant 0 : i32
        %dma_start3A_211 = arith.constant 0 : i32
        %dma_start3A_212 = tpu.memref_slice %arg8[%dma_start3A_210, %dma_start3A_211] : memref<3x128xi32, #tpu.memory_space<vmem>> -> memref<1x128xi32, #tpu.memory_space<vmem>>
        %dma_start3A_213 = tpu.memref_squeeze %dma_start3A_212 : memref<1x128xi32, #tpu.memory_space<vmem>> -> memref<128xi32, #tpu.memory_space<vmem>>
        %dma_start3A_214 = tpu.memref_slice %arg3[%multiple_of3A_209] : memref<320000xi32, #tpu.memory_space<hbm>> -> memref<128xi32, #tpu.memory_space<hbm>>
        %dma_start3A_215 = arith.constant 0 : i32
        %dma_start3A_216 = tpu.memref_slice %arg8[%dma_start3A_210, %dma_start3A_215] : memref<3x128xi32, #tpu.memory_space<vmem>> -> memref<1x128xi32, #tpu.memory_space<vmem>>
        %dma_start3A_217 = tpu.memref_squeeze %dma_start3A_216 : memref<1x128xi32, #tpu.memory_space<vmem>> -> memref<128xi32, #tpu.memory_space<vmem>>
        %dma_start3A_218 = tpu.memref_slice %arg3[%multiple_of3A_209] : memref<320000xi32, #tpu.memory_space<hbm>> -> memref<128xi32, #tpu.memory_space<hbm>>
        tpu.enqueue_dma source(%dma_start3A_218 : memref<128xi32, #tpu.memory_space<hbm>>) target(%dma_start3A_217 : memref<128xi32, #tpu.memory_space<vmem>>) target_semaphore(%arg17 : memref<!tpu.dma_semaphore, #tpu.memory_space<semaphore_mem>>)
        %dma_start3A_219 = arith.constant 0 : i32
        %dma_start3A_220 = arith.constant 0 : i32
        %dma_start3A_221 = tpu.memref_slice %arg9[%dma_start3A_219, %dma_start3A_220] : memref<3x128xi32, #tpu.memory_space<vmem>> -> memref<1x128xi32, #tpu.memory_space<vmem>>
        %dma_start3A_222 = tpu.memref_squeeze %dma_start3A_221 : memref<1x128xi32, #tpu.memory_space<vmem>> -> memref<128xi32, #tpu.memory_space<vmem>>
        %dma_start3A_223 = tpu.memref_slice %arg4[%multiple_of3A_209] : memref<320000xi32, #tpu.memory_space<hbm>> -> memref<128xi32, #tpu.memory_space<hbm>>
        %dma_start3A_224 = arith.constant 0 : i32
        %dma_start3A_225 = tpu.memref_slice %arg9[%dma_start3A_219, %dma_start3A_224] : memref<3x128xi32, #tpu.memory_space<vmem>> -> memref<1x128xi32, #tpu.memory_space<vmem>>
        %dma_start3A_226 = tpu.memref_squeeze %dma_start3A_225 : memref<1x128xi32, #tpu.memory_space<vmem>> -> memref<128xi32, #tpu.memory_space<vmem>>
        %dma_start3A_227 = tpu.memref_slice %arg4[%multiple_of3A_209] : memref<320000xi32, #tpu.memory_space<hbm>> -> memref<128xi32, #tpu.memory_space<hbm>>
        tpu.enqueue_dma source(%dma_start3A_227 : memref<128xi32, #tpu.memory_space<hbm>>) target(%dma_start3A_226 : memref<128xi32, #tpu.memory_space<vmem>>) target_semaphore(%arg17 : memref<!tpu.dma_semaphore, #tpu.memory_space<semaphore_mem>>)
      } else {
      }
      %mul3A_180 = arith.constant 3 : i32
      %mul3A_181 = arith.muli %mul3A_180, %scan3A_139 : i32
      %add3A_182 = arith.constant 2 : i32
      %add3A_183 = arith.addi %mul3A_181, %add3A_182 : i32
      %add3A_184 = arith.constant 1 : i32
      %add3A_185 = arith.addi %add3A_183, %add3A_184 : i32
      %lt3A_186 = arith.cmpi slt, %add3A_185, %select_n3A : i32
      %convert_element_type3A_187 = arith.extui %lt3A_186 : i1 to i32
      %cond3A_188 = arith.constant 0 : i32
      %cond3A_189 = arith.cmpi ne, %convert_element_type3A_187, %cond3A_188 : i32
      scf.if %cond3A_189 {
        %dma_wait3A_200 = arith.constant 0 : i32
        %dma_wait3A_201 = arith.constant 0 : i32
        %dma_wait3A_202 = tpu.memref_slice %arg8[%dma_wait3A_200, %dma_wait3A_201] : memref<3x128xi32, #tpu.memory_space<vmem>> -> memref<1x128xi32, #tpu.memory_space<vmem>>
        %dma_wait3A_203 = tpu.memref_squeeze %dma_wait3A_202 : memref<1x128xi32, #tpu.memory_space<vmem>> -> memref<128xi32, #tpu.memory_space<vmem>>
        %dma_wait3A_204 = arith.constant 0 : i32
        %dma_wait3A_205 = tpu.memref_slice %arg3[%dma_wait3A_204] : memref<320000xi32, #tpu.memory_space<hbm>> -> memref<128xi32, #tpu.memory_space<hbm>>
        %dma_wait3A_206 = arith.constant 0 : i32
        %dma_wait3A_207 = tpu.memref_slice %arg8[%dma_wait3A_200, %dma_wait3A_206] : memref<3x128xi32, #tpu.memory_space<vmem>> -> memref<1x128xi32, #tpu.memory_space<vmem>>
        %dma_wait3A_208 = tpu.memref_squeeze %dma_wait3A_207 : memref<1x128xi32, #tpu.memory_space<vmem>> -> memref<128xi32, #tpu.memory_space<vmem>>
        %dma_wait3A_209 = arith.constant 0 : i32
        %dma_wait3A_210 = tpu.memref_slice %arg3[%dma_wait3A_209] : memref<320000xi32, #tpu.memory_space<hbm>> -> memref<128xi32, #tpu.memory_space<hbm>>
        tpu.wait_dma2 semaphore(%arg17 : memref<!tpu.dma_semaphore, #tpu.memory_space<semaphore_mem>>) src(%dma_wait3A_210 : memref<128xi32, #tpu.memory_space<hbm>>) dst(%dma_wait3A_208 : memref<128xi32, #tpu.memory_space<vmem>>)
        %dma_wait3A_211 = arith.constant 0 : i32
        %dma_wait3A_212 = arith.constant 0 : i32
        %dma_wait3A_213 = tpu.memref_slice %arg9[%dma_wait3A_211, %dma_wait3A_212] : memref<3x128xi32, #tpu.memory_space<vmem>> -> memref<1x128xi32, #tpu.memory_space<vmem>>
        %dma_wait3A_214 = tpu.memref_squeeze %dma_wait3A_213 : memref<1x128xi32, #tpu.memory_space<vmem>> -> memref<128xi32, #tpu.memory_space<vmem>>
        %dma_wait3A_215 = arith.constant 0 : i32
        %dma_wait3A_216 = tpu.memref_slice %arg4[%dma_wait3A_215] : memref<320000xi32, #tpu.memory_space<hbm>> -> memref<128xi32, #tpu.memory_space<hbm>>
        %dma_wait3A_217 = arith.constant 0 : i32
        %dma_wait3A_218 = tpu.memref_slice %arg9[%dma_wait3A_211, %dma_wait3A_217] : memref<3x128xi32, #tpu.memory_space<vmem>> -> memref<1x128xi32, #tpu.memory_space<vmem>>
        %dma_wait3A_219 = tpu.memref_squeeze %dma_wait3A_218 : memref<1x128xi32, #tpu.memory_space<vmem>> -> memref<128xi32, #tpu.memory_space<vmem>>
        %dma_wait3A_220 = arith.constant 0 : i32
        %dma_wait3A_221 = tpu.memref_slice %arg4[%dma_wait3A_220] : memref<320000xi32, #tpu.memory_space<hbm>> -> memref<128xi32, #tpu.memory_space<hbm>>
        tpu.wait_dma2 semaphore(%arg17 : memref<!tpu.dma_semaphore, #tpu.memory_space<semaphore_mem>>) src(%dma_wait3A_221 : memref<128xi32, #tpu.memory_space<hbm>>) dst(%dma_wait3A_219 : memref<128xi32, #tpu.memory_space<vmem>>)
        %dma_start3A_222 = arith.constant 0 : i32
        %dma_start3A_223 = arith.constant 0 : i32
        %dma_start3A_224 = arith.constant 0 : i32
        %dma_start3A_225 = arith.constant 0 : i32
        %dma_start3A_226 = tpu.memref_slice %arg10[%dma_start3A_223, %dma_start3A_224, %dma_start3A_225] : memref<3x128x128xf32, #tpu.memory_space<vmem>> -> memref<1x128x128xf32, #tpu.memory_space<vmem>>
        %dma_start3A_227 = tpu.memref_squeeze %dma_start3A_226 : memref<1x128x128xf32, #tpu.memory_space<vmem>> -> memref<128x128xf32, #tpu.memory_space<vmem>>
        %dma_start3A_228 = arith.constant 0 : i32
        %dma_start3A_229 = tpu.memref_slice %arg8[%dma_start3A_222, %dma_start3A_228] : memref<3x128xi32, #tpu.memory_space<vmem>> -> memref<1x128xi32, #tpu.memory_space<vmem>>
        %dma_start3A_230 = tpu.memref_squeeze %dma_start3A_229 : memref<1x128xi32, #tpu.memory_space<vmem>> -> memref<128xi32, #tpu.memory_space<vmem>>
        %dma_start3A_231 = arith.constant 0 : i32
        %dma_start3A_232 = arith.constant 0 : i32
        %dma_start3A_233 = tpu.memref_slice %arg2[%dma_start3A_231, %dma_start3A_232] : memref<10000x128xf32, #tpu.memory_space<hbm>> -> memref<10000x128xf32, #tpu.memory_space<hbm>>
        tpu.enqueue_indirect_dma source(%dma_start3A_233 : memref<10000x128xf32, #tpu.memory_space<hbm>>) target(%dma_start3A_227 : memref<128x128xf32, #tpu.memory_space<vmem>>) offsets(%dma_start3A_230 : memref<128xi32, #tpu.memory_space<vmem>>) semaphore(%arg11 : memref<!tpu.dma_semaphore, #tpu.memory_space<semaphore_mem>>)
      } else {
      }
      %lt3A_190 = arith.cmpi slt, %add3A_183, %select_n3A : i32
      %convert_element_type3A_191 = arith.extui %lt3A_190 : i1 to i32
      %cond3A_192 = arith.constant 0 : i32
      %cond3A_193 = arith.cmpi ne, %convert_element_type3A_191, %cond3A_192 : i32
      scf.if %cond3A_193 {
        %dma_wait3A_200 = arith.constant 2 : i32
        %dma_wait3A_201 = arith.constant 2 : i32
        %dma_wait3A_202 = arith.constant 0 : i32
        %dma_wait3A_203 = arith.constant 0 : i32
        %dma_wait3A_204 = tpu.memref_slice %arg10[%dma_wait3A_201, %dma_wait3A_202, %dma_wait3A_203] : memref<3x128x128xf32, #tpu.memory_space<vmem>> -> memref<1x128x128xf32, #tpu.memory_space<vmem>>
        %dma_wait3A_205 = tpu.memref_squeeze %dma_wait3A_204 : memref<1x128x128xf32, #tpu.memory_space<vmem>> -> memref<128x128xf32, #tpu.memory_space<vmem>>
        %dma_wait3A_206 = arith.constant 0 : i32
        %dma_wait3A_207 = tpu.memref_slice %arg8[%dma_wait3A_200, %dma_wait3A_206] : memref<3x128xi32, #tpu.memory_space<vmem>> -> memref<1x128xi32, #tpu.memory_space<vmem>>
        %dma_wait3A_208 = tpu.memref_squeeze %dma_wait3A_207 : memref<1x128xi32, #tpu.memory_space<vmem>> -> memref<128xi32, #tpu.memory_space<vmem>>
        %dma_wait3A_209 = arith.constant 0 : i32
        %dma_wait3A_210 = arith.constant 0 : i32
        %dma_wait3A_211 = tpu.memref_slice %arg2[%dma_wait3A_209, %dma_wait3A_210] : memref<10000x128xf32, #tpu.memory_space<hbm>> -> memref<10000x128xf32, #tpu.memory_space<hbm>>
        tpu.wait_indirect_dma semaphore(%arg13 : memref<!tpu.dma_semaphore, #tpu.memory_space<semaphore_mem>>) src(%dma_wait3A_211 : memref<10000x128xf32, #tpu.memory_space<hbm>>) dst(%dma_wait3A_205 : memref<128x128xf32, #tpu.memory_space<vmem>>)
        %dma_start3A_212 = arith.constant 2 : i32
        %dma_start3A_213 = arith.constant 2 : i32
        %dma_start3A_214 = arith.constant 0 : i32
        %dma_start3A_215 = arith.constant 0 : i32
        %dma_start3A_216 = tpu.memref_slice %arg10[%dma_start3A_212, %dma_start3A_214, %dma_start3A_215] : memref<3x128x128xf32, #tpu.memory_space<vmem>> -> memref<1x128x128xf32, #tpu.memory_space<vmem>>
        %dma_start3A_217 = tpu.memref_squeeze %dma_start3A_216 : memref<1x128x128xf32, #tpu.memory_space<vmem>> -> memref<128x128xf32, #tpu.memory_space<vmem>>
        %dma_start3A_218 = arith.constant 0 : i32
        %dma_start3A_219 = tpu.memref_slice %arg9[%dma_start3A_213, %dma_start3A_218] : memref<3x128xi32, #tpu.memory_space<vmem>> -> memref<1x128xi32, #tpu.memory_space<vmem>>
        %dma_start3A_220 = tpu.memref_squeeze %dma_start3A_219 : memref<1x128xi32, #tpu.memory_space<vmem>> -> memref<128xi32, #tpu.memory_space<vmem>>
        %dma_start3A_221 = arith.constant 0 : i32
        %dma_start3A_222 = arith.constant 0 : i32
        %dma_start3A_223 = tpu.memref_slice %arg7[%dma_start3A_221, %dma_start3A_222] : memref<10000x128xf32, #tpu.memory_space<vmem_shared>> -> memref<10000x128xf32, #tpu.memory_space<vmem_shared>>
        tpu.enqueue_indirect_dma source(%dma_start3A_217 : memref<128x128xf32, #tpu.memory_space<vmem>>) target(%dma_start3A_223 : memref<10000x128xf32, #tpu.memory_space<vmem_shared>>) offsets(%dma_start3A_220 : memref<128xi32, #tpu.memory_space<vmem>>) semaphore(%arg16 : memref<!tpu.dma_semaphore, #tpu.memory_space<semaphore_mem>>) {add = true}
      } else {
      }
      %add3A_194 = arith.constant 2 : i32
      %add3A_195 = arith.addi %add3A_183, %add3A_194 : i32
      %lt3A_196 = arith.cmpi slt, %add3A_195, %select_n3A : i32
      %convert_element_type3A_197 = arith.extui %lt3A_196 : i1 to i32
      %cond3A_198 = arith.constant 0 : i32
      %cond3A_199 = arith.cmpi ne, %convert_element_type3A_197, %cond3A_198 : i32
      scf.if %cond3A_199 {
        %ge3A = arith.constant 3 : i32
        %ge3A_200 = arith.cmpi sge, %add3A_195, %ge3A : i32
        %convert_element_type3A_201 = arith.extui %ge3A_200 : i1 to i32
        %cond3A_202 = arith.constant 0 : i32
        %cond3A_203 = arith.cmpi ne, %convert_element_type3A_201, %cond3A_202 : i32
        scf.if %cond3A_203 {
          %dma_wait3A_228 = arith.constant 1 : i32
          %dma_wait3A_229 = arith.constant 1 : i32
          %dma_wait3A_230 = arith.constant 0 : i32
          %dma_wait3A_231 = arith.constant 0 : i32
          %dma_wait3A_232 = tpu.memref_slice %arg10[%dma_wait3A_228, %dma_wait3A_230, %dma_wait3A_231] : memref<3x128x128xf32, #tpu.memory_space<vmem>> -> memref<1x128x128xf32, #tpu.memory_space<vmem>>
          %dma_wait3A_233 = tpu.memref_squeeze %dma_wait3A_232 : memref<1x128x128xf32, #tpu.memory_space<vmem>> -> memref<128x128xf32, #tpu.memory_space<vmem>>
          %dma_wait3A_234 = arith.constant 0 : i32
          %dma_wait3A_235 = tpu.memref_slice %arg9[%dma_wait3A_229, %dma_wait3A_234] : memref<3x128xi32, #tpu.memory_space<vmem>> -> memref<1x128xi32, #tpu.memory_space<vmem>>
          %dma_wait3A_236 = tpu.memref_squeeze %dma_wait3A_235 : memref<1x128xi32, #tpu.memory_space<vmem>> -> memref<128xi32, #tpu.memory_space<vmem>>
          %dma_wait3A_237 = arith.constant 0 : i32
          %dma_wait3A_238 = arith.constant 0 : i32
          %dma_wait3A_239 = tpu.memref_slice %arg7[%dma_wait3A_237, %dma_wait3A_238] : memref<10000x128xf32, #tpu.memory_space<vmem_shared>> -> memref<10000x128xf32, #tpu.memory_space<vmem_shared>>
          tpu.wait_indirect_dma semaphore(%arg15 : memref<!tpu.dma_semaphore, #tpu.memory_space<semaphore_mem>>) src(%dma_wait3A_233 : memref<128x128xf32, #tpu.memory_space<vmem>>) dst(%dma_wait3A_239 : memref<10000x128xf32, #tpu.memory_space<vmem_shared>>)
        } else {
        }
        %mul3A_204 = arith.constant 9984 : i32
        %mul3A_205 = arith.muli %add3A, %mul3A_204 : i32
        %mul3A_206 = arith.constant 128 : i32
        %mul3A_207 = arith.muli %add3A_195, %mul3A_206 : i32
        %add3A_208 = arith.addi %mul3A_205, %mul3A_207 : i32
        %multiple_of3A_209 = tpu.assume_multiple %add3A_208, 8 : i32
        %dma_start3A_210 = arith.constant 1 : i32
        %dma_start3A_211 = arith.constant 0 : i32
        %dma_start3A_212 = tpu.memref_slice %arg8[%dma_start3A_210, %dma_start3A_211] : memref<3x128xi32, #tpu.memory_space<vmem>> -> memref<1x128xi32, #tpu.memory_space<vmem>>
        %dma_start3A_213 = tpu.memref_squeeze %dma_start3A_212 : memref<1x128xi32, #tpu.memory_space<vmem>> -> memref<128xi32, #tpu.memory_space<vmem>>
        %dma_start3A_214 = tpu.memref_slice %arg3[%multiple_of3A_209] : memref<320000xi32, #tpu.memory_space<hbm>> -> memref<128xi32, #tpu.memory_space<hbm>>
        %dma_start3A_215 = arith.constant 0 : i32
        %dma_start3A_216 = tpu.memref_slice %arg8[%dma_start3A_210, %dma_start3A_215] : memref<3x128xi32, #tpu.memory_space<vmem>> -> memref<1x128xi32, #tpu.memory_space<vmem>>
        %dma_start3A_217 = tpu.memref_squeeze %dma_start3A_216 : memref<1x128xi32, #tpu.memory_space<vmem>> -> memref<128xi32, #tpu.memory_space<vmem>>
        %dma_start3A_218 = tpu.memref_slice %arg3[%multiple_of3A_209] : memref<320000xi32, #tpu.memory_space<hbm>> -> memref<128xi32, #tpu.memory_space<hbm>>
        tpu.enqueue_dma source(%dma_start3A_218 : memref<128xi32, #tpu.memory_space<hbm>>) target(%dma_start3A_217 : memref<128xi32, #tpu.memory_space<vmem>>) target_semaphore(%arg18 : memref<!tpu.dma_semaphore, #tpu.memory_space<semaphore_mem>>)
        %dma_start3A_219 = arith.constant 1 : i32
        %dma_start3A_220 = arith.constant 0 : i32
        %dma_start3A_221 = tpu.memref_slice %arg9[%dma_start3A_219, %dma_start3A_220] : memref<3x128xi32, #tpu.memory_space<vmem>> -> memref<1x128xi32, #tpu.memory_space<vmem>>
        %dma_start3A_222 = tpu.memref_squeeze %dma_start3A_221 : memref<1x128xi32, #tpu.memory_space<vmem>> -> memref<128xi32, #tpu.memory_space<vmem>>
        %dma_start3A_223 = tpu.memref_slice %arg4[%multiple_of3A_209] : memref<320000xi32, #tpu.memory_space<hbm>> -> memref<128xi32, #tpu.memory_space<hbm>>
        %dma_start3A_224 = arith.constant 0 : i32
        %dma_start3A_225 = tpu.memref_slice %arg9[%dma_start3A_219, %dma_start3A_224] : memref<3x128xi32, #tpu.memory_space<vmem>> -> memref<1x128xi32, #tpu.memory_space<vmem>>
        %dma_start3A_226 = tpu.memref_squeeze %dma_start3A_225 : memref<1x128xi32, #tpu.memory_space<vmem>> -> memref<128xi32, #tpu.memory_space<vmem>>
        %dma_start3A_227 = tpu.memref_slice %arg4[%multiple_of3A_209] : memref<320000xi32, #tpu.memory_space<hbm>> -> memref<128xi32, #tpu.memory_space<hbm>>
        tpu.enqueue_dma source(%dma_start3A_227 : memref<128xi32, #tpu.memory_space<hbm>>) target(%dma_start3A_226 : memref<128xi32, #tpu.memory_space<vmem>>) target_semaphore(%arg18 : memref<!tpu.dma_semaphore, #tpu.memory_space<semaphore_mem>>)
      } else {
      }
    }
    %scan3A_91 = arith.constant 28 : i32
    %dma_wait3A_92 = arith.constant 0 : i32
    %dma_wait3A_93 = arith.constant 0 : i32
    %dma_wait3A_94 = arith.constant 0 : i32
    %dma_wait3A_95 = arith.constant 0 : i32
    %dma_wait3A_96 = tpu.memref_slice %arg10[%dma_wait3A_92, %dma_wait3A_94, %dma_wait3A_95] : memref<3x128x128xf32, #tpu.memory_space<vmem>> -> memref<1x128x128xf32, #tpu.memory_space<vmem>>
    %dma_wait3A_97 = tpu.memref_squeeze %dma_wait3A_96 : memref<1x128x128xf32, #tpu.memory_space<vmem>> -> memref<128x128xf32, #tpu.memory_space<vmem>>
    %dma_wait3A_98 = arith.constant 0 : i32
    %dma_wait3A_99 = tpu.memref_slice %arg9[%dma_wait3A_93, %dma_wait3A_98] : memref<3x128xi32, #tpu.memory_space<vmem>> -> memref<1x128xi32, #tpu.memory_space<vmem>>
    %dma_wait3A_100 = tpu.memref_squeeze %dma_wait3A_99 : memref<1x128xi32, #tpu.memory_space<vmem>> -> memref<128xi32, #tpu.memory_space<vmem>>
    %dma_wait3A_101 = arith.constant 0 : i32
    %dma_wait3A_102 = arith.constant 0 : i32
    %dma_wait3A_103 = tpu.memref_slice %arg7[%dma_wait3A_101, %dma_wait3A_102] : memref<10000x128xf32, #tpu.memory_space<vmem_shared>> -> memref<10000x128xf32, #tpu.memory_space<vmem_shared>>
    tpu.wait_indirect_dma semaphore(%arg14 : memref<!tpu.dma_semaphore, #tpu.memory_space<semaphore_mem>>) src(%dma_wait3A_97 : memref<128x128xf32, #tpu.memory_space<vmem>>) dst(%dma_wait3A_103 : memref<10000x128xf32, #tpu.memory_space<vmem_shared>>)
    %dma_wait3A_104 = arith.constant 1 : i32
    %dma_wait3A_105 = arith.constant 1 : i32
    %dma_wait3A_106 = arith.constant 0 : i32
    %dma_wait3A_107 = arith.constant 0 : i32
    %dma_wait3A_108 = tpu.memref_slice %arg10[%dma_wait3A_104, %dma_wait3A_106, %dma_wait3A_107] : memref<3x128x128xf32, #tpu.memory_space<vmem>> -> memref<1x128x128xf32, #tpu.memory_space<vmem>>
    %dma_wait3A_109 = tpu.memref_squeeze %dma_wait3A_108 : memref<1x128x128xf32, #tpu.memory_space<vmem>> -> memref<128x128xf32, #tpu.memory_space<vmem>>
    %dma_wait3A_110 = arith.constant 0 : i32
    %dma_wait3A_111 = tpu.memref_slice %arg9[%dma_wait3A_105, %dma_wait3A_110] : memref<3x128xi32, #tpu.memory_space<vmem>> -> memref<1x128xi32, #tpu.memory_space<vmem>>
    %dma_wait3A_112 = tpu.memref_squeeze %dma_wait3A_111 : memref<1x128xi32, #tpu.memory_space<vmem>> -> memref<128xi32, #tpu.memory_space<vmem>>
    %dma_wait3A_113 = arith.constant 0 : i32
    %dma_wait3A_114 = arith.constant 0 : i32
    %dma_wait3A_115 = tpu.memref_slice %arg7[%dma_wait3A_113, %dma_wait3A_114] : memref<10000x128xf32, #tpu.memory_space<vmem_shared>> -> memref<10000x128xf32, #tpu.memory_space<vmem_shared>>
    tpu.wait_indirect_dma semaphore(%arg15 : memref<!tpu.dma_semaphore, #tpu.memory_space<semaphore_mem>>) src(%dma_wait3A_109 : memref<128x128xf32, #tpu.memory_space<vmem>>) dst(%dma_wait3A_115 : memref<10000x128xf32, #tpu.memory_space<vmem_shared>>)
    %dma_wait3A_116 = arith.constant 2 : i32
    %dma_wait3A_117 = arith.constant 2 : i32
    %dma_wait3A_118 = arith.constant 0 : i32
    %dma_wait3A_119 = arith.constant 0 : i32
    %dma_wait3A_120 = tpu.memref_slice %arg10[%dma_wait3A_116, %dma_wait3A_118, %dma_wait3A_119] : memref<3x128x128xf32, #tpu.memory_space<vmem>> -> memref<1x128x128xf32, #tpu.memory_space<vmem>>
    %dma_wait3A_121 = tpu.memref_squeeze %dma_wait3A_120 : memref<1x128x128xf32, #tpu.memory_space<vmem>> -> memref<128x128xf32, #tpu.memory_space<vmem>>
    %dma_wait3A_122 = arith.constant 0 : i32
    %dma_wait3A_123 = tpu.memref_slice %arg9[%dma_wait3A_117, %dma_wait3A_122] : memref<3x128xi32, #tpu.memory_space<vmem>> -> memref<1x128xi32, #tpu.memory_space<vmem>>
    %dma_wait3A_124 = tpu.memref_squeeze %dma_wait3A_123 : memref<1x128xi32, #tpu.memory_space<vmem>> -> memref<128xi32, #tpu.memory_space<vmem>>
    %dma_wait3A_125 = arith.constant 0 : i32
    %dma_wait3A_126 = arith.constant 0 : i32
    %dma_wait3A_127 = tpu.memref_slice %arg7[%dma_wait3A_125, %dma_wait3A_126] : memref<10000x128xf32, #tpu.memory_space<vmem_shared>> -> memref<10000x128xf32, #tpu.memory_space<vmem_shared>>
    tpu.wait_indirect_dma semaphore(%arg16 : memref<!tpu.dma_semaphore, #tpu.memory_space<semaphore_mem>>) src(%dma_wait3A_121 : memref<128x128xf32, #tpu.memory_space<vmem>>) dst(%dma_wait3A_127 : memref<10000x128xf32, #tpu.memory_space<vmem_shared>>)
    %barrier3A_128 = arith.constant 0 : index
    tpu.barrier barrier_id(%barrier3A_128)
    %lt3A_129 = arith.constant 15 : i32
    %lt3A_130 = arith.cmpi slt, %arg1, %lt3A_129 : i32
    %convert_element_type3A_131 = arith.extui %lt3A_130 : i1 to i32
    %cond3A_132 = arith.constant 0 : i32
    %cond3A_133 = arith.cmpi ne, %convert_element_type3A_131, %cond3A_132 : i32
    scf.if %cond3A_133 {
      %mul3A_139 = arith.constant 624 : i32
      %mul3A_140 = arith.muli %arg1, %mul3A_139 : i32
      %multiple_of3A_141 = tpu.assume_multiple %mul3A_140, 8 : i32
      %mul3A_142 = arith.constant 10000 : i32
      %mul3A_143 = arith.muli %arg0, %mul3A_142 : i32
      %add3A_144 = arith.addi %mul3A_143, %multiple_of3A_141 : i32
      %multiple_of3A_145 = tpu.assume_multiple %add3A_144, 8 : i32
      "tpu.region"() ({
        %run_scoped3A = tpu.sem_alloc : memref<!tpu.dma_semaphore, #tpu.memory_space<semaphore_mem>>
        %dma_start3A_146 = arith.constant 0 : i32
        %dma_start3A_147 = tpu.memref_slice %arg6[%multiple_of3A_145, %dma_start3A_146] : memref<20000x128xf32, #tpu.memory_space<hbm>> -> memref<624x128xf32, #tpu.memory_space<hbm>>
        %dma_start3A_148 = arith.constant 0 : i32
        %dma_start3A_149 = tpu.memref_slice %arg7[%multiple_of3A_141, %dma_start3A_148] : memref<10000x128xf32, #tpu.memory_space<vmem_shared>> -> memref<624x128xf32, #tpu.memory_space<vmem_shared>>
        tpu.enqueue_dma source(%dma_start3A_149 : memref<624x128xf32, #tpu.memory_space<vmem_shared>>) target(%dma_start3A_147 : memref<624x128xf32, #tpu.memory_space<hbm>>) target_semaphore(%run_scoped3A : memref<!tpu.dma_semaphore, #tpu.memory_space<semaphore_mem>>)
        %dma_wait3A_150 = arith.constant 0 : i32
        %dma_wait3A_151 = tpu.memref_slice %arg6[%multiple_of3A_145, %dma_wait3A_150] : memref<20000x128xf32, #tpu.memory_space<hbm>> -> memref<624x128xf32, #tpu.memory_space<hbm>>
        %dma_wait3A_152 = arith.constant 0 : i32
        %dma_wait3A_153 = tpu.memref_slice %arg7[%multiple_of3A_141, %dma_wait3A_152] : memref<10000x128xf32, #tpu.memory_space<vmem_shared>> -> memref<624x128xf32, #tpu.memory_space<vmem_shared>>
        tpu.wait_dma2 semaphore(%run_scoped3A : memref<!tpu.dma_semaphore, #tpu.memory_space<semaphore_mem>>) src(%dma_wait3A_153 : memref<624x128xf32, #tpu.memory_space<vmem_shared>>) dst(%dma_wait3A_151 : memref<624x128xf32, #tpu.memory_space<hbm>>)
        tpu.yield
      }) : () -> ()
    } else {
    }
    %eq3A_134 = arith.constant 15 : i32
    %eq3A_135 = arith.cmpi eq, %arg1, %eq3A_134 : i32
    %convert_element_type3A_136 = arith.extui %eq3A_135 : i1 to i32
    %cond3A_137 = arith.constant 0 : i32
    %cond3A_138 = arith.cmpi ne, %convert_element_type3A_136, %cond3A_137 : i32
    scf.if %cond3A_138 {
      %mul3A_139 = arith.constant 10000 : i32
      %mul3A_140 = arith.muli %arg0, %mul3A_139 : i32
      %add3A_141 = arith.constant 9360 : i32
      %add3A_142 = arith.addi %mul3A_140, %add3A_141 : i32
      %multiple_of3A_143 = tpu.assume_multiple %add3A_142, 8 : i32
      "tpu.region"() ({
        %run_scoped3A = tpu.sem_alloc : memref<!tpu.dma_semaphore, #tpu.memory_space<semaphore_mem>>
        %dma_start3A_144 = arith.constant 0 : i32
        %dma_start3A_145 = tpu.memref_slice %arg6[%multiple_of3A_143, %dma_start3A_144] : memref<20000x128xf32, #tpu.memory_space<hbm>> -> memref<640x128xf32, #tpu.memory_space<hbm>>
        %dma_start3A_146 = arith.constant 9360 : i32
        %dma_start3A_147 = arith.constant 0 : i32
        %dma_start3A_148 = tpu.memref_slice %arg7[%dma_start3A_146, %dma_start3A_147] : memref<10000x128xf32, #tpu.memory_space<vmem_shared>> -> memref<640x128xf32, #tpu.memory_space<vmem_shared>>
        tpu.enqueue_dma source(%dma_start3A_148 : memref<640x128xf32, #tpu.memory_space<vmem_shared>>) target(%dma_start3A_145 : memref<640x128xf32, #tpu.memory_space<hbm>>) target_semaphore(%run_scoped3A : memref<!tpu.dma_semaphore, #tpu.memory_space<semaphore_mem>>)
        %dma_wait3A_149 = arith.constant 0 : i32
        %dma_wait3A_150 = tpu.memref_slice %arg6[%multiple_of3A_143, %dma_wait3A_149] : memref<20000x128xf32, #tpu.memory_space<hbm>> -> memref<640x128xf32, #tpu.memory_space<hbm>>
        %dma_wait3A_151 = arith.constant 9360 : i32
        %dma_wait3A_152 = arith.constant 0 : i32
        %dma_wait3A_153 = tpu.memref_slice %arg7[%dma_wait3A_151, %dma_wait3A_152] : memref<10000x128xf32, #tpu.memory_space<vmem_shared>> -> memref<640x128xf32, #tpu.memory_space<vmem_shared>>
        tpu.wait_dma2 semaphore(%run_scoped3A : memref<!tpu.dma_semaphore, #tpu.memory_space<semaphore_mem>>) src(%dma_wait3A_153 : memref<640x128xf32, #tpu.memory_space<vmem_shared>>) dst(%dma_wait3A_150 : memref<640x128xf32, #tpu.memory_space<hbm>>)
        tpu.yield
      }) : () -> ()
    } else {
    }
    return
  }
}

#map = affine_map<(d0, d1) -> (0)>
#map1 = affine_map<(d0, d1) -> (0, 0)>
module attributes {stable_mosaic.version = 14 : i64} {
  func.func @deg_kernel(%arg0: i32, %arg1: i32, %arg2: memref<320000xi32, #tpu.memory_space<hbm>>, %arg3: memref<128x128xf32, #tpu.memory_space<hbm>>, %arg4: memref<10000x128xf32, #tpu.memory_space<hbm>>, %arg5: memref<20000x128xf32, #tpu.memory_space<hbm>>, %arg6: memref<10000x128xf32, #tpu.memory_space<vmem_shared>>, %arg7: memref<3x128xi32, #tpu.memory_space<vmem>>, %arg8: memref<128x128xf32, #tpu.memory_space<vmem>>, %arg9: memref<!tpu.dma_semaphore, #tpu.memory_space<semaphore_mem>>, %arg10: memref<!tpu.dma_semaphore, #tpu.memory_space<semaphore_mem>>, %arg11: memref<!tpu.dma_semaphore, #tpu.memory_space<semaphore_mem>>, %arg12: memref<!tpu.dma_semaphore, #tpu.memory_space<semaphore_mem>>, %arg13: memref<!tpu.dma_semaphore, #tpu.memory_space<semaphore_mem>>, %arg14: memref<!tpu.dma_semaphore, #tpu.memory_space<semaphore_mem>>) attributes {dimension_semantics = [#tpu.dimension_semantics<core_parallel>, #tpu.dimension_semantics<subcore_parallel>], iteration_bounds = array<i64: 2, 16>, scalar_prefetch = 0 : i64, scratch_operands = 9 : i64, tpu.core_type = #tpu.core_type<sc_vector_subcore>, window_params = [{transform_indices = #map}, {transform_indices = #map1}, {transform_indices = #map1}, {transform_indices = #map1}]} {
    %mul3A = arith.constant 2 : i32
    %mul3A_0 = arith.muli %arg1, %mul3A : i32
    %add3A = arith.addi %mul3A_0, %arg0 : i32
    %eq3A = arith.constant 31 : i32
    %eq3A_1 = arith.cmpi eq, %add3A, %eq3A : i32
    %jit3A = arith.constant 82 : i32
    %jit3A_2 = arith.constant 78 : i32
    %select_n3A = arith.select %eq3A_1, %jit3A, %jit3A_2 : i32
    "tpu.region"() ({
      %run_scoped3A = tpu.sem_alloc : memref<!tpu.dma_semaphore, #tpu.memory_space<semaphore_mem>>
      tpu.enqueue_dma source(%arg3 : memref<128x128xf32, #tpu.memory_space<hbm>>) target(%arg8 : memref<128x128xf32, #tpu.memory_space<vmem>>) target_semaphore(%run_scoped3A : memref<!tpu.dma_semaphore, #tpu.memory_space<semaphore_mem>>)
      tpu.wait_dma2 semaphore(%run_scoped3A : memref<!tpu.dma_semaphore, #tpu.memory_space<semaphore_mem>>) src(%arg3 : memref<128x128xf32, #tpu.memory_space<hbm>>) dst(%arg8 : memref<128x128xf32, #tpu.memory_space<vmem>>)
      tpu.yield
    }) : () -> ()
    %lt3A = arith.constant 15 : i32
    %lt3A_3 = arith.cmpi slt, %arg1, %lt3A : i32
    %convert_element_type3A = arith.extui %lt3A_3 : i1 to i32
    %cond3A = arith.constant 0 : i32
    %cond3A_4 = arith.cmpi ne, %convert_element_type3A, %cond3A : i32
    scf.if %cond3A_4 {
      %mul3A_72 = arith.constant 624 : i32
      %mul3A_73 = arith.muli %arg1, %mul3A_72 : i32
      %multiple_of3A_74 = tpu.assume_multiple %mul3A_73, 8 : i32
      "tpu.region"() ({
        %run_scoped3A = tpu.sem_alloc : memref<!tpu.dma_semaphore, #tpu.memory_space<semaphore_mem>>
        %dma_start3A_75 = arith.constant 0 : i32
        %dma_start3A_76 = tpu.memref_slice %arg6[%multiple_of3A_74, %dma_start3A_75] : memref<10000x128xf32, #tpu.memory_space<vmem_shared>> -> memref<624x128xf32, #tpu.memory_space<vmem_shared>>
        %dma_start3A_77 = arith.constant 0 : i32
        %dma_start3A_78 = tpu.memref_slice %arg4[%multiple_of3A_74, %dma_start3A_77] : memref<10000x128xf32, #tpu.memory_space<hbm>> -> memref<624x128xf32, #tpu.memory_space<hbm>>
        tpu.enqueue_dma source(%dma_start3A_78 : memref<624x128xf32, #tpu.memory_space<hbm>>) target(%dma_start3A_76 : memref<624x128xf32, #tpu.memory_space<vmem_shared>>) target_semaphore(%run_scoped3A : memref<!tpu.dma_semaphore, #tpu.memory_space<semaphore_mem>>)
        %dma_wait3A_79 = arith.constant 0 : i32
        %dma_wait3A_80 = tpu.memref_slice %arg6[%multiple_of3A_74, %dma_wait3A_79] : memref<10000x128xf32, #tpu.memory_space<vmem_shared>> -> memref<624x128xf32, #tpu.memory_space<vmem_shared>>
        %dma_wait3A_81 = arith.constant 0 : i32
        %dma_wait3A_82 = tpu.memref_slice %arg4[%multiple_of3A_74, %dma_wait3A_81] : memref<10000x128xf32, #tpu.memory_space<hbm>> -> memref<624x128xf32, #tpu.memory_space<hbm>>
        tpu.wait_dma2 semaphore(%run_scoped3A : memref<!tpu.dma_semaphore, #tpu.memory_space<semaphore_mem>>) src(%dma_wait3A_82 : memref<624x128xf32, #tpu.memory_space<hbm>>) dst(%dma_wait3A_80 : memref<624x128xf32, #tpu.memory_space<vmem_shared>>)
        tpu.yield
      }) : () -> ()
    } else {
    }
    %eq3A_5 = arith.constant 15 : i32
    %eq3A_6 = arith.cmpi eq, %arg1, %eq3A_5 : i32
    %convert_element_type3A_7 = arith.extui %eq3A_6 : i1 to i32
    %cond3A_8 = arith.constant 0 : i32
    %cond3A_9 = arith.cmpi ne, %convert_element_type3A_7, %cond3A_8 : i32
    scf.if %cond3A_9 {
      "tpu.region"() ({
        %run_scoped3A = tpu.sem_alloc : memref<!tpu.dma_semaphore, #tpu.memory_space<semaphore_mem>>
        %dma_start3A_72 = arith.constant 9360 : i32
        %dma_start3A_73 = arith.constant 0 : i32
        %dma_start3A_74 = tpu.memref_slice %arg6[%dma_start3A_72, %dma_start3A_73] : memref<10000x128xf32, #tpu.memory_space<vmem_shared>> -> memref<640x128xf32, #tpu.memory_space<vmem_shared>>
        %dma_start3A_75 = arith.constant 9360 : i32
        %dma_start3A_76 = arith.constant 0 : i32
        %dma_start3A_77 = tpu.memref_slice %arg4[%dma_start3A_75, %dma_start3A_76] : memref<10000x128xf32, #tpu.memory_space<hbm>> -> memref<640x128xf32, #tpu.memory_space<hbm>>
        tpu.enqueue_dma source(%dma_start3A_77 : memref<640x128xf32, #tpu.memory_space<hbm>>) target(%dma_start3A_74 : memref<640x128xf32, #tpu.memory_space<vmem_shared>>) target_semaphore(%run_scoped3A : memref<!tpu.dma_semaphore, #tpu.memory_space<semaphore_mem>>)
        %dma_wait3A_78 = arith.constant 9360 : i32
        %dma_wait3A_79 = arith.constant 0 : i32
        %dma_wait3A_80 = tpu.memref_slice %arg6[%dma_wait3A_78, %dma_wait3A_79] : memref<10000x128xf32, #tpu.memory_space<vmem_shared>> -> memref<640x128xf32, #tpu.memory_space<vmem_shared>>
        %dma_wait3A_81 = arith.constant 9360 : i32
        %dma_wait3A_82 = arith.constant 0 : i32
        %dma_wait3A_83 = tpu.memref_slice %arg4[%dma_wait3A_81, %dma_wait3A_82] : memref<10000x128xf32, #tpu.memory_space<hbm>> -> memref<640x128xf32, #tpu.memory_space<hbm>>
        tpu.wait_dma2 semaphore(%run_scoped3A : memref<!tpu.dma_semaphore, #tpu.memory_space<semaphore_mem>>) src(%dma_wait3A_83 : memref<640x128xf32, #tpu.memory_space<hbm>>) dst(%dma_wait3A_80 : memref<640x128xf32, #tpu.memory_space<vmem_shared>>)
        tpu.yield
      }) : () -> ()
    } else {
    }
    %barrier3A = arith.constant 0 : index
    tpu.barrier barrier_id(%barrier3A)
    %mul3A_10 = arith.constant 9984 : i32
    %mul3A_11 = arith.muli %add3A, %mul3A_10 : i32
    %add3A_12 = arith.constant 0 : i32
    %add3A_13 = arith.addi %mul3A_11, %add3A_12 : i32
    %multiple_of3A = tpu.assume_multiple %add3A_13, 8 : i32
    %dma_start3A = arith.constant 0 : i32
    %dma_start3A_14 = arith.constant 0 : i32
    %dma_start3A_15 = tpu.memref_slice %arg7[%dma_start3A, %dma_start3A_14] : memref<3x128xi32, #tpu.memory_space<vmem>> -> memref<1x128xi32, #tpu.memory_space<vmem>>
    %dma_start3A_16 = tpu.memref_squeeze %dma_start3A_15 : memref<1x128xi32, #tpu.memory_space<vmem>> -> memref<128xi32, #tpu.memory_space<vmem>>
    %dma_start3A_17 = tpu.memref_slice %arg2[%multiple_of3A] : memref<320000xi32, #tpu.memory_space<hbm>> -> memref<128xi32, #tpu.memory_space<hbm>>
    %dma_start3A_18 = arith.constant 0 : i32
    %dma_start3A_19 = tpu.memref_slice %arg7[%dma_start3A, %dma_start3A_18] : memref<3x128xi32, #tpu.memory_space<vmem>> -> memref<1x128xi32, #tpu.memory_space<vmem>>
    %dma_start3A_20 = tpu.memref_squeeze %dma_start3A_19 : memref<1x128xi32, #tpu.memory_space<vmem>> -> memref<128xi32, #tpu.memory_space<vmem>>
    %dma_start3A_21 = tpu.memref_slice %arg2[%multiple_of3A] : memref<320000xi32, #tpu.memory_space<hbm>> -> memref<128xi32, #tpu.memory_space<hbm>>
    tpu.enqueue_dma source(%dma_start3A_21 : memref<128xi32, #tpu.memory_space<hbm>>) target(%dma_start3A_20 : memref<128xi32, #tpu.memory_space<vmem>>) target_semaphore(%arg12 : memref<!tpu.dma_semaphore, #tpu.memory_space<semaphore_mem>>)
    %mul3A_22 = arith.constant 9984 : i32
    %mul3A_23 = arith.muli %add3A, %mul3A_22 : i32
    %add3A_24 = arith.constant 128 : i32
    %add3A_25 = arith.addi %mul3A_23, %add3A_24 : i32
    %multiple_of3A_26 = tpu.assume_multiple %add3A_25, 8 : i32
    %dma_start3A_27 = arith.constant 1 : i32
    %dma_start3A_28 = arith.constant 0 : i32
    %dma_start3A_29 = tpu.memref_slice %arg7[%dma_start3A_27, %dma_start3A_28] : memref<3x128xi32, #tpu.memory_space<vmem>> -> memref<1x128xi32, #tpu.memory_space<vmem>>
    %dma_start3A_30 = tpu.memref_squeeze %dma_start3A_29 : memref<1x128xi32, #tpu.memory_space<vmem>> -> memref<128xi32, #tpu.memory_space<vmem>>
    %dma_start3A_31 = tpu.memref_slice %arg2[%multiple_of3A_26] : memref<320000xi32, #tpu.memory_space<hbm>> -> memref<128xi32, #tpu.memory_space<hbm>>
    %dma_start3A_32 = arith.constant 0 : i32
    %dma_start3A_33 = tpu.memref_slice %arg7[%dma_start3A_27, %dma_start3A_32] : memref<3x128xi32, #tpu.memory_space<vmem>> -> memref<1x128xi32, #tpu.memory_space<vmem>>
    %dma_start3A_34 = tpu.memref_squeeze %dma_start3A_33 : memref<1x128xi32, #tpu.memory_space<vmem>> -> memref<128xi32, #tpu.memory_space<vmem>>
    %dma_start3A_35 = tpu.memref_slice %arg2[%multiple_of3A_26] : memref<320000xi32, #tpu.memory_space<hbm>> -> memref<128xi32, #tpu.memory_space<hbm>>
    tpu.enqueue_dma source(%dma_start3A_35 : memref<128xi32, #tpu.memory_space<hbm>>) target(%dma_start3A_34 : memref<128xi32, #tpu.memory_space<vmem>>) target_semaphore(%arg13 : memref<!tpu.dma_semaphore, #tpu.memory_space<semaphore_mem>>)
    %scan3A = arith.constant 0 : i32
    %scan3A_36 = arith.constant 0 : i32
    %scan3A_37 = arith.constant 28 : i32
    %scan3A_38 = arith.addi %scan3A_36, %scan3A_37 : i32
    %scan3A_39 = arith.constant 1 : i32
    scf.for %scan3A_72 = %scan3A_36 to %scan3A_38 step %scan3A_39  : i32 {
      %mul3A_73 = arith.constant 3 : i32
      %mul3A_74 = arith.muli %mul3A_73, %scan3A_72 : i32
      %add3A_75 = arith.constant 0 : i32
      %add3A_76 = arith.addi %mul3A_74, %add3A_75 : i32
      %lt3A_77 = arith.cmpi slt, %add3A_76, %select_n3A : i32
      %convert_element_type3A_78 = arith.extui %lt3A_77 : i1 to i32
      %cond3A_79 = arith.constant 0 : i32
      %cond3A_80 = arith.cmpi ne, %convert_element_type3A_78, %cond3A_79 : i32
      scf.if %cond3A_80 {
        %dma_wait3A_120 = arith.constant 0 : i32
        %dma_wait3A_121 = arith.constant 0 : i32
        %dma_wait3A_122 = tpu.memref_slice %arg7[%dma_wait3A_120, %dma_wait3A_121] : memref<3x128xi32, #tpu.memory_space<vmem>> -> memref<1x128xi32, #tpu.memory_space<vmem>>
        %dma_wait3A_123 = tpu.memref_squeeze %dma_wait3A_122 : memref<1x128xi32, #tpu.memory_space<vmem>> -> memref<128xi32, #tpu.memory_space<vmem>>
        %dma_wait3A_124 = arith.constant 0 : i32
        %dma_wait3A_125 = tpu.memref_slice %arg2[%dma_wait3A_124] : memref<320000xi32, #tpu.memory_space<hbm>> -> memref<128xi32, #tpu.memory_space<hbm>>
        %dma_wait3A_126 = arith.constant 0 : i32
        %dma_wait3A_127 = tpu.memref_slice %arg7[%dma_wait3A_120, %dma_wait3A_126] : memref<3x128xi32, #tpu.memory_space<vmem>> -> memref<1x128xi32, #tpu.memory_space<vmem>>
        %dma_wait3A_128 = tpu.memref_squeeze %dma_wait3A_127 : memref<1x128xi32, #tpu.memory_space<vmem>> -> memref<128xi32, #tpu.memory_space<vmem>>
        %dma_wait3A_129 = arith.constant 0 : i32
        %dma_wait3A_130 = tpu.memref_slice %arg2[%dma_wait3A_129] : memref<320000xi32, #tpu.memory_space<hbm>> -> memref<128xi32, #tpu.memory_space<hbm>>
        tpu.wait_dma2 semaphore(%arg12 : memref<!tpu.dma_semaphore, #tpu.memory_space<semaphore_mem>>) src(%dma_wait3A_130 : memref<128xi32, #tpu.memory_space<hbm>>) dst(%dma_wait3A_128 : memref<128xi32, #tpu.memory_space<vmem>>)
        %dma_start3A_131 = arith.constant 0 : i32
        %dma_start3A_132 = arith.constant 0 : i32
        %dma_start3A_133 = tpu.memref_slice %arg7[%dma_start3A_131, %dma_start3A_132] : memref<3x128xi32, #tpu.memory_space<vmem>> -> memref<1x128xi32, #tpu.memory_space<vmem>>
        %dma_start3A_134 = tpu.memref_squeeze %dma_start3A_133 : memref<1x128xi32, #tpu.memory_space<vmem>> -> memref<128xi32, #tpu.memory_space<vmem>>
        %dma_start3A_135 = arith.constant 0 : i32
        %dma_start3A_136 = arith.constant 0 : i32
        %dma_start3A_137 = tpu.memref_slice %arg6[%dma_start3A_135, %dma_start3A_136] : memref<10000x128xf32, #tpu.memory_space<vmem_shared>> -> memref<10000x128xf32, #tpu.memory_space<vmem_shared>>
        tpu.enqueue_indirect_dma source(%arg8 : memref<128x128xf32, #tpu.memory_space<vmem>>) target(%dma_start3A_137 : memref<10000x128xf32, #tpu.memory_space<vmem_shared>>) offsets(%dma_start3A_134 : memref<128xi32, #tpu.memory_space<vmem>>) semaphore(%arg9 : memref<!tpu.dma_semaphore, #tpu.memory_space<semaphore_mem>>) {add = true}
      } else {
      }
      %add3A_81 = arith.constant 3 : i32
      %add3A_82 = arith.addi %add3A_76, %add3A_81 : i32
      %sub3A = arith.constant 1 : i32
      %sub3A_83 = arith.subi %add3A_82, %sub3A : i32
      %lt3A_84 = arith.cmpi slt, %sub3A_83, %select_n3A : i32
      %convert_element_type3A_85 = arith.extui %lt3A_84 : i1 to i32
      %cond3A_86 = arith.constant 0 : i32
      %cond3A_87 = arith.cmpi ne, %convert_element_type3A_85, %cond3A_86 : i32
      scf.if %cond3A_87 {
        %ge3A = arith.constant 3 : i32
        %ge3A_120 = arith.cmpi sge, %sub3A_83, %ge3A : i32
        %convert_element_type3A_121 = arith.extui %ge3A_120 : i1 to i32
        %cond3A_122 = arith.constant 0 : i32
        %cond3A_123 = arith.cmpi ne, %convert_element_type3A_121, %cond3A_122 : i32
        scf.if %cond3A_123 {
          %dma_wait3A_139 = arith.constant 2 : i32
          %dma_wait3A_140 = arith.constant 0 : i32
          %dma_wait3A_141 = tpu.memref_slice %arg7[%dma_wait3A_139, %dma_wait3A_140] : memref<3x128xi32, #tpu.memory_space<vmem>> -> memref<1x128xi32, #tpu.memory_space<vmem>>
          %dma_wait3A_142 = tpu.memref_squeeze %dma_wait3A_141 : memref<1x128xi32, #tpu.memory_space<vmem>> -> memref<128xi32, #tpu.memory_space<vmem>>
          %dma_wait3A_143 = arith.constant 0 : i32
          %dma_wait3A_144 = arith.constant 0 : i32
          %dma_wait3A_145 = tpu.memref_slice %arg6[%dma_wait3A_143, %dma_wait3A_144] : memref<10000x128xf32, #tpu.memory_space<vmem_shared>> -> memref<10000x128xf32, #tpu.memory_space<vmem_shared>>
          tpu.wait_indirect_dma semaphore(%arg11 : memref<!tpu.dma_semaphore, #tpu.memory_space<semaphore_mem>>) src(%arg8 : memref<128x128xf32, #tpu.memory_space<vmem>>) dst(%dma_wait3A_145 : memref<10000x128xf32, #tpu.memory_space<vmem_shared>>)
        } else {
        }
        %mul3A_124 = arith.constant 9984 : i32
        %mul3A_125 = arith.muli %add3A, %mul3A_124 : i32
        %mul3A_126 = arith.constant 128 : i32
        %mul3A_127 = arith.muli %sub3A_83, %mul3A_126 : i32
        %add3A_128 = arith.addi %mul3A_125, %mul3A_127 : i32
        %multiple_of3A_129 = tpu.assume_multiple %add3A_128, 8 : i32
        %dma_start3A_130 = arith.constant 2 : i32
        %dma_start3A_131 = arith.constant 0 : i32
        %dma_start3A_132 = tpu.memref_slice %arg7[%dma_start3A_130, %dma_start3A_131] : memref<3x128xi32, #tpu.memory_space<vmem>> -> memref<1x128xi32, #tpu.memory_space<vmem>>
        %dma_start3A_133 = tpu.memref_squeeze %dma_start3A_132 : memref<1x128xi32, #tpu.memory_space<vmem>> -> memref<128xi32, #tpu.memory_space<vmem>>
        %dma_start3A_134 = tpu.memref_slice %arg2[%multiple_of3A_129] : memref<320000xi32, #tpu.memory_space<hbm>> -> memref<128xi32, #tpu.memory_space<hbm>>
        %dma_start3A_135 = arith.constant 0 : i32
        %dma_start3A_136 = tpu.memref_slice %arg7[%dma_start3A_130, %dma_start3A_135] : memref<3x128xi32, #tpu.memory_space<vmem>> -> memref<1x128xi32, #tpu.memory_space<vmem>>
        %dma_start3A_137 = tpu.memref_squeeze %dma_start3A_136 : memref<1x128xi32, #tpu.memory_space<vmem>> -> memref<128xi32, #tpu.memory_space<vmem>>
        %dma_start3A_138 = tpu.memref_slice %arg2[%multiple_of3A_129] : memref<320000xi32, #tpu.memory_space<hbm>> -> memref<128xi32, #tpu.memory_space<hbm>>
        tpu.enqueue_dma source(%dma_start3A_138 : memref<128xi32, #tpu.memory_space<hbm>>) target(%dma_start3A_137 : memref<128xi32, #tpu.memory_space<vmem>>) target_semaphore(%arg14 : memref<!tpu.dma_semaphore, #tpu.memory_space<semaphore_mem>>)
      } else {
      }
      %mul3A_88 = arith.constant 3 : i32
      %mul3A_89 = arith.muli %mul3A_88, %scan3A_72 : i32
      %add3A_90 = arith.constant 1 : i32
      %add3A_91 = arith.addi %mul3A_89, %add3A_90 : i32
      %lt3A_92 = arith.cmpi slt, %add3A_91, %select_n3A : i32
      %convert_element_type3A_93 = arith.extui %lt3A_92 : i1 to i32
      %cond3A_94 = arith.constant 0 : i32
      %cond3A_95 = arith.cmpi ne, %convert_element_type3A_93, %cond3A_94 : i32
      scf.if %cond3A_95 {
        %dma_wait3A_120 = arith.constant 1 : i32
        %dma_wait3A_121 = arith.constant 0 : i32
        %dma_wait3A_122 = tpu.memref_slice %arg7[%dma_wait3A_120, %dma_wait3A_121] : memref<3x128xi32, #tpu.memory_space<vmem>> -> memref<1x128xi32, #tpu.memory_space<vmem>>
        %dma_wait3A_123 = tpu.memref_squeeze %dma_wait3A_122 : memref<1x128xi32, #tpu.memory_space<vmem>> -> memref<128xi32, #tpu.memory_space<vmem>>
        %dma_wait3A_124 = arith.constant 0 : i32
        %dma_wait3A_125 = tpu.memref_slice %arg2[%dma_wait3A_124] : memref<320000xi32, #tpu.memory_space<hbm>> -> memref<128xi32, #tpu.memory_space<hbm>>
        %dma_wait3A_126 = arith.constant 0 : i32
        %dma_wait3A_127 = tpu.memref_slice %arg7[%dma_wait3A_120, %dma_wait3A_126] : memref<3x128xi32, #tpu.memory_space<vmem>> -> memref<1x128xi32, #tpu.memory_space<vmem>>
        %dma_wait3A_128 = tpu.memref_squeeze %dma_wait3A_127 : memref<1x128xi32, #tpu.memory_space<vmem>> -> memref<128xi32, #tpu.memory_space<vmem>>
        %dma_wait3A_129 = arith.constant 0 : i32
        %dma_wait3A_130 = tpu.memref_slice %arg2[%dma_wait3A_129] : memref<320000xi32, #tpu.memory_space<hbm>> -> memref<128xi32, #tpu.memory_space<hbm>>
        tpu.wait_dma2 semaphore(%arg13 : memref<!tpu.dma_semaphore, #tpu.memory_space<semaphore_mem>>) src(%dma_wait3A_130 : memref<128xi32, #tpu.memory_space<hbm>>) dst(%dma_wait3A_128 : memref<128xi32, #tpu.memory_space<vmem>>)
        %dma_start3A_131 = arith.constant 1 : i32
        %dma_start3A_132 = arith.constant 0 : i32
        %dma_start3A_133 = tpu.memref_slice %arg7[%dma_start3A_131, %dma_start3A_132] : memref<3x128xi32, #tpu.memory_space<vmem>> -> memref<1x128xi32, #tpu.memory_space<vmem>>
        %dma_start3A_134 = tpu.memref_squeeze %dma_start3A_133 : memref<1x128xi32, #tpu.memory_space<vmem>> -> memref<128xi32, #tpu.memory_space<vmem>>
        %dma_start3A_135 = arith.constant 0 : i32
        %dma_start3A_136 = arith.constant 0 : i32
        %dma_start3A_137 = tpu.memref_slice %arg6[%dma_start3A_135, %dma_start3A_136] : memref<10000x128xf32, #tpu.memory_space<vmem_shared>> -> memref<10000x128xf32, #tpu.memory_space<vmem_shared>>
        tpu.enqueue_indirect_dma source(%arg8 : memref<128x128xf32, #tpu.memory_space<vmem>>) target(%dma_start3A_137 : memref<10000x128xf32, #tpu.memory_space<vmem_shared>>) offsets(%dma_start3A_134 : memref<128xi32, #tpu.memory_space<vmem>>) semaphore(%arg10 : memref<!tpu.dma_semaphore, #tpu.memory_space<semaphore_mem>>) {add = true}
      } else {
      }
      %add3A_96 = arith.constant 3 : i32
      %add3A_97 = arith.addi %add3A_91, %add3A_96 : i32
      %sub3A_98 = arith.constant 1 : i32
      %sub3A_99 = arith.subi %add3A_97, %sub3A_98 : i32
      %lt3A_100 = arith.cmpi slt, %sub3A_99, %select_n3A : i32
      %convert_element_type3A_101 = arith.extui %lt3A_100 : i1 to i32
      %cond3A_102 = arith.constant 0 : i32
      %cond3A_103 = arith.cmpi ne, %convert_element_type3A_101, %cond3A_102 : i32
      scf.if %cond3A_103 {
        %ge3A = arith.constant 3 : i32
        %ge3A_120 = arith.cmpi sge, %sub3A_99, %ge3A : i32
        %convert_element_type3A_121 = arith.extui %ge3A_120 : i1 to i32
        %cond3A_122 = arith.constant 0 : i32
        %cond3A_123 = arith.cmpi ne, %convert_element_type3A_121, %cond3A_122 : i32
        scf.if %cond3A_123 {
          %dma_wait3A_139 = arith.constant 0 : i32
          %dma_wait3A_140 = arith.constant 0 : i32
          %dma_wait3A_141 = tpu.memref_slice %arg7[%dma_wait3A_139, %dma_wait3A_140] : memref<3x128xi32, #tpu.memory_space<vmem>> -> memref<1x128xi32, #tpu.memory_space<vmem>>
          %dma_wait3A_142 = tpu.memref_squeeze %dma_wait3A_141 : memref<1x128xi32, #tpu.memory_space<vmem>> -> memref<128xi32, #tpu.memory_space<vmem>>
          %dma_wait3A_143 = arith.constant 0 : i32
          %dma_wait3A_144 = arith.constant 0 : i32
          %dma_wait3A_145 = tpu.memref_slice %arg6[%dma_wait3A_143, %dma_wait3A_144] : memref<10000x128xf32, #tpu.memory_space<vmem_shared>> -> memref<10000x128xf32, #tpu.memory_space<vmem_shared>>
          tpu.wait_indirect_dma semaphore(%arg9 : memref<!tpu.dma_semaphore, #tpu.memory_space<semaphore_mem>>) src(%arg8 : memref<128x128xf32, #tpu.memory_space<vmem>>) dst(%dma_wait3A_145 : memref<10000x128xf32, #tpu.memory_space<vmem_shared>>)
        } else {
        }
        %mul3A_124 = arith.constant 9984 : i32
        %mul3A_125 = arith.muli %add3A, %mul3A_124 : i32
        %mul3A_126 = arith.constant 128 : i32
        %mul3A_127 = arith.muli %sub3A_99, %mul3A_126 : i32
        %add3A_128 = arith.addi %mul3A_125, %mul3A_127 : i32
        %multiple_of3A_129 = tpu.assume_multiple %add3A_128, 8 : i32
        %dma_start3A_130 = arith.constant 0 : i32
        %dma_start3A_131 = arith.constant 0 : i32
        %dma_start3A_132 = tpu.memref_slice %arg7[%dma_start3A_130, %dma_start3A_131] : memref<3x128xi32, #tpu.memory_space<vmem>> -> memref<1x128xi32, #tpu.memory_space<vmem>>
        %dma_start3A_133 = tpu.memref_squeeze %dma_start3A_132 : memref<1x128xi32, #tpu.memory_space<vmem>> -> memref<128xi32, #tpu.memory_space<vmem>>
        %dma_start3A_134 = tpu.memref_slice %arg2[%multiple_of3A_129] : memref<320000xi32, #tpu.memory_space<hbm>> -> memref<128xi32, #tpu.memory_space<hbm>>
        %dma_start3A_135 = arith.constant 0 : i32
        %dma_start3A_136 = tpu.memref_slice %arg7[%dma_start3A_130, %dma_start3A_135] : memref<3x128xi32, #tpu.memory_space<vmem>> -> memref<1x128xi32, #tpu.memory_space<vmem>>
        %dma_start3A_137 = tpu.memref_squeeze %dma_start3A_136 : memref<1x128xi32, #tpu.memory_space<vmem>> -> memref<128xi32, #tpu.memory_space<vmem>>
        %dma_start3A_138 = tpu.memref_slice %arg2[%multiple_of3A_129] : memref<320000xi32, #tpu.memory_space<hbm>> -> memref<128xi32, #tpu.memory_space<hbm>>
        tpu.enqueue_dma source(%dma_start3A_138 : memref<128xi32, #tpu.memory_space<hbm>>) target(%dma_start3A_137 : memref<128xi32, #tpu.memory_space<vmem>>) target_semaphore(%arg12 : memref<!tpu.dma_semaphore, #tpu.memory_space<semaphore_mem>>)
      } else {
      }
      %mul3A_104 = arith.constant 3 : i32
      %mul3A_105 = arith.muli %mul3A_104, %scan3A_72 : i32
      %add3A_106 = arith.constant 2 : i32
      %add3A_107 = arith.addi %mul3A_105, %add3A_106 : i32
      %lt3A_108 = arith.cmpi slt, %add3A_107, %select_n3A : i32
      %convert_element_type3A_109 = arith.extui %lt3A_108 : i1 to i32
      %cond3A_110 = arith.constant 0 : i32
      %cond3A_111 = arith.cmpi ne, %convert_element_type3A_109, %cond3A_110 : i32
      scf.if %cond3A_111 {
        %dma_wait3A_120 = arith.constant 2 : i32
        %dma_wait3A_121 = arith.constant 0 : i32
        %dma_wait3A_122 = tpu.memref_slice %arg7[%dma_wait3A_120, %dma_wait3A_121] : memref<3x128xi32, #tpu.memory_space<vmem>> -> memref<1x128xi32, #tpu.memory_space<vmem>>
        %dma_wait3A_123 = tpu.memref_squeeze %dma_wait3A_122 : memref<1x128xi32, #tpu.memory_space<vmem>> -> memref<128xi32, #tpu.memory_space<vmem>>
        %dma_wait3A_124 = arith.constant 0 : i32
        %dma_wait3A_125 = tpu.memref_slice %arg2[%dma_wait3A_124] : memref<320000xi32, #tpu.memory_space<hbm>> -> memref<128xi32, #tpu.memory_space<hbm>>
        %dma_wait3A_126 = arith.constant 0 : i32
        %dma_wait3A_127 = tpu.memref_slice %arg7[%dma_wait3A_120, %dma_wait3A_126] : memref<3x128xi32, #tpu.memory_space<vmem>> -> memref<1x128xi32, #tpu.memory_space<vmem>>
        %dma_wait3A_128 = tpu.memref_squeeze %dma_wait3A_127 : memref<1x128xi32, #tpu.memory_space<vmem>> -> memref<128xi32, #tpu.memory_space<vmem>>
        %dma_wait3A_129 = arith.constant 0 : i32
        %dma_wait3A_130 = tpu.memref_slice %arg2[%dma_wait3A_129] : memref<320000xi32, #tpu.memory_space<hbm>> -> memref<128xi32, #tpu.memory_space<hbm>>
        tpu.wait_dma2 semaphore(%arg14 : memref<!tpu.dma_semaphore, #tpu.memory_space<semaphore_mem>>) src(%dma_wait3A_130 : memref<128xi32, #tpu.memory_space<hbm>>) dst(%dma_wait3A_128 : memref<128xi32, #tpu.memory_space<vmem>>)
        %dma_start3A_131 = arith.constant 2 : i32
        %dma_start3A_132 = arith.constant 0 : i32
        %dma_start3A_133 = tpu.memref_slice %arg7[%dma_start3A_131, %dma_start3A_132] : memref<3x128xi32, #tpu.memory_space<vmem>> -> memref<1x128xi32, #tpu.memory_space<vmem>>
        %dma_start3A_134 = tpu.memref_squeeze %dma_start3A_133 : memref<1x128xi32, #tpu.memory_space<vmem>> -> memref<128xi32, #tpu.memory_space<vmem>>
        %dma_start3A_135 = arith.constant 0 : i32
        %dma_start3A_136 = arith.constant 0 : i32
        %dma_start3A_137 = tpu.memref_slice %arg6[%dma_start3A_135, %dma_start3A_136] : memref<10000x128xf32, #tpu.memory_space<vmem_shared>> -> memref<10000x128xf32, #tpu.memory_space<vmem_shared>>
        tpu.enqueue_indirect_dma source(%arg8 : memref<128x128xf32, #tpu.memory_space<vmem>>) target(%dma_start3A_137 : memref<10000x128xf32, #tpu.memory_space<vmem_shared>>) offsets(%dma_start3A_134 : memref<128xi32, #tpu.memory_space<vmem>>) semaphore(%arg11 : memref<!tpu.dma_semaphore, #tpu.memory_space<semaphore_mem>>) {add = true}
      } else {
      }
      %add3A_112 = arith.constant 3 : i32
      %add3A_113 = arith.addi %add3A_107, %add3A_112 : i32
      %sub3A_114 = arith.constant 1 : i32
      %sub3A_115 = arith.subi %add3A_113, %sub3A_114 : i32
      %lt3A_116 = arith.cmpi slt, %sub3A_115, %select_n3A : i32
      %convert_element_type3A_117 = arith.extui %lt3A_116 : i1 to i32
      %cond3A_118 = arith.constant 0 : i32
      %cond3A_119 = arith.cmpi ne, %convert_element_type3A_117, %cond3A_118 : i32
      scf.if %cond3A_119 {
        %ge3A = arith.constant 3 : i32
        %ge3A_120 = arith.cmpi sge, %sub3A_115, %ge3A : i32
        %convert_element_type3A_121 = arith.extui %ge3A_120 : i1 to i32
        %cond3A_122 = arith.constant 0 : i32
        %cond3A_123 = arith.cmpi ne, %convert_element_type3A_121, %cond3A_122 : i32
        scf.if %cond3A_123 {
          %dma_wait3A_139 = arith.constant 1 : i32
          %dma_wait3A_140 = arith.constant 0 : i32
          %dma_wait3A_141 = tpu.memref_slice %arg7[%dma_wait3A_139, %dma_wait3A_140] : memref<3x128xi32, #tpu.memory_space<vmem>> -> memref<1x128xi32, #tpu.memory_space<vmem>>
          %dma_wait3A_142 = tpu.memref_squeeze %dma_wait3A_141 : memref<1x128xi32, #tpu.memory_space<vmem>> -> memref<128xi32, #tpu.memory_space<vmem>>
          %dma_wait3A_143 = arith.constant 0 : i32
          %dma_wait3A_144 = arith.constant 0 : i32
          %dma_wait3A_145 = tpu.memref_slice %arg6[%dma_wait3A_143, %dma_wait3A_144] : memref<10000x128xf32, #tpu.memory_space<vmem_shared>> -> memref<10000x128xf32, #tpu.memory_space<vmem_shared>>
          tpu.wait_indirect_dma semaphore(%arg10 : memref<!tpu.dma_semaphore, #tpu.memory_space<semaphore_mem>>) src(%arg8 : memref<128x128xf32, #tpu.memory_space<vmem>>) dst(%dma_wait3A_145 : memref<10000x128xf32, #tpu.memory_space<vmem_shared>>)
        } else {
        }
        %mul3A_124 = arith.constant 9984 : i32
        %mul3A_125 = arith.muli %add3A, %mul3A_124 : i32
        %mul3A_126 = arith.constant 128 : i32
        %mul3A_127 = arith.muli %sub3A_115, %mul3A_126 : i32
        %add3A_128 = arith.addi %mul3A_125, %mul3A_127 : i32
        %multiple_of3A_129 = tpu.assume_multiple %add3A_128, 8 : i32
        %dma_start3A_130 = arith.constant 1 : i32
        %dma_start3A_131 = arith.constant 0 : i32
        %dma_start3A_132 = tpu.memref_slice %arg7[%dma_start3A_130, %dma_start3A_131] : memref<3x128xi32, #tpu.memory_space<vmem>> -> memref<1x128xi32, #tpu.memory_space<vmem>>
        %dma_start3A_133 = tpu.memref_squeeze %dma_start3A_132 : memref<1x128xi32, #tpu.memory_space<vmem>> -> memref<128xi32, #tpu.memory_space<vmem>>
        %dma_start3A_134 = tpu.memref_slice %arg2[%multiple_of3A_129] : memref<320000xi32, #tpu.memory_space<hbm>> -> memref<128xi32, #tpu.memory_space<hbm>>
        %dma_start3A_135 = arith.constant 0 : i32
        %dma_start3A_136 = tpu.memref_slice %arg7[%dma_start3A_130, %dma_start3A_135] : memref<3x128xi32, #tpu.memory_space<vmem>> -> memref<1x128xi32, #tpu.memory_space<vmem>>
        %dma_start3A_137 = tpu.memref_squeeze %dma_start3A_136 : memref<1x128xi32, #tpu.memory_space<vmem>> -> memref<128xi32, #tpu.memory_space<vmem>>
        %dma_start3A_138 = tpu.memref_slice %arg2[%multiple_of3A_129] : memref<320000xi32, #tpu.memory_space<hbm>> -> memref<128xi32, #tpu.memory_space<hbm>>
        tpu.enqueue_dma source(%dma_start3A_138 : memref<128xi32, #tpu.memory_space<hbm>>) target(%dma_start3A_137 : memref<128xi32, #tpu.memory_space<vmem>>) target_semaphore(%arg13 : memref<!tpu.dma_semaphore, #tpu.memory_space<semaphore_mem>>)
      } else {
      }
    }
    %scan3A_40 = arith.constant 28 : i32
    %dma_wait3A = arith.constant 0 : i32
    %dma_wait3A_41 = arith.constant 0 : i32
    %dma_wait3A_42 = tpu.memref_slice %arg7[%dma_wait3A, %dma_wait3A_41] : memref<3x128xi32, #tpu.memory_space<vmem>> -> memref<1x128xi32, #tpu.memory_space<vmem>>
    %dma_wait3A_43 = tpu.memref_squeeze %dma_wait3A_42 : memref<1x128xi32, #tpu.memory_space<vmem>> -> memref<128xi32, #tpu.memory_space<vmem>>
    %dma_wait3A_44 = arith.constant 0 : i32
    %dma_wait3A_45 = arith.constant 0 : i32
    %dma_wait3A_46 = tpu.memref_slice %arg6[%dma_wait3A_44, %dma_wait3A_45] : memref<10000x128xf32, #tpu.memory_space<vmem_shared>> -> memref<10000x128xf32, #tpu.memory_space<vmem_shared>>
    tpu.wait_indirect_dma semaphore(%arg9 : memref<!tpu.dma_semaphore, #tpu.memory_space<semaphore_mem>>) src(%arg8 : memref<128x128xf32, #tpu.memory_space<vmem>>) dst(%dma_wait3A_46 : memref<10000x128xf32, #tpu.memory_space<vmem_shared>>)
    %dma_wait3A_47 = arith.constant 1 : i32
    %dma_wait3A_48 = arith.constant 0 : i32
    %dma_wait3A_49 = tpu.memref_slice %arg7[%dma_wait3A_47, %dma_wait3A_48] : memref<3x128xi32, #tpu.memory_space<vmem>> -> memref<1x128xi32, #tpu.memory_space<vmem>>
    %dma_wait3A_50 = tpu.memref_squeeze %dma_wait3A_49 : memref<1x128xi32, #tpu.memory_space<vmem>> -> memref<128xi32, #tpu.memory_space<vmem>>
    %dma_wait3A_51 = arith.constant 0 : i32
    %dma_wait3A_52 = arith.constant 0 : i32
    %dma_wait3A_53 = tpu.memref_slice %arg6[%dma_wait3A_51, %dma_wait3A_52] : memref<10000x128xf32, #tpu.memory_space<vmem_shared>> -> memref<10000x128xf32, #tpu.memory_space<vmem_shared>>
    tpu.wait_indirect_dma semaphore(%arg10 : memref<!tpu.dma_semaphore, #tpu.memory_space<semaphore_mem>>) src(%arg8 : memref<128x128xf32, #tpu.memory_space<vmem>>) dst(%dma_wait3A_53 : memref<10000x128xf32, #tpu.memory_space<vmem_shared>>)
    %dma_wait3A_54 = arith.constant 2 : i32
    %dma_wait3A_55 = arith.constant 0 : i32
    %dma_wait3A_56 = tpu.memref_slice %arg7[%dma_wait3A_54, %dma_wait3A_55] : memref<3x128xi32, #tpu.memory_space<vmem>> -> memref<1x128xi32, #tpu.memory_space<vmem>>
    %dma_wait3A_57 = tpu.memref_squeeze %dma_wait3A_56 : memref<1x128xi32, #tpu.memory_space<vmem>> -> memref<128xi32, #tpu.memory_space<vmem>>
    %dma_wait3A_58 = arith.constant 0 : i32
    %dma_wait3A_59 = arith.constant 0 : i32
    %dma_wait3A_60 = tpu.memref_slice %arg6[%dma_wait3A_58, %dma_wait3A_59] : memref<10000x128xf32, #tpu.memory_space<vmem_shared>> -> memref<10000x128xf32, #tpu.memory_space<vmem_shared>>
    tpu.wait_indirect_dma semaphore(%arg11 : memref<!tpu.dma_semaphore, #tpu.memory_space<semaphore_mem>>) src(%arg8 : memref<128x128xf32, #tpu.memory_space<vmem>>) dst(%dma_wait3A_60 : memref<10000x128xf32, #tpu.memory_space<vmem_shared>>)
    %barrier3A_61 = arith.constant 0 : index
    tpu.barrier barrier_id(%barrier3A_61)
    %lt3A_62 = arith.constant 15 : i32
    %lt3A_63 = arith.cmpi slt, %arg1, %lt3A_62 : i32
    %convert_element_type3A_64 = arith.extui %lt3A_63 : i1 to i32
    %cond3A_65 = arith.constant 0 : i32
    %cond3A_66 = arith.cmpi ne, %convert_element_type3A_64, %cond3A_65 : i32
    scf.if %cond3A_66 {
      %mul3A_72 = arith.constant 624 : i32
      %mul3A_73 = arith.muli %arg1, %mul3A_72 : i32
      %multiple_of3A_74 = tpu.assume_multiple %mul3A_73, 8 : i32
      %mul3A_75 = arith.constant 10000 : i32
      %mul3A_76 = arith.muli %arg0, %mul3A_75 : i32
      %add3A_77 = arith.addi %mul3A_76, %multiple_of3A_74 : i32
      %multiple_of3A_78 = tpu.assume_multiple %add3A_77, 8 : i32
      "tpu.region"() ({
        %run_scoped3A = tpu.sem_alloc : memref<!tpu.dma_semaphore, #tpu.memory_space<semaphore_mem>>
        %dma_start3A_79 = arith.constant 0 : i32
        %dma_start3A_80 = tpu.memref_slice %arg5[%multiple_of3A_78, %dma_start3A_79] : memref<20000x128xf32, #tpu.memory_space<hbm>> -> memref<624x128xf32, #tpu.memory_space<hbm>>
        %dma_start3A_81 = arith.constant 0 : i32
        %dma_start3A_82 = tpu.memref_slice %arg6[%multiple_of3A_74, %dma_start3A_81] : memref<10000x128xf32, #tpu.memory_space<vmem_shared>> -> memref<624x128xf32, #tpu.memory_space<vmem_shared>>
        tpu.enqueue_dma source(%dma_start3A_82 : memref<624x128xf32, #tpu.memory_space<vmem_shared>>) target(%dma_start3A_80 : memref<624x128xf32, #tpu.memory_space<hbm>>) target_semaphore(%run_scoped3A : memref<!tpu.dma_semaphore, #tpu.memory_space<semaphore_mem>>)
        %dma_wait3A_83 = arith.constant 0 : i32
        %dma_wait3A_84 = tpu.memref_slice %arg5[%multiple_of3A_78, %dma_wait3A_83] : memref<20000x128xf32, #tpu.memory_space<hbm>> -> memref<624x128xf32, #tpu.memory_space<hbm>>
        %dma_wait3A_85 = arith.constant 0 : i32
        %dma_wait3A_86 = tpu.memref_slice %arg6[%multiple_of3A_74, %dma_wait3A_85] : memref<10000x128xf32, #tpu.memory_space<vmem_shared>> -> memref<624x128xf32, #tpu.memory_space<vmem_shared>>
        tpu.wait_dma2 semaphore(%run_scoped3A : memref<!tpu.dma_semaphore, #tpu.memory_space<semaphore_mem>>) src(%dma_wait3A_86 : memref<624x128xf32, #tpu.memory_space<vmem_shared>>) dst(%dma_wait3A_84 : memref<624x128xf32, #tpu.memory_space<hbm>>)
        tpu.yield
      }) : () -> ()
    } else {
    }
    %eq3A_67 = arith.constant 15 : i32
    %eq3A_68 = arith.cmpi eq, %arg1, %eq3A_67 : i32
    %convert_element_type3A_69 = arith.extui %eq3A_68 : i1 to i32
    %cond3A_70 = arith.constant 0 : i32
    %cond3A_71 = arith.cmpi ne, %convert_element_type3A_69, %cond3A_70 : i32
    scf.if %cond3A_71 {
      %mul3A_72 = arith.constant 10000 : i32
      %mul3A_73 = arith.muli %arg0, %mul3A_72 : i32
      %add3A_74 = arith.constant 9360 : i32
      %add3A_75 = arith.addi %mul3A_73, %add3A_74 : i32
      %multiple_of3A_76 = tpu.assume_multiple %add3A_75, 8 : i32
      "tpu.region"() ({
        %run_scoped3A = tpu.sem_alloc : memref<!tpu.dma_semaphore, #tpu.memory_space<semaphore_mem>>
        %dma_start3A_77 = arith.constant 0 : i32
        %dma_start3A_78 = tpu.memref_slice %arg5[%multiple_of3A_76, %dma_start3A_77] : memref<20000x128xf32, #tpu.memory_space<hbm>> -> memref<640x128xf32, #tpu.memory_space<hbm>>
        %dma_start3A_79 = arith.constant 9360 : i32
        %dma_start3A_80 = arith.constant 0 : i32
        %dma_start3A_81 = tpu.memref_slice %arg6[%dma_start3A_79, %dma_start3A_80] : memref<10000x128xf32, #tpu.memory_space<vmem_shared>> -> memref<640x128xf32, #tpu.memory_space<vmem_shared>>
        tpu.enqueue_dma source(%dma_start3A_81 : memref<640x128xf32, #tpu.memory_space<vmem_shared>>) target(%dma_start3A_78 : memref<640x128xf32, #tpu.memory_space<hbm>>) target_semaphore(%run_scoped3A : memref<!tpu.dma_semaphore, #tpu.memory_space<semaphore_mem>>)
        %dma_wait3A_82 = arith.constant 0 : i32
        %dma_wait3A_83 = tpu.memref_slice %arg5[%multiple_of3A_76, %dma_wait3A_82] : memref<20000x128xf32, #tpu.memory_space<hbm>> -> memref<640x128xf32, #tpu.memory_space<hbm>>
        %dma_wait3A_84 = arith.constant 9360 : i32
        %dma_wait3A_85 = arith.constant 0 : i32
        %dma_wait3A_86 = tpu.memref_slice %arg6[%dma_wait3A_84, %dma_wait3A_85] : memref<10000x128xf32, #tpu.memory_space<vmem_shared>> -> memref<640x128xf32, #tpu.memory_space<vmem_shared>>
        tpu.wait_dma2 semaphore(%run_scoped3A : memref<!tpu.dma_semaphore, #tpu.memory_space<semaphore_mem>>) src(%dma_wait3A_86 : memref<640x128xf32, #tpu.memory_space<vmem_shared>>) dst(%dma_wait3A_83 : memref<640x128xf32, #tpu.memory_space<hbm>>)
        tpu.yield
      }) : () -> ()
    } else {
    }
    return
  }
}

#map = affine_map<(d0, d1) -> (0, 0)>
#map1 = affine_map<(d0, d1) -> (0)>
module attributes {stable_mosaic.version = 14 : i64} {
  func.func @agg_kernel(%arg0: i32, %arg1: i32, %arg2: memref<10000x128xf32, #tpu.memory_space<hbm>>, %arg3: memref<320000xi32, #tpu.memory_space<hbm>>, %arg4: memref<320000xi32, #tpu.memory_space<hbm>>, %arg5: memref<10000x128xf32, #tpu.memory_space<hbm>>, %arg6: memref<20000x128xf32, #tpu.memory_space<hbm>>, %arg7: memref<10000x128xf32, #tpu.memory_space<vmem_shared>>, %arg8: memref<3x128xi32, #tpu.memory_space<vmem>>, %arg9: memref<3x128xi32, #tpu.memory_space<vmem>>, %arg10: memref<3x128x128xf32, #tpu.memory_space<vmem>>, %arg11: memref<!tpu.dma_semaphore, #tpu.memory_space<semaphore_mem>>, %arg12: memref<!tpu.dma_semaphore, #tpu.memory_space<semaphore_mem>>, %arg13: memref<!tpu.dma_semaphore, #tpu.memory_space<semaphore_mem>>, %arg14: memref<!tpu.dma_semaphore, #tpu.memory_space<semaphore_mem>>, %arg15: memref<!tpu.dma_semaphore, #tpu.memory_space<semaphore_mem>>, %arg16: memref<!tpu.dma_semaphore, #tpu.memory_space<semaphore_mem>>, %arg17: memref<!tpu.dma_semaphore, #tpu.memory_space<semaphore_mem>>, %arg18: memref<!tpu.dma_semaphore, #tpu.memory_space<semaphore_mem>>, %arg19: memref<!tpu.dma_semaphore, #tpu.memory_space<semaphore_mem>>) attributes {dimension_semantics = [#tpu.dimension_semantics<core_parallel>, #tpu.dimension_semantics<subcore_parallel>], iteration_bounds = array<i64: 2, 16>, scalar_prefetch = 0 : i64, scratch_operands = 13 : i64, tpu.core_type = #tpu.core_type<sc_vector_subcore>, window_params = [{transform_indices = #map}, {transform_indices = #map1}, {transform_indices = #map1}, {transform_indices = #map}, {transform_indices = #map}]} {
    %mul3A = arith.constant 2 : i32
    %mul3A_0 = arith.muli %arg1, %mul3A : i32
    %add3A = arith.addi %mul3A_0, %arg0 : i32
    %eq3A = arith.constant 31 : i32
    %eq3A_1 = arith.cmpi eq, %add3A, %eq3A : i32
    %jit3A = arith.constant 82 : i32
    %jit3A_2 = arith.constant 78 : i32
    %select_n3A = arith.select %eq3A_1, %jit3A, %jit3A_2 : i32
    %lt3A = arith.constant 15 : i32
    %lt3A_3 = arith.cmpi slt, %arg1, %lt3A : i32
    %convert_element_type3A = arith.extui %lt3A_3 : i1 to i32
    %cond3A = arith.constant 0 : i32
    %cond3A_4 = arith.cmpi ne, %convert_element_type3A, %cond3A : i32
    scf.if %cond3A_4 {
      %mul3A_139 = arith.constant 624 : i32
      %mul3A_140 = arith.muli %arg1, %mul3A_139 : i32
      %multiple_of3A_141 = tpu.assume_multiple %mul3A_140, 8 : i32
      %eq3A_142 = arith.constant 0 : i32
      %eq3A_143 = arith.cmpi eq, %arg0, %eq3A_142 : i32
      %convert_element_type3A_144 = arith.extui %eq3A_143 : i1 to i32
      %cond3A_145 = arith.constant 0 : i32
      %cond3A_146 = arith.cmpi ne, %convert_element_type3A_144, %cond3A_145 : i32
      scf.if %cond3A_146 {
        "tpu.region"() ({
          %run_scoped3A = tpu.sem_alloc : memref<!tpu.dma_semaphore, #tpu.memory_space<semaphore_mem>>
          %dma_start3A_151 = arith.constant 0 : i32
          %dma_start3A_152 = tpu.memref_slice %arg7[%multiple_of3A_141, %dma_start3A_151] : memref<10000x128xf32, #tpu.memory_space<vmem_shared>> -> memref<624x128xf32, #tpu.memory_space<vmem_shared>>
          %dma_start3A_153 = arith.constant 0 : i32
          %dma_start3A_154 = tpu.memref_slice %arg2[%multiple_of3A_141, %dma_start3A_153] : memref<10000x128xf32, #tpu.memory_space<hbm>> -> memref<624x128xf32, #tpu.memory_space<hbm>>
          tpu.enqueue_dma source(%dma_start3A_154 : memref<624x128xf32, #tpu.memory_space<hbm>>) target(%dma_start3A_152 : memref<624x128xf32, #tpu.memory_space<vmem_shared>>) target_semaphore(%run_scoped3A : memref<!tpu.dma_semaphore, #tpu.memory_space<semaphore_mem>>)
          %dma_wait3A_155 = arith.constant 0 : i32
          %dma_wait3A_156 = tpu.memref_slice %arg7[%multiple_of3A_141, %dma_wait3A_155] : memref<10000x128xf32, #tpu.memory_space<vmem_shared>> -> memref<624x128xf32, #tpu.memory_space<vmem_shared>>
          %dma_wait3A_157 = arith.constant 0 : i32
          %dma_wait3A_158 = tpu.memref_slice %arg2[%multiple_of3A_141, %dma_wait3A_157] : memref<10000x128xf32, #tpu.memory_space<hbm>> -> memref<624x128xf32, #tpu.memory_space<hbm>>
          tpu.wait_dma2 semaphore(%run_scoped3A : memref<!tpu.dma_semaphore, #tpu.memory_space<semaphore_mem>>) src(%dma_wait3A_158 : memref<624x128xf32, #tpu.memory_space<hbm>>) dst(%dma_wait3A_156 : memref<624x128xf32, #tpu.memory_space<vmem_shared>>)
          tpu.yield
        }) : () -> ()
      } else {
      }
      %ne3A = arith.constant 0 : i32
      %ne3A_147 = arith.cmpi ne, %arg0, %ne3A : i32
      %convert_element_type3A_148 = arith.extui %ne3A_147 : i1 to i32
      %cond3A_149 = arith.constant 0 : i32
      %cond3A_150 = arith.cmpi ne, %convert_element_type3A_148, %cond3A_149 : i32
      scf.if %cond3A_150 {
        "tpu.region"() ({
          %run_scoped3A = tpu.sem_alloc : memref<!tpu.dma_semaphore, #tpu.memory_space<semaphore_mem>>
          %dma_start3A_151 = arith.constant 0 : i32
          %dma_start3A_152 = tpu.memref_slice %arg7[%multiple_of3A_141, %dma_start3A_151] : memref<10000x128xf32, #tpu.memory_space<vmem_shared>> -> memref<624x128xf32, #tpu.memory_space<vmem_shared>>
          %dma_start3A_153 = arith.constant 0 : i32
          %dma_start3A_154 = tpu.memref_slice %arg5[%multiple_of3A_141, %dma_start3A_153] : memref<10000x128xf32, #tpu.memory_space<hbm>> -> memref<624x128xf32, #tpu.memory_space<hbm>>
          tpu.enqueue_dma source(%dma_start3A_154 : memref<624x128xf32, #tpu.memory_space<hbm>>) target(%dma_start3A_152 : memref<624x128xf32, #tpu.memory_space<vmem_shared>>) target_semaphore(%run_scoped3A : memref<!tpu.dma_semaphore, #tpu.memory_space<semaphore_mem>>)
          %dma_wait3A_155 = arith.constant 0 : i32
          %dma_wait3A_156 = tpu.memref_slice %arg7[%multiple_of3A_141, %dma_wait3A_155] : memref<10000x128xf32, #tpu.memory_space<vmem_shared>> -> memref<624x128xf32, #tpu.memory_space<vmem_shared>>
          %dma_wait3A_157 = arith.constant 0 : i32
          %dma_wait3A_158 = tpu.memref_slice %arg5[%multiple_of3A_141, %dma_wait3A_157] : memref<10000x128xf32, #tpu.memory_space<hbm>> -> memref<624x128xf32, #tpu.memory_space<hbm>>
          tpu.wait_dma2 semaphore(%run_scoped3A : memref<!tpu.dma_semaphore, #tpu.memory_space<semaphore_mem>>) src(%dma_wait3A_158 : memref<624x128xf32, #tpu.memory_space<hbm>>) dst(%dma_wait3A_156 : memref<624x128xf32, #tpu.memory_space<vmem_shared>>)
          tpu.yield
        }) : () -> ()
      } else {
      }
    } else {
    }
    %eq3A_5 = arith.constant 15 : i32
    %eq3A_6 = arith.cmpi eq, %arg1, %eq3A_5 : i32
    %convert_element_type3A_7 = arith.extui %eq3A_6 : i1 to i32
    %cond3A_8 = arith.constant 0 : i32
    %cond3A_9 = arith.cmpi ne, %convert_element_type3A_7, %cond3A_8 : i32
    scf.if %cond3A_9 {
      %eq3A_139 = arith.constant 0 : i32
      %eq3A_140 = arith.cmpi eq, %arg0, %eq3A_139 : i32
      %convert_element_type3A_141 = arith.extui %eq3A_140 : i1 to i32
      %cond3A_142 = arith.constant 0 : i32
      %cond3A_143 = arith.cmpi ne, %convert_element_type3A_141, %cond3A_142 : i32
      scf.if %cond3A_143 {
        "tpu.region"() ({
          %run_scoped3A = tpu.sem_alloc : memref<!tpu.dma_semaphore, #tpu.memory_space<semaphore_mem>>
          %dma_start3A_148 = arith.constant 9360 : i32
          %dma_start3A_149 = arith.constant 0 : i32
          %dma_start3A_150 = tpu.memref_slice %arg7[%dma_start3A_148, %dma_start3A_149] : memref<10000x128xf32, #tpu.memory_space<vmem_shared>> -> memref<640x128xf32, #tpu.memory_space<vmem_shared>>
          %dma_start3A_151 = arith.constant 9360 : i32
          %dma_start3A_152 = arith.constant 0 : i32
          %dma_start3A_153 = tpu.memref_slice %arg2[%dma_start3A_151, %dma_start3A_152] : memref<10000x128xf32, #tpu.memory_space<hbm>> -> memref<640x128xf32, #tpu.memory_space<hbm>>
          tpu.enqueue_dma source(%dma_start3A_153 : memref<640x128xf32, #tpu.memory_space<hbm>>) target(%dma_start3A_150 : memref<640x128xf32, #tpu.memory_space<vmem_shared>>) target_semaphore(%run_scoped3A : memref<!tpu.dma_semaphore, #tpu.memory_space<semaphore_mem>>)
          %dma_wait3A_154 = arith.constant 9360 : i32
          %dma_wait3A_155 = arith.constant 0 : i32
          %dma_wait3A_156 = tpu.memref_slice %arg7[%dma_wait3A_154, %dma_wait3A_155] : memref<10000x128xf32, #tpu.memory_space<vmem_shared>> -> memref<640x128xf32, #tpu.memory_space<vmem_shared>>
          %dma_wait3A_157 = arith.constant 9360 : i32
          %dma_wait3A_158 = arith.constant 0 : i32
          %dma_wait3A_159 = tpu.memref_slice %arg2[%dma_wait3A_157, %dma_wait3A_158] : memref<10000x128xf32, #tpu.memory_space<hbm>> -> memref<640x128xf32, #tpu.memory_space<hbm>>
          tpu.wait_dma2 semaphore(%run_scoped3A : memref<!tpu.dma_semaphore, #tpu.memory_space<semaphore_mem>>) src(%dma_wait3A_159 : memref<640x128xf32, #tpu.memory_space<hbm>>) dst(%dma_wait3A_156 : memref<640x128xf32, #tpu.memory_space<vmem_shared>>)
          tpu.yield
        }) : () -> ()
      } else {
      }
      %ne3A = arith.constant 0 : i32
      %ne3A_144 = arith.cmpi ne, %arg0, %ne3A : i32
      %convert_element_type3A_145 = arith.extui %ne3A_144 : i1 to i32
      %cond3A_146 = arith.constant 0 : i32
      %cond3A_147 = arith.cmpi ne, %convert_element_type3A_145, %cond3A_146 : i32
      scf.if %cond3A_147 {
        "tpu.region"() ({
          %run_scoped3A = tpu.sem_alloc : memref<!tpu.dma_semaphore, #tpu.memory_space<semaphore_mem>>
          %dma_start3A_148 = arith.constant 9360 : i32
          %dma_start3A_149 = arith.constant 0 : i32
          %dma_start3A_150 = tpu.memref_slice %arg7[%dma_start3A_148, %dma_start3A_149] : memref<10000x128xf32, #tpu.memory_space<vmem_shared>> -> memref<640x128xf32, #tpu.memory_space<vmem_shared>>
          %dma_start3A_151 = arith.constant 9360 : i32
          %dma_start3A_152 = arith.constant 0 : i32
          %dma_start3A_153 = tpu.memref_slice %arg5[%dma_start3A_151, %dma_start3A_152] : memref<10000x128xf32, #tpu.memory_space<hbm>> -> memref<640x128xf32, #tpu.memory_space<hbm>>
          tpu.enqueue_dma source(%dma_start3A_153 : memref<640x128xf32, #tpu.memory_space<hbm>>) target(%dma_start3A_150 : memref<640x128xf32, #tpu.memory_space<vmem_shared>>) target_semaphore(%run_scoped3A : memref<!tpu.dma_semaphore, #tpu.memory_space<semaphore_mem>>)
          %dma_wait3A_154 = arith.constant 9360 : i32
          %dma_wait3A_155 = arith.constant 0 : i32
          %dma_wait3A_156 = tpu.memref_slice %arg7[%dma_wait3A_154, %dma_wait3A_155] : memref<10000x128xf32, #tpu.memory_space<vmem_shared>> -> memref<640x128xf32, #tpu.memory_space<vmem_shared>>
          %dma_wait3A_157 = arith.constant 9360 : i32
          %dma_wait3A_158 = arith.constant 0 : i32
          %dma_wait3A_159 = tpu.memref_slice %arg5[%dma_wait3A_157, %dma_wait3A_158] : memref<10000x128xf32, #tpu.memory_space<hbm>> -> memref<640x128xf32, #tpu.memory_space<hbm>>
          tpu.wait_dma2 semaphore(%run_scoped3A : memref<!tpu.dma_semaphore, #tpu.memory_space<semaphore_mem>>) src(%dma_wait3A_159 : memref<640x128xf32, #tpu.memory_space<hbm>>) dst(%dma_wait3A_156 : memref<640x128xf32, #tpu.memory_space<vmem_shared>>)
          tpu.yield
        }) : () -> ()
      } else {
      }
    } else {
    }
    %barrier3A = arith.constant 0 : index
    tpu.barrier barrier_id(%barrier3A)
    %mul3A_10 = arith.constant 9984 : i32
    %mul3A_11 = arith.muli %add3A, %mul3A_10 : i32
    %add3A_12 = arith.constant 0 : i32
    %add3A_13 = arith.addi %mul3A_11, %add3A_12 : i32
    %multiple_of3A = tpu.assume_multiple %add3A_13, 8 : i32
    %dma_start3A = arith.constant 0 : i32
    %dma_start3A_14 = arith.constant 0 : i32
    %dma_start3A_15 = tpu.memref_slice %arg8[%dma_start3A, %dma_start3A_14] : memref<3x128xi32, #tpu.memory_space<vmem>> -> memref<1x128xi32, #tpu.memory_space<vmem>>
    %dma_start3A_16 = tpu.memref_squeeze %dma_start3A_15 : memref<1x128xi32, #tpu.memory_space<vmem>> -> memref<128xi32, #tpu.memory_space<vmem>>
    %dma_start3A_17 = tpu.memref_slice %arg3[%multiple_of3A] : memref<320000xi32, #tpu.memory_space<hbm>> -> memref<128xi32, #tpu.memory_space<hbm>>
    %dma_start3A_18 = arith.constant 0 : i32
    %dma_start3A_19 = tpu.memref_slice %arg8[%dma_start3A, %dma_start3A_18] : memref<3x128xi32, #tpu.memory_space<vmem>> -> memref<1x128xi32, #tpu.memory_space<vmem>>
    %dma_start3A_20 = tpu.memref_squeeze %dma_start3A_19 : memref<1x128xi32, #tpu.memory_space<vmem>> -> memref<128xi32, #tpu.memory_space<vmem>>
    %dma_start3A_21 = tpu.memref_slice %arg3[%multiple_of3A] : memref<320000xi32, #tpu.memory_space<hbm>> -> memref<128xi32, #tpu.memory_space<hbm>>
    tpu.enqueue_dma source(%dma_start3A_21 : memref<128xi32, #tpu.memory_space<hbm>>) target(%dma_start3A_20 : memref<128xi32, #tpu.memory_space<vmem>>) target_semaphore(%arg17 : memref<!tpu.dma_semaphore, #tpu.memory_space<semaphore_mem>>)
    %dma_start3A_22 = arith.constant 0 : i32
    %dma_start3A_23 = arith.constant 0 : i32
    %dma_start3A_24 = tpu.memref_slice %arg9[%dma_start3A_22, %dma_start3A_23] : memref<3x128xi32, #tpu.memory_space<vmem>> -> memref<1x128xi32, #tpu.memory_space<vmem>>
    %dma_start3A_25 = tpu.memref_squeeze %dma_start3A_24 : memref<1x128xi32, #tpu.memory_space<vmem>> -> memref<128xi32, #tpu.memory_space<vmem>>
    %dma_start3A_26 = tpu.memref_slice %arg4[%multiple_of3A] : memref<320000xi32, #tpu.memory_space<hbm>> -> memref<128xi32, #tpu.memory_space<hbm>>
    %dma_start3A_27 = arith.constant 0 : i32
    %dma_start3A_28 = tpu.memref_slice %arg9[%dma_start3A_22, %dma_start3A_27] : memref<3x128xi32, #tpu.memory_space<vmem>> -> memref<1x128xi32, #tpu.memory_space<vmem>>
    %dma_start3A_29 = tpu.memref_squeeze %dma_start3A_28 : memref<1x128xi32, #tpu.memory_space<vmem>> -> memref<128xi32, #tpu.memory_space<vmem>>
    %dma_start3A_30 = tpu.memref_slice %arg4[%multiple_of3A] : memref<320000xi32, #tpu.memory_space<hbm>> -> memref<128xi32, #tpu.memory_space<hbm>>
    tpu.enqueue_dma source(%dma_start3A_30 : memref<128xi32, #tpu.memory_space<hbm>>) target(%dma_start3A_29 : memref<128xi32, #tpu.memory_space<vmem>>) target_semaphore(%arg17 : memref<!tpu.dma_semaphore, #tpu.memory_space<semaphore_mem>>)
    %mul3A_31 = arith.constant 9984 : i32
    %mul3A_32 = arith.muli %add3A, %mul3A_31 : i32
    %add3A_33 = arith.constant 128 : i32
    %add3A_34 = arith.addi %mul3A_32, %add3A_33 : i32
    %multiple_of3A_35 = tpu.assume_multiple %add3A_34, 8 : i32
    %dma_start3A_36 = arith.constant 1 : i32
    %dma_start3A_37 = arith.constant 0 : i32
    %dma_start3A_38 = tpu.memref_slice %arg8[%dma_start3A_36, %dma_start3A_37] : memref<3x128xi32, #tpu.memory_space<vmem>> -> memref<1x128xi32, #tpu.memory_space<vmem>>
    %dma_start3A_39 = tpu.memref_squeeze %dma_start3A_38 : memref<1x128xi32, #tpu.memory_space<vmem>> -> memref<128xi32, #tpu.memory_space<vmem>>
    %dma_start3A_40 = tpu.memref_slice %arg3[%multiple_of3A_35] : memref<320000xi32, #tpu.memory_space<hbm>> -> memref<128xi32, #tpu.memory_space<hbm>>
    %dma_start3A_41 = arith.constant 0 : i32
    %dma_start3A_42 = tpu.memref_slice %arg8[%dma_start3A_36, %dma_start3A_41] : memref<3x128xi32, #tpu.memory_space<vmem>> -> memref<1x128xi32, #tpu.memory_space<vmem>>
    %dma_start3A_43 = tpu.memref_squeeze %dma_start3A_42 : memref<1x128xi32, #tpu.memory_space<vmem>> -> memref<128xi32, #tpu.memory_space<vmem>>
    %dma_start3A_44 = tpu.memref_slice %arg3[%multiple_of3A_35] : memref<320000xi32, #tpu.memory_space<hbm>> -> memref<128xi32, #tpu.memory_space<hbm>>
    tpu.enqueue_dma source(%dma_start3A_44 : memref<128xi32, #tpu.memory_space<hbm>>) target(%dma_start3A_43 : memref<128xi32, #tpu.memory_space<vmem>>) target_semaphore(%arg18 : memref<!tpu.dma_semaphore, #tpu.memory_space<semaphore_mem>>)
    %dma_start3A_45 = arith.constant 1 : i32
    %dma_start3A_46 = arith.constant 0 : i32
    %dma_start3A_47 = tpu.memref_slice %arg9[%dma_start3A_45, %dma_start3A_46] : memref<3x128xi32, #tpu.memory_space<vmem>> -> memref<1x128xi32, #tpu.memory_space<vmem>>
    %dma_start3A_48 = tpu.memref_squeeze %dma_start3A_47 : memref<1x128xi32, #tpu.memory_space<vmem>> -> memref<128xi32, #tpu.memory_space<vmem>>
    %dma_start3A_49 = tpu.memref_slice %arg4[%multiple_of3A_35] : memref<320000xi32, #tpu.memory_space<hbm>> -> memref<128xi32, #tpu.memory_space<hbm>>
    %dma_start3A_50 = arith.constant 0 : i32
    %dma_start3A_51 = tpu.memref_slice %arg9[%dma_start3A_45, %dma_start3A_50] : memref<3x128xi32, #tpu.memory_space<vmem>> -> memref<1x128xi32, #tpu.memory_space<vmem>>
    %dma_start3A_52 = tpu.memref_squeeze %dma_start3A_51 : memref<1x128xi32, #tpu.memory_space<vmem>> -> memref<128xi32, #tpu.memory_space<vmem>>
    %dma_start3A_53 = tpu.memref_slice %arg4[%multiple_of3A_35] : memref<320000xi32, #tpu.memory_space<hbm>> -> memref<128xi32, #tpu.memory_space<hbm>>
    tpu.enqueue_dma source(%dma_start3A_53 : memref<128xi32, #tpu.memory_space<hbm>>) target(%dma_start3A_52 : memref<128xi32, #tpu.memory_space<vmem>>) target_semaphore(%arg18 : memref<!tpu.dma_semaphore, #tpu.memory_space<semaphore_mem>>)
    %dma_wait3A = arith.constant 0 : i32
    %dma_wait3A_54 = arith.constant 0 : i32
    %dma_wait3A_55 = tpu.memref_slice %arg8[%dma_wait3A, %dma_wait3A_54] : memref<3x128xi32, #tpu.memory_space<vmem>> -> memref<1x128xi32, #tpu.memory_space<vmem>>
    %dma_wait3A_56 = tpu.memref_squeeze %dma_wait3A_55 : memref<1x128xi32, #tpu.memory_space<vmem>> -> memref<128xi32, #tpu.memory_space<vmem>>
    %dma_wait3A_57 = arith.constant 0 : i32
    %dma_wait3A_58 = tpu.memref_slice %arg3[%dma_wait3A_57] : memref<320000xi32, #tpu.memory_space<hbm>> -> memref<128xi32, #tpu.memory_space<hbm>>
    %dma_wait3A_59 = arith.constant 0 : i32
    %dma_wait3A_60 = tpu.memref_slice %arg8[%dma_wait3A, %dma_wait3A_59] : memref<3x128xi32, #tpu.memory_space<vmem>> -> memref<1x128xi32, #tpu.memory_space<vmem>>
    %dma_wait3A_61 = tpu.memref_squeeze %dma_wait3A_60 : memref<1x128xi32, #tpu.memory_space<vmem>> -> memref<128xi32, #tpu.memory_space<vmem>>
    %dma_wait3A_62 = arith.constant 0 : i32
    %dma_wait3A_63 = tpu.memref_slice %arg3[%dma_wait3A_62] : memref<320000xi32, #tpu.memory_space<hbm>> -> memref<128xi32, #tpu.memory_space<hbm>>
    tpu.wait_dma2 semaphore(%arg17 : memref<!tpu.dma_semaphore, #tpu.memory_space<semaphore_mem>>) src(%dma_wait3A_63 : memref<128xi32, #tpu.memory_space<hbm>>) dst(%dma_wait3A_61 : memref<128xi32, #tpu.memory_space<vmem>>)
    %dma_wait3A_64 = arith.constant 0 : i32
    %dma_wait3A_65 = arith.constant 0 : i32
    %dma_wait3A_66 = tpu.memref_slice %arg9[%dma_wait3A_64, %dma_wait3A_65] : memref<3x128xi32, #tpu.memory_space<vmem>> -> memref<1x128xi32, #tpu.memory_space<vmem>>
    %dma_wait3A_67 = tpu.memref_squeeze %dma_wait3A_66 : memref<1x128xi32, #tpu.memory_space<vmem>> -> memref<128xi32, #tpu.memory_space<vmem>>
    %dma_wait3A_68 = arith.constant 0 : i32
    %dma_wait3A_69 = tpu.memref_slice %arg4[%dma_wait3A_68] : memref<320000xi32, #tpu.memory_space<hbm>> -> memref<128xi32, #tpu.memory_space<hbm>>
    %dma_wait3A_70 = arith.constant 0 : i32
    %dma_wait3A_71 = tpu.memref_slice %arg9[%dma_wait3A_64, %dma_wait3A_70] : memref<3x128xi32, #tpu.memory_space<vmem>> -> memref<1x128xi32, #tpu.memory_space<vmem>>
    %dma_wait3A_72 = tpu.memref_squeeze %dma_wait3A_71 : memref<1x128xi32, #tpu.memory_space<vmem>> -> memref<128xi32, #tpu.memory_space<vmem>>
    %dma_wait3A_73 = arith.constant 0 : i32
    %dma_wait3A_74 = tpu.memref_slice %arg4[%dma_wait3A_73] : memref<320000xi32, #tpu.memory_space<hbm>> -> memref<128xi32, #tpu.memory_space<hbm>>
    tpu.wait_dma2 semaphore(%arg17 : memref<!tpu.dma_semaphore, #tpu.memory_space<semaphore_mem>>) src(%dma_wait3A_74 : memref<128xi32, #tpu.memory_space<hbm>>) dst(%dma_wait3A_72 : memref<128xi32, #tpu.memory_space<vmem>>)
    %dma_start3A_75 = arith.constant 0 : i32
    %dma_start3A_76 = arith.constant 0 : i32
    %dma_start3A_77 = arith.constant 0 : i32
    %dma_start3A_78 = arith.constant 0 : i32
    %dma_start3A_79 = tpu.memref_slice %arg10[%dma_start3A_76, %dma_start3A_77, %dma_start3A_78] : memref<3x128x128xf32, #tpu.memory_space<vmem>> -> memref<1x128x128xf32, #tpu.memory_space<vmem>>
    %dma_start3A_80 = tpu.memref_squeeze %dma_start3A_79 : memref<1x128x128xf32, #tpu.memory_space<vmem>> -> memref<128x128xf32, #tpu.memory_space<vmem>>
    %dma_start3A_81 = arith.constant 0 : i32
    %dma_start3A_82 = tpu.memref_slice %arg8[%dma_start3A_75, %dma_start3A_81] : memref<3x128xi32, #tpu.memory_space<vmem>> -> memref<1x128xi32, #tpu.memory_space<vmem>>
    %dma_start3A_83 = tpu.memref_squeeze %dma_start3A_82 : memref<1x128xi32, #tpu.memory_space<vmem>> -> memref<128xi32, #tpu.memory_space<vmem>>
    %dma_start3A_84 = arith.constant 0 : i32
    %dma_start3A_85 = arith.constant 0 : i32
    %dma_start3A_86 = tpu.memref_slice %arg2[%dma_start3A_84, %dma_start3A_85] : memref<10000x128xf32, #tpu.memory_space<hbm>> -> memref<10000x128xf32, #tpu.memory_space<hbm>>
    tpu.enqueue_indirect_dma source(%dma_start3A_86 : memref<10000x128xf32, #tpu.memory_space<hbm>>) target(%dma_start3A_80 : memref<128x128xf32, #tpu.memory_space<vmem>>) offsets(%dma_start3A_83 : memref<128xi32, #tpu.memory_space<vmem>>) semaphore(%arg11 : memref<!tpu.dma_semaphore, #tpu.memory_space<semaphore_mem>>)
    %scan3A = arith.constant 0 : i32
    %scan3A_87 = arith.constant 0 : i32
    %scan3A_88 = arith.constant 28 : i32
    %scan3A_89 = arith.addi %scan3A_87, %scan3A_88 : i32
    %scan3A_90 = arith.constant 1 : i32
    scf.for %scan3A_139 = %scan3A_87 to %scan3A_89 step %scan3A_90  : i32 {
      %mul3A_140 = arith.constant 3 : i32
      %mul3A_141 = arith.muli %mul3A_140, %scan3A_139 : i32
      %add3A_142 = arith.constant 0 : i32
      %add3A_143 = arith.addi %mul3A_141, %add3A_142 : i32
      %add3A_144 = arith.constant 1 : i32
      %add3A_145 = arith.addi %add3A_143, %add3A_144 : i32
      %lt3A_146 = arith.cmpi slt, %add3A_145, %select_n3A : i32
      %convert_element_type3A_147 = arith.extui %lt3A_146 : i1 to i32
      %cond3A_148 = arith.constant 0 : i32
      %cond3A_149 = arith.cmpi ne, %convert_element_type3A_147, %cond3A_148 : i32
      scf.if %cond3A_149 {
        %dma_wait3A_200 = arith.constant 1 : i32
        %dma_wait3A_201 = arith.constant 0 : i32
        %dma_wait3A_202 = tpu.memref_slice %arg8[%dma_wait3A_200, %dma_wait3A_201] : memref<3x128xi32, #tpu.memory_space<vmem>> -> memref<1x128xi32, #tpu.memory_space<vmem>>
        %dma_wait3A_203 = tpu.memref_squeeze %dma_wait3A_202 : memref<1x128xi32, #tpu.memory_space<vmem>> -> memref<128xi32, #tpu.memory_space<vmem>>
        %dma_wait3A_204 = arith.constant 0 : i32
        %dma_wait3A_205 = tpu.memref_slice %arg3[%dma_wait3A_204] : memref<320000xi32, #tpu.memory_space<hbm>> -> memref<128xi32, #tpu.memory_space<hbm>>
        %dma_wait3A_206 = arith.constant 0 : i32
        %dma_wait3A_207 = tpu.memref_slice %arg8[%dma_wait3A_200, %dma_wait3A_206] : memref<3x128xi32, #tpu.memory_space<vmem>> -> memref<1x128xi32, #tpu.memory_space<vmem>>
        %dma_wait3A_208 = tpu.memref_squeeze %dma_wait3A_207 : memref<1x128xi32, #tpu.memory_space<vmem>> -> memref<128xi32, #tpu.memory_space<vmem>>
        %dma_wait3A_209 = arith.constant 0 : i32
        %dma_wait3A_210 = tpu.memref_slice %arg3[%dma_wait3A_209] : memref<320000xi32, #tpu.memory_space<hbm>> -> memref<128xi32, #tpu.memory_space<hbm>>
        tpu.wait_dma2 semaphore(%arg18 : memref<!tpu.dma_semaphore, #tpu.memory_space<semaphore_mem>>) src(%dma_wait3A_210 : memref<128xi32, #tpu.memory_space<hbm>>) dst(%dma_wait3A_208 : memref<128xi32, #tpu.memory_space<vmem>>)
        %dma_wait3A_211 = arith.constant 1 : i32
        %dma_wait3A_212 = arith.constant 0 : i32
        %dma_wait3A_213 = tpu.memref_slice %arg9[%dma_wait3A_211, %dma_wait3A_212] : memref<3x128xi32, #tpu.memory_space<vmem>> -> memref<1x128xi32, #tpu.memory_space<vmem>>
        %dma_wait3A_214 = tpu.memref_squeeze %dma_wait3A_213 : memref<1x128xi32, #tpu.memory_space<vmem>> -> memref<128xi32, #tpu.memory_space<vmem>>
        %dma_wait3A_215 = arith.constant 0 : i32
        %dma_wait3A_216 = tpu.memref_slice %arg4[%dma_wait3A_215] : memref<320000xi32, #tpu.memory_space<hbm>> -> memref<128xi32, #tpu.memory_space<hbm>>
        %dma_wait3A_217 = arith.constant 0 : i32
        %dma_wait3A_218 = tpu.memref_slice %arg9[%dma_wait3A_211, %dma_wait3A_217] : memref<3x128xi32, #tpu.memory_space<vmem>> -> memref<1x128xi32, #tpu.memory_space<vmem>>
        %dma_wait3A_219 = tpu.memref_squeeze %dma_wait3A_218 : memref<1x128xi32, #tpu.memory_space<vmem>> -> memref<128xi32, #tpu.memory_space<vmem>>
        %dma_wait3A_220 = arith.constant 0 : i32
        %dma_wait3A_221 = tpu.memref_slice %arg4[%dma_wait3A_220] : memref<320000xi32, #tpu.memory_space<hbm>> -> memref<128xi32, #tpu.memory_space<hbm>>
        tpu.wait_dma2 semaphore(%arg18 : memref<!tpu.dma_semaphore, #tpu.memory_space<semaphore_mem>>) src(%dma_wait3A_221 : memref<128xi32, #tpu.memory_space<hbm>>) dst(%dma_wait3A_219 : memref<128xi32, #tpu.memory_space<vmem>>)
        %dma_start3A_222 = arith.constant 1 : i32
        %dma_start3A_223 = arith.constant 1 : i32
        %dma_start3A_224 = arith.constant 0 : i32
        %dma_start3A_225 = arith.constant 0 : i32
        %dma_start3A_226 = tpu.memref_slice %arg10[%dma_start3A_223, %dma_start3A_224, %dma_start3A_225] : memref<3x128x128xf32, #tpu.memory_space<vmem>> -> memref<1x128x128xf32, #tpu.memory_space<vmem>>
        %dma_start3A_227 = tpu.memref_squeeze %dma_start3A_226 : memref<1x128x128xf32, #tpu.memory_space<vmem>> -> memref<128x128xf32, #tpu.memory_space<vmem>>
        %dma_start3A_228 = arith.constant 0 : i32
        %dma_start3A_229 = tpu.memref_slice %arg8[%dma_start3A_222, %dma_start3A_228] : memref<3x128xi32, #tpu.memory_space<vmem>> -> memref<1x128xi32, #tpu.memory_space<vmem>>
        %dma_start3A_230 = tpu.memref_squeeze %dma_start3A_229 : memref<1x128xi32, #tpu.memory_space<vmem>> -> memref<128xi32, #tpu.memory_space<vmem>>
        %dma_start3A_231 = arith.constant 0 : i32
        %dma_start3A_232 = arith.constant 0 : i32
        %dma_start3A_233 = tpu.memref_slice %arg2[%dma_start3A_231, %dma_start3A_232] : memref<10000x128xf32, #tpu.memory_space<hbm>> -> memref<10000x128xf32, #tpu.memory_space<hbm>>
        tpu.enqueue_indirect_dma source(%dma_start3A_233 : memref<10000x128xf32, #tpu.memory_space<hbm>>) target(%dma_start3A_227 : memref<128x128xf32, #tpu.memory_space<vmem>>) offsets(%dma_start3A_230 : memref<128xi32, #tpu.memory_space<vmem>>) semaphore(%arg12 : memref<!tpu.dma_semaphore, #tpu.memory_space<semaphore_mem>>)
      } else {
      }
      %lt3A_150 = arith.cmpi slt, %add3A_143, %select_n3A : i32
      %convert_element_type3A_151 = arith.extui %lt3A_150 : i1 to i32
      %cond3A_152 = arith.constant 0 : i32
      %cond3A_153 = arith.cmpi ne, %convert_element_type3A_151, %cond3A_152 : i32
      scf.if %cond3A_153 {
        %dma_wait3A_200 = arith.constant 0 : i32
        %dma_wait3A_201 = arith.constant 0 : i32
        %dma_wait3A_202 = arith.constant 0 : i32
        %dma_wait3A_203 = arith.constant 0 : i32
        %dma_wait3A_204 = tpu.memref_slice %arg10[%dma_wait3A_201, %dma_wait3A_202, %dma_wait3A_203] : memref<3x128x128xf32, #tpu.memory_space<vmem>> -> memref<1x128x128xf32, #tpu.memory_space<vmem>>
        %dma_wait3A_205 = tpu.memref_squeeze %dma_wait3A_204 : memref<1x128x128xf32, #tpu.memory_space<vmem>> -> memref<128x128xf32, #tpu.memory_space<vmem>>
        %dma_wait3A_206 = arith.constant 0 : i32
        %dma_wait3A_207 = tpu.memref_slice %arg8[%dma_wait3A_200, %dma_wait3A_206] : memref<3x128xi32, #tpu.memory_space<vmem>> -> memref<1x128xi32, #tpu.memory_space<vmem>>
        %dma_wait3A_208 = tpu.memref_squeeze %dma_wait3A_207 : memref<1x128xi32, #tpu.memory_space<vmem>> -> memref<128xi32, #tpu.memory_space<vmem>>
        %dma_wait3A_209 = arith.constant 0 : i32
        %dma_wait3A_210 = arith.constant 0 : i32
        %dma_wait3A_211 = tpu.memref_slice %arg2[%dma_wait3A_209, %dma_wait3A_210] : memref<10000x128xf32, #tpu.memory_space<hbm>> -> memref<10000x128xf32, #tpu.memory_space<hbm>>
        tpu.wait_indirect_dma semaphore(%arg11 : memref<!tpu.dma_semaphore, #tpu.memory_space<semaphore_mem>>) src(%dma_wait3A_211 : memref<10000x128xf32, #tpu.memory_space<hbm>>) dst(%dma_wait3A_205 : memref<128x128xf32, #tpu.memory_space<vmem>>)
        %dma_start3A_212 = arith.constant 0 : i32
        %dma_start3A_213 = arith.constant 0 : i32
        %dma_start3A_214 = arith.constant 0 : i32
        %dma_start3A_215 = arith.constant 0 : i32
        %dma_start3A_216 = tpu.memref_slice %arg10[%dma_start3A_212, %dma_start3A_214, %dma_start3A_215] : memref<3x128x128xf32, #tpu.memory_space<vmem>> -> memref<1x128x128xf32, #tpu.memory_space<vmem>>
        %dma_start3A_217 = tpu.memref_squeeze %dma_start3A_216 : memref<1x128x128xf32, #tpu.memory_space<vmem>> -> memref<128x128xf32, #tpu.memory_space<vmem>>
        %dma_start3A_218 = arith.constant 0 : i32
        %dma_start3A_219 = tpu.memref_slice %arg9[%dma_start3A_213, %dma_start3A_218] : memref<3x128xi32, #tpu.memory_space<vmem>> -> memref<1x128xi32, #tpu.memory_space<vmem>>
        %dma_start3A_220 = tpu.memref_squeeze %dma_start3A_219 : memref<1x128xi32, #tpu.memory_space<vmem>> -> memref<128xi32, #tpu.memory_space<vmem>>
        %dma_start3A_221 = arith.constant 0 : i32
        %dma_start3A_222 = arith.constant 0 : i32
        %dma_start3A_223 = tpu.memref_slice %arg7[%dma_start3A_221, %dma_start3A_222] : memref<10000x128xf32, #tpu.memory_space<vmem_shared>> -> memref<10000x128xf32, #tpu.memory_space<vmem_shared>>
        tpu.enqueue_indirect_dma source(%dma_start3A_217 : memref<128x128xf32, #tpu.memory_space<vmem>>) target(%dma_start3A_223 : memref<10000x128xf32, #tpu.memory_space<vmem_shared>>) offsets(%dma_start3A_220 : memref<128xi32, #tpu.memory_space<vmem>>) semaphore(%arg14 : memref<!tpu.dma_semaphore, #tpu.memory_space<semaphore_mem>>) {add = true}
      } else {
      }
      %add3A_154 = arith.constant 2 : i32
      %add3A_155 = arith.addi %add3A_143, %add3A_154 : i32
      %lt3A_156 = arith.cmpi slt, %add3A_155, %select_n3A : i32
      %convert_element_type3A_157 = arith.extui %lt3A_156 : i1 to i32
      %cond3A_158 = arith.constant 0 : i32
      %cond3A_159 = arith.cmpi ne, %convert_element_type3A_157, %cond3A_158 : i32
      scf.if %cond3A_159 {
        %ge3A = arith.constant 3 : i32
        %ge3A_200 = arith.cmpi sge, %add3A_155, %ge3A : i32
        %convert_element_type3A_201 = arith.extui %ge3A_200 : i1 to i32
        %cond3A_202 = arith.constant 0 : i32
        %cond3A_203 = arith.cmpi ne, %convert_element_type3A_201, %cond3A_202 : i32
        scf.if %cond3A_203 {
          %dma_wait3A_228 = arith.constant 2 : i32
          %dma_wait3A_229 = arith.constant 2 : i32
          %dma_wait3A_230 = arith.constant 0 : i32
          %dma_wait3A_231 = arith.constant 0 : i32
          %dma_wait3A_232 = tpu.memref_slice %arg10[%dma_wait3A_228, %dma_wait3A_230, %dma_wait3A_231] : memref<3x128x128xf32, #tpu.memory_space<vmem>> -> memref<1x128x128xf32, #tpu.memory_space<vmem>>
          %dma_wait3A_233 = tpu.memref_squeeze %dma_wait3A_232 : memref<1x128x128xf32, #tpu.memory_space<vmem>> -> memref<128x128xf32, #tpu.memory_space<vmem>>
          %dma_wait3A_234 = arith.constant 0 : i32
          %dma_wait3A_235 = tpu.memref_slice %arg9[%dma_wait3A_229, %dma_wait3A_234] : memref<3x128xi32, #tpu.memory_space<vmem>> -> memref<1x128xi32, #tpu.memory_space<vmem>>
          %dma_wait3A_236 = tpu.memref_squeeze %dma_wait3A_235 : memref<1x128xi32, #tpu.memory_space<vmem>> -> memref<128xi32, #tpu.memory_space<vmem>>
          %dma_wait3A_237 = arith.constant 0 : i32
          %dma_wait3A_238 = arith.constant 0 : i32
          %dma_wait3A_239 = tpu.memref_slice %arg7[%dma_wait3A_237, %dma_wait3A_238] : memref<10000x128xf32, #tpu.memory_space<vmem_shared>> -> memref<10000x128xf32, #tpu.memory_space<vmem_shared>>
          tpu.wait_indirect_dma semaphore(%arg16 : memref<!tpu.dma_semaphore, #tpu.memory_space<semaphore_mem>>) src(%dma_wait3A_233 : memref<128x128xf32, #tpu.memory_space<vmem>>) dst(%dma_wait3A_239 : memref<10000x128xf32, #tpu.memory_space<vmem_shared>>)
        } else {
        }
        %mul3A_204 = arith.constant 9984 : i32
        %mul3A_205 = arith.muli %add3A, %mul3A_204 : i32
        %mul3A_206 = arith.constant 128 : i32
        %mul3A_207 = arith.muli %add3A_155, %mul3A_206 : i32
        %add3A_208 = arith.addi %mul3A_205, %mul3A_207 : i32
        %multiple_of3A_209 = tpu.assume_multiple %add3A_208, 8 : i32
        %dma_start3A_210 = arith.constant 2 : i32
        %dma_start3A_211 = arith.constant 0 : i32
        %dma_start3A_212 = tpu.memref_slice %arg8[%dma_start3A_210, %dma_start3A_211] : memref<3x128xi32, #tpu.memory_space<vmem>> -> memref<1x128xi32, #tpu.memory_space<vmem>>
        %dma_start3A_213 = tpu.memref_squeeze %dma_start3A_212 : memref<1x128xi32, #tpu.memory_space<vmem>> -> memref<128xi32, #tpu.memory_space<vmem>>
        %dma_start3A_214 = tpu.memref_slice %arg3[%multiple_of3A_209] : memref<320000xi32, #tpu.memory_space<hbm>> -> memref<128xi32, #tpu.memory_space<hbm>>
        %dma_start3A_215 = arith.constant 0 : i32
        %dma_start3A_216 = tpu.memref_slice %arg8[%dma_start3A_210, %dma_start3A_215] : memref<3x128xi32, #tpu.memory_space<vmem>> -> memref<1x128xi32, #tpu.memory_space<vmem>>
        %dma_start3A_217 = tpu.memref_squeeze %dma_start3A_216 : memref<1x128xi32, #tpu.memory_space<vmem>> -> memref<128xi32, #tpu.memory_space<vmem>>
        %dma_start3A_218 = tpu.memref_slice %arg3[%multiple_of3A_209] : memref<320000xi32, #tpu.memory_space<hbm>> -> memref<128xi32, #tpu.memory_space<hbm>>
        tpu.enqueue_dma source(%dma_start3A_218 : memref<128xi32, #tpu.memory_space<hbm>>) target(%dma_start3A_217 : memref<128xi32, #tpu.memory_space<vmem>>) target_semaphore(%arg19 : memref<!tpu.dma_semaphore, #tpu.memory_space<semaphore_mem>>)
        %dma_start3A_219 = arith.constant 2 : i32
        %dma_start3A_220 = arith.constant 0 : i32
        %dma_start3A_221 = tpu.memref_slice %arg9[%dma_start3A_219, %dma_start3A_220] : memref<3x128xi32, #tpu.memory_space<vmem>> -> memref<1x128xi32, #tpu.memory_space<vmem>>
        %dma_start3A_222 = tpu.memref_squeeze %dma_start3A_221 : memref<1x128xi32, #tpu.memory_space<vmem>> -> memref<128xi32, #tpu.memory_space<vmem>>
        %dma_start3A_223 = tpu.memref_slice %arg4[%multiple_of3A_209] : memref<320000xi32, #tpu.memory_space<hbm>> -> memref<128xi32, #tpu.memory_space<hbm>>
        %dma_start3A_224 = arith.constant 0 : i32
        %dma_start3A_225 = tpu.memref_slice %arg9[%dma_start3A_219, %dma_start3A_224] : memref<3x128xi32, #tpu.memory_space<vmem>> -> memref<1x128xi32, #tpu.memory_space<vmem>>
        %dma_start3A_226 = tpu.memref_squeeze %dma_start3A_225 : memref<1x128xi32, #tpu.memory_space<vmem>> -> memref<128xi32, #tpu.memory_space<vmem>>
        %dma_start3A_227 = tpu.memref_slice %arg4[%multiple_of3A_209] : memref<320000xi32, #tpu.memory_space<hbm>> -> memref<128xi32, #tpu.memory_space<hbm>>
        tpu.enqueue_dma source(%dma_start3A_227 : memref<128xi32, #tpu.memory_space<hbm>>) target(%dma_start3A_226 : memref<128xi32, #tpu.memory_space<vmem>>) target_semaphore(%arg19 : memref<!tpu.dma_semaphore, #tpu.memory_space<semaphore_mem>>)
      } else {
      }
      %mul3A_160 = arith.constant 3 : i32
      %mul3A_161 = arith.muli %mul3A_160, %scan3A_139 : i32
      %add3A_162 = arith.constant 1 : i32
      %add3A_163 = arith.addi %mul3A_161, %add3A_162 : i32
      %add3A_164 = arith.constant 1 : i32
      %add3A_165 = arith.addi %add3A_163, %add3A_164 : i32
      %lt3A_166 = arith.cmpi slt, %add3A_165, %select_n3A : i32
      %convert_element_type3A_167 = arith.extui %lt3A_166 : i1 to i32
      %cond3A_168 = arith.constant 0 : i32
      %cond3A_169 = arith.cmpi ne, %convert_element_type3A_167, %cond3A_168 : i32
      scf.if %cond3A_169 {
        %dma_wait3A_200 = arith.constant 2 : i32
        %dma_wait3A_201 = arith.constant 0 : i32
        %dma_wait3A_202 = tpu.memref_slice %arg8[%dma_wait3A_200, %dma_wait3A_201] : memref<3x128xi32, #tpu.memory_space<vmem>> -> memref<1x128xi32, #tpu.memory_space<vmem>>
        %dma_wait3A_203 = tpu.memref_squeeze %dma_wait3A_202 : memref<1x128xi32, #tpu.memory_space<vmem>> -> memref<128xi32, #tpu.memory_space<vmem>>
        %dma_wait3A_204 = arith.constant 0 : i32
        %dma_wait3A_205 = tpu.memref_slice %arg3[%dma_wait3A_204] : memref<320000xi32, #tpu.memory_space<hbm>> -> memref<128xi32, #tpu.memory_space<hbm>>
        %dma_wait3A_206 = arith.constant 0 : i32
        %dma_wait3A_207 = tpu.memref_slice %arg8[%dma_wait3A_200, %dma_wait3A_206] : memref<3x128xi32, #tpu.memory_space<vmem>> -> memref<1x128xi32, #tpu.memory_space<vmem>>
        %dma_wait3A_208 = tpu.memref_squeeze %dma_wait3A_207 : memref<1x128xi32, #tpu.memory_space<vmem>> -> memref<128xi32, #tpu.memory_space<vmem>>
        %dma_wait3A_209 = arith.constant 0 : i32
        %dma_wait3A_210 = tpu.memref_slice %arg3[%dma_wait3A_209] : memref<320000xi32, #tpu.memory_space<hbm>> -> memref<128xi32, #tpu.memory_space<hbm>>
        tpu.wait_dma2 semaphore(%arg19 : memref<!tpu.dma_semaphore, #tpu.memory_space<semaphore_mem>>) src(%dma_wait3A_210 : memref<128xi32, #tpu.memory_space<hbm>>) dst(%dma_wait3A_208 : memref<128xi32, #tpu.memory_space<vmem>>)
        %dma_wait3A_211 = arith.constant 2 : i32
        %dma_wait3A_212 = arith.constant 0 : i32
        %dma_wait3A_213 = tpu.memref_slice %arg9[%dma_wait3A_211, %dma_wait3A_212] : memref<3x128xi32, #tpu.memory_space<vmem>> -> memref<1x128xi32, #tpu.memory_space<vmem>>
        %dma_wait3A_214 = tpu.memref_squeeze %dma_wait3A_213 : memref<1x128xi32, #tpu.memory_space<vmem>> -> memref<128xi32, #tpu.memory_space<vmem>>
        %dma_wait3A_215 = arith.constant 0 : i32
        %dma_wait3A_216 = tpu.memref_slice %arg4[%dma_wait3A_215] : memref<320000xi32, #tpu.memory_space<hbm>> -> memref<128xi32, #tpu.memory_space<hbm>>
        %dma_wait3A_217 = arith.constant 0 : i32
        %dma_wait3A_218 = tpu.memref_slice %arg9[%dma_wait3A_211, %dma_wait3A_217] : memref<3x128xi32, #tpu.memory_space<vmem>> -> memref<1x128xi32, #tpu.memory_space<vmem>>
        %dma_wait3A_219 = tpu.memref_squeeze %dma_wait3A_218 : memref<1x128xi32, #tpu.memory_space<vmem>> -> memref<128xi32, #tpu.memory_space<vmem>>
        %dma_wait3A_220 = arith.constant 0 : i32
        %dma_wait3A_221 = tpu.memref_slice %arg4[%dma_wait3A_220] : memref<320000xi32, #tpu.memory_space<hbm>> -> memref<128xi32, #tpu.memory_space<hbm>>
        tpu.wait_dma2 semaphore(%arg19 : memref<!tpu.dma_semaphore, #tpu.memory_space<semaphore_mem>>) src(%dma_wait3A_221 : memref<128xi32, #tpu.memory_space<hbm>>) dst(%dma_wait3A_219 : memref<128xi32, #tpu.memory_space<vmem>>)
        %dma_start3A_222 = arith.constant 2 : i32
        %dma_start3A_223 = arith.constant 2 : i32
        %dma_start3A_224 = arith.constant 0 : i32
        %dma_start3A_225 = arith.constant 0 : i32
        %dma_start3A_226 = tpu.memref_slice %arg10[%dma_start3A_223, %dma_start3A_224, %dma_start3A_225] : memref<3x128x128xf32, #tpu.memory_space<vmem>> -> memref<1x128x128xf32, #tpu.memory_space<vmem>>
        %dma_start3A_227 = tpu.memref_squeeze %dma_start3A_226 : memref<1x128x128xf32, #tpu.memory_space<vmem>> -> memref<128x128xf32, #tpu.memory_space<vmem>>
        %dma_start3A_228 = arith.constant 0 : i32
        %dma_start3A_229 = tpu.memref_slice %arg8[%dma_start3A_222, %dma_start3A_228] : memref<3x128xi32, #tpu.memory_space<vmem>> -> memref<1x128xi32, #tpu.memory_space<vmem>>
        %dma_start3A_230 = tpu.memref_squeeze %dma_start3A_229 : memref<1x128xi32, #tpu.memory_space<vmem>> -> memref<128xi32, #tpu.memory_space<vmem>>
        %dma_start3A_231 = arith.constant 0 : i32
        %dma_start3A_232 = arith.constant 0 : i32
        %dma_start3A_233 = tpu.memref_slice %arg2[%dma_start3A_231, %dma_start3A_232] : memref<10000x128xf32, #tpu.memory_space<hbm>> -> memref<10000x128xf32, #tpu.memory_space<hbm>>
        tpu.enqueue_indirect_dma source(%dma_start3A_233 : memref<10000x128xf32, #tpu.memory_space<hbm>>) target(%dma_start3A_227 : memref<128x128xf32, #tpu.memory_space<vmem>>) offsets(%dma_start3A_230 : memref<128xi32, #tpu.memory_space<vmem>>) semaphore(%arg13 : memref<!tpu.dma_semaphore, #tpu.memory_space<semaphore_mem>>)
      } else {
      }
      %lt3A_170 = arith.cmpi slt, %add3A_163, %select_n3A : i32
      %convert_element_type3A_171 = arith.extui %lt3A_170 : i1 to i32
      %cond3A_172 = arith.constant 0 : i32
      %cond3A_173 = arith.cmpi ne, %convert_element_type3A_171, %cond3A_172 : i32
      scf.if %cond3A_173 {
        %dma_wait3A_200 = arith.constant 1 : i32
        %dma_wait3A_201 = arith.constant 1 : i32
        %dma_wait3A_202 = arith.constant 0 : i32
        %dma_wait3A_203 = arith.constant 0 : i32
        %dma_wait3A_204 = tpu.memref_slice %arg10[%dma_wait3A_201, %dma_wait3A_202, %dma_wait3A_203] : memref<3x128x128xf32, #tpu.memory_space<vmem>> -> memref<1x128x128xf32, #tpu.memory_space<vmem>>
        %dma_wait3A_205 = tpu.memref_squeeze %dma_wait3A_204 : memref<1x128x128xf32, #tpu.memory_space<vmem>> -> memref<128x128xf32, #tpu.memory_space<vmem>>
        %dma_wait3A_206 = arith.constant 0 : i32
        %dma_wait3A_207 = tpu.memref_slice %arg8[%dma_wait3A_200, %dma_wait3A_206] : memref<3x128xi32, #tpu.memory_space<vmem>> -> memref<1x128xi32, #tpu.memory_space<vmem>>
        %dma_wait3A_208 = tpu.memref_squeeze %dma_wait3A_207 : memref<1x128xi32, #tpu.memory_space<vmem>> -> memref<128xi32, #tpu.memory_space<vmem>>
        %dma_wait3A_209 = arith.constant 0 : i32
        %dma_wait3A_210 = arith.constant 0 : i32
        %dma_wait3A_211 = tpu.memref_slice %arg2[%dma_wait3A_209, %dma_wait3A_210] : memref<10000x128xf32, #tpu.memory_space<hbm>> -> memref<10000x128xf32, #tpu.memory_space<hbm>>
        tpu.wait_indirect_dma semaphore(%arg12 : memref<!tpu.dma_semaphore, #tpu.memory_space<semaphore_mem>>) src(%dma_wait3A_211 : memref<10000x128xf32, #tpu.memory_space<hbm>>) dst(%dma_wait3A_205 : memref<128x128xf32, #tpu.memory_space<vmem>>)
        %dma_start3A_212 = arith.constant 1 : i32
        %dma_start3A_213 = arith.constant 1 : i32
        %dma_start3A_214 = arith.constant 0 : i32
        %dma_start3A_215 = arith.constant 0 : i32
        %dma_start3A_216 = tpu.memref_slice %arg10[%dma_start3A_212, %dma_start3A_214, %dma_start3A_215] : memref<3x128x128xf32, #tpu.memory_space<vmem>> -> memref<1x128x128xf32, #tpu.memory_space<vmem>>
        %dma_start3A_217 = tpu.memref_squeeze %dma_start3A_216 : memref<1x128x128xf32, #tpu.memory_space<vmem>> -> memref<128x128xf32, #tpu.memory_space<vmem>>
        %dma_start3A_218 = arith.constant 0 : i32
        %dma_start3A_219 = tpu.memref_slice %arg9[%dma_start3A_213, %dma_start3A_218] : memref<3x128xi32, #tpu.memory_space<vmem>> -> memref<1x128xi32, #tpu.memory_space<vmem>>
        %dma_start3A_220 = tpu.memref_squeeze %dma_start3A_219 : memref<1x128xi32, #tpu.memory_space<vmem>> -> memref<128xi32, #tpu.memory_space<vmem>>
        %dma_start3A_221 = arith.constant 0 : i32
        %dma_start3A_222 = arith.constant 0 : i32
        %dma_start3A_223 = tpu.memref_slice %arg7[%dma_start3A_221, %dma_start3A_222] : memref<10000x128xf32, #tpu.memory_space<vmem_shared>> -> memref<10000x128xf32, #tpu.memory_space<vmem_shared>>
        tpu.enqueue_indirect_dma source(%dma_start3A_217 : memref<128x128xf32, #tpu.memory_space<vmem>>) target(%dma_start3A_223 : memref<10000x128xf32, #tpu.memory_space<vmem_shared>>) offsets(%dma_start3A_220 : memref<128xi32, #tpu.memory_space<vmem>>) semaphore(%arg15 : memref<!tpu.dma_semaphore, #tpu.memory_space<semaphore_mem>>) {add = true}
      } else {
      }
      %add3A_174 = arith.constant 2 : i32
      %add3A_175 = arith.addi %add3A_163, %add3A_174 : i32
      %lt3A_176 = arith.cmpi slt, %add3A_175, %select_n3A : i32
      %convert_element_type3A_177 = arith.extui %lt3A_176 : i1 to i32
      %cond3A_178 = arith.constant 0 : i32
      %cond3A_179 = arith.cmpi ne, %convert_element_type3A_177, %cond3A_178 : i32
      scf.if %cond3A_179 {
        %ge3A = arith.constant 3 : i32
        %ge3A_200 = arith.cmpi sge, %add3A_175, %ge3A : i32
        %convert_element_type3A_201 = arith.extui %ge3A_200 : i1 to i32
        %cond3A_202 = arith.constant 0 : i32
        %cond3A_203 = arith.cmpi ne, %convert_element_type3A_201, %cond3A_202 : i32
        scf.if %cond3A_203 {
          %dma_wait3A_228 = arith.constant 0 : i32
          %dma_wait3A_229 = arith.constant 0 : i32
          %dma_wait3A_230 = arith.constant 0 : i32
          %dma_wait3A_231 = arith.constant 0 : i32
          %dma_wait3A_232 = tpu.memref_slice %arg10[%dma_wait3A_228, %dma_wait3A_230, %dma_wait3A_231] : memref<3x128x128xf32, #tpu.memory_space<vmem>> -> memref<1x128x128xf32, #tpu.memory_space<vmem>>
          %dma_wait3A_233 = tpu.memref_squeeze %dma_wait3A_232 : memref<1x128x128xf32, #tpu.memory_space<vmem>> -> memref<128x128xf32, #tpu.memory_space<vmem>>
          %dma_wait3A_234 = arith.constant 0 : i32
          %dma_wait3A_235 = tpu.memref_slice %arg9[%dma_wait3A_229, %dma_wait3A_234] : memref<3x128xi32, #tpu.memory_space<vmem>> -> memref<1x128xi32, #tpu.memory_space<vmem>>
          %dma_wait3A_236 = tpu.memref_squeeze %dma_wait3A_235 : memref<1x128xi32, #tpu.memory_space<vmem>> -> memref<128xi32, #tpu.memory_space<vmem>>
          %dma_wait3A_237 = arith.constant 0 : i32
          %dma_wait3A_238 = arith.constant 0 : i32
          %dma_wait3A_239 = tpu.memref_slice %arg7[%dma_wait3A_237, %dma_wait3A_238] : memref<10000x128xf32, #tpu.memory_space<vmem_shared>> -> memref<10000x128xf32, #tpu.memory_space<vmem_shared>>
          tpu.wait_indirect_dma semaphore(%arg14 : memref<!tpu.dma_semaphore, #tpu.memory_space<semaphore_mem>>) src(%dma_wait3A_233 : memref<128x128xf32, #tpu.memory_space<vmem>>) dst(%dma_wait3A_239 : memref<10000x128xf32, #tpu.memory_space<vmem_shared>>)
        } else {
        }
        %mul3A_204 = arith.constant 9984 : i32
        %mul3A_205 = arith.muli %add3A, %mul3A_204 : i32
        %mul3A_206 = arith.constant 128 : i32
        %mul3A_207 = arith.muli %add3A_175, %mul3A_206 : i32
        %add3A_208 = arith.addi %mul3A_205, %mul3A_207 : i32
        %multiple_of3A_209 = tpu.assume_multiple %add3A_208, 8 : i32
        %dma_start3A_210 = arith.constant 0 : i32
        %dma_start3A_211 = arith.constant 0 : i32
        %dma_start3A_212 = tpu.memref_slice %arg8[%dma_start3A_210, %dma_start3A_211] : memref<3x128xi32, #tpu.memory_space<vmem>> -> memref<1x128xi32, #tpu.memory_space<vmem>>
        %dma_start3A_213 = tpu.memref_squeeze %dma_start3A_212 : memref<1x128xi32, #tpu.memory_space<vmem>> -> memref<128xi32, #tpu.memory_space<vmem>>
        %dma_start3A_214 = tpu.memref_slice %arg3[%multiple_of3A_209] : memref<320000xi32, #tpu.memory_space<hbm>> -> memref<128xi32, #tpu.memory_space<hbm>>
        %dma_start3A_215 = arith.constant 0 : i32
        %dma_start3A_216 = tpu.memref_slice %arg8[%dma_start3A_210, %dma_start3A_215] : memref<3x128xi32, #tpu.memory_space<vmem>> -> memref<1x128xi32, #tpu.memory_space<vmem>>
        %dma_start3A_217 = tpu.memref_squeeze %dma_start3A_216 : memref<1x128xi32, #tpu.memory_space<vmem>> -> memref<128xi32, #tpu.memory_space<vmem>>
        %dma_start3A_218 = tpu.memref_slice %arg3[%multiple_of3A_209] : memref<320000xi32, #tpu.memory_space<hbm>> -> memref<128xi32, #tpu.memory_space<hbm>>
        tpu.enqueue_dma source(%dma_start3A_218 : memref<128xi32, #tpu.memory_space<hbm>>) target(%dma_start3A_217 : memref<128xi32, #tpu.memory_space<vmem>>) target_semaphore(%arg17 : memref<!tpu.dma_semaphore, #tpu.memory_space<semaphore_mem>>)
        %dma_start3A_219 = arith.constant 0 : i32
        %dma_start3A_220 = arith.constant 0 : i32
        %dma_start3A_221 = tpu.memref_slice %arg9[%dma_start3A_219, %dma_start3A_220] : memref<3x128xi32, #tpu.memory_space<vmem>> -> memref<1x128xi32, #tpu.memory_space<vmem>>
        %dma_start3A_222 = tpu.memref_squeeze %dma_start3A_221 : memref<1x128xi32, #tpu.memory_space<vmem>> -> memref<128xi32, #tpu.memory_space<vmem>>
        %dma_start3A_223 = tpu.memref_slice %arg4[%multiple_of3A_209] : memref<320000xi32, #tpu.memory_space<hbm>> -> memref<128xi32, #tpu.memory_space<hbm>>
        %dma_start3A_224 = arith.constant 0 : i32
        %dma_start3A_225 = tpu.memref_slice %arg9[%dma_start3A_219, %dma_start3A_224] : memref<3x128xi32, #tpu.memory_space<vmem>> -> memref<1x128xi32, #tpu.memory_space<vmem>>
        %dma_start3A_226 = tpu.memref_squeeze %dma_start3A_225 : memref<1x128xi32, #tpu.memory_space<vmem>> -> memref<128xi32, #tpu.memory_space<vmem>>
        %dma_start3A_227 = tpu.memref_slice %arg4[%multiple_of3A_209] : memref<320000xi32, #tpu.memory_space<hbm>> -> memref<128xi32, #tpu.memory_space<hbm>>
        tpu.enqueue_dma source(%dma_start3A_227 : memref<128xi32, #tpu.memory_space<hbm>>) target(%dma_start3A_226 : memref<128xi32, #tpu.memory_space<vmem>>) target_semaphore(%arg17 : memref<!tpu.dma_semaphore, #tpu.memory_space<semaphore_mem>>)
      } else {
      }
      %mul3A_180 = arith.constant 3 : i32
      %mul3A_181 = arith.muli %mul3A_180, %scan3A_139 : i32
      %add3A_182 = arith.constant 2 : i32
      %add3A_183 = arith.addi %mul3A_181, %add3A_182 : i32
      %add3A_184 = arith.constant 1 : i32
      %add3A_185 = arith.addi %add3A_183, %add3A_184 : i32
      %lt3A_186 = arith.cmpi slt, %add3A_185, %select_n3A : i32
      %convert_element_type3A_187 = arith.extui %lt3A_186 : i1 to i32
      %cond3A_188 = arith.constant 0 : i32
      %cond3A_189 = arith.cmpi ne, %convert_element_type3A_187, %cond3A_188 : i32
      scf.if %cond3A_189 {
        %dma_wait3A_200 = arith.constant 0 : i32
        %dma_wait3A_201 = arith.constant 0 : i32
        %dma_wait3A_202 = tpu.memref_slice %arg8[%dma_wait3A_200, %dma_wait3A_201] : memref<3x128xi32, #tpu.memory_space<vmem>> -> memref<1x128xi32, #tpu.memory_space<vmem>>
        %dma_wait3A_203 = tpu.memref_squeeze %dma_wait3A_202 : memref<1x128xi32, #tpu.memory_space<vmem>> -> memref<128xi32, #tpu.memory_space<vmem>>
        %dma_wait3A_204 = arith.constant 0 : i32
        %dma_wait3A_205 = tpu.memref_slice %arg3[%dma_wait3A_204] : memref<320000xi32, #tpu.memory_space<hbm>> -> memref<128xi32, #tpu.memory_space<hbm>>
        %dma_wait3A_206 = arith.constant 0 : i32
        %dma_wait3A_207 = tpu.memref_slice %arg8[%dma_wait3A_200, %dma_wait3A_206] : memref<3x128xi32, #tpu.memory_space<vmem>> -> memref<1x128xi32, #tpu.memory_space<vmem>>
        %dma_wait3A_208 = tpu.memref_squeeze %dma_wait3A_207 : memref<1x128xi32, #tpu.memory_space<vmem>> -> memref<128xi32, #tpu.memory_space<vmem>>
        %dma_wait3A_209 = arith.constant 0 : i32
        %dma_wait3A_210 = tpu.memref_slice %arg3[%dma_wait3A_209] : memref<320000xi32, #tpu.memory_space<hbm>> -> memref<128xi32, #tpu.memory_space<hbm>>
        tpu.wait_dma2 semaphore(%arg17 : memref<!tpu.dma_semaphore, #tpu.memory_space<semaphore_mem>>) src(%dma_wait3A_210 : memref<128xi32, #tpu.memory_space<hbm>>) dst(%dma_wait3A_208 : memref<128xi32, #tpu.memory_space<vmem>>)
        %dma_wait3A_211 = arith.constant 0 : i32
        %dma_wait3A_212 = arith.constant 0 : i32
        %dma_wait3A_213 = tpu.memref_slice %arg9[%dma_wait3A_211, %dma_wait3A_212] : memref<3x128xi32, #tpu.memory_space<vmem>> -> memref<1x128xi32, #tpu.memory_space<vmem>>
        %dma_wait3A_214 = tpu.memref_squeeze %dma_wait3A_213 : memref<1x128xi32, #tpu.memory_space<vmem>> -> memref<128xi32, #tpu.memory_space<vmem>>
        %dma_wait3A_215 = arith.constant 0 : i32
        %dma_wait3A_216 = tpu.memref_slice %arg4[%dma_wait3A_215] : memref<320000xi32, #tpu.memory_space<hbm>> -> memref<128xi32, #tpu.memory_space<hbm>>
        %dma_wait3A_217 = arith.constant 0 : i32
        %dma_wait3A_218 = tpu.memref_slice %arg9[%dma_wait3A_211, %dma_wait3A_217] : memref<3x128xi32, #tpu.memory_space<vmem>> -> memref<1x128xi32, #tpu.memory_space<vmem>>
        %dma_wait3A_219 = tpu.memref_squeeze %dma_wait3A_218 : memref<1x128xi32, #tpu.memory_space<vmem>> -> memref<128xi32, #tpu.memory_space<vmem>>
        %dma_wait3A_220 = arith.constant 0 : i32
        %dma_wait3A_221 = tpu.memref_slice %arg4[%dma_wait3A_220] : memref<320000xi32, #tpu.memory_space<hbm>> -> memref<128xi32, #tpu.memory_space<hbm>>
        tpu.wait_dma2 semaphore(%arg17 : memref<!tpu.dma_semaphore, #tpu.memory_space<semaphore_mem>>) src(%dma_wait3A_221 : memref<128xi32, #tpu.memory_space<hbm>>) dst(%dma_wait3A_219 : memref<128xi32, #tpu.memory_space<vmem>>)
        %dma_start3A_222 = arith.constant 0 : i32
        %dma_start3A_223 = arith.constant 0 : i32
        %dma_start3A_224 = arith.constant 0 : i32
        %dma_start3A_225 = arith.constant 0 : i32
        %dma_start3A_226 = tpu.memref_slice %arg10[%dma_start3A_223, %dma_start3A_224, %dma_start3A_225] : memref<3x128x128xf32, #tpu.memory_space<vmem>> -> memref<1x128x128xf32, #tpu.memory_space<vmem>>
        %dma_start3A_227 = tpu.memref_squeeze %dma_start3A_226 : memref<1x128x128xf32, #tpu.memory_space<vmem>> -> memref<128x128xf32, #tpu.memory_space<vmem>>
        %dma_start3A_228 = arith.constant 0 : i32
        %dma_start3A_229 = tpu.memref_slice %arg8[%dma_start3A_222, %dma_start3A_228] : memref<3x128xi32, #tpu.memory_space<vmem>> -> memref<1x128xi32, #tpu.memory_space<vmem>>
        %dma_start3A_230 = tpu.memref_squeeze %dma_start3A_229 : memref<1x128xi32, #tpu.memory_space<vmem>> -> memref<128xi32, #tpu.memory_space<vmem>>
        %dma_start3A_231 = arith.constant 0 : i32
        %dma_start3A_232 = arith.constant 0 : i32
        %dma_start3A_233 = tpu.memref_slice %arg2[%dma_start3A_231, %dma_start3A_232] : memref<10000x128xf32, #tpu.memory_space<hbm>> -> memref<10000x128xf32, #tpu.memory_space<hbm>>
        tpu.enqueue_indirect_dma source(%dma_start3A_233 : memref<10000x128xf32, #tpu.memory_space<hbm>>) target(%dma_start3A_227 : memref<128x128xf32, #tpu.memory_space<vmem>>) offsets(%dma_start3A_230 : memref<128xi32, #tpu.memory_space<vmem>>) semaphore(%arg11 : memref<!tpu.dma_semaphore, #tpu.memory_space<semaphore_mem>>)
      } else {
      }
      %lt3A_190 = arith.cmpi slt, %add3A_183, %select_n3A : i32
      %convert_element_type3A_191 = arith.extui %lt3A_190 : i1 to i32
      %cond3A_192 = arith.constant 0 : i32
      %cond3A_193 = arith.cmpi ne, %convert_element_type3A_191, %cond3A_192 : i32
      scf.if %cond3A_193 {
        %dma_wait3A_200 = arith.constant 2 : i32
        %dma_wait3A_201 = arith.constant 2 : i32
        %dma_wait3A_202 = arith.constant 0 : i32
        %dma_wait3A_203 = arith.constant 0 : i32
        %dma_wait3A_204 = tpu.memref_slice %arg10[%dma_wait3A_201, %dma_wait3A_202, %dma_wait3A_203] : memref<3x128x128xf32, #tpu.memory_space<vmem>> -> memref<1x128x128xf32, #tpu.memory_space<vmem>>
        %dma_wait3A_205 = tpu.memref_squeeze %dma_wait3A_204 : memref<1x128x128xf32, #tpu.memory_space<vmem>> -> memref<128x128xf32, #tpu.memory_space<vmem>>
        %dma_wait3A_206 = arith.constant 0 : i32
        %dma_wait3A_207 = tpu.memref_slice %arg8[%dma_wait3A_200, %dma_wait3A_206] : memref<3x128xi32, #tpu.memory_space<vmem>> -> memref<1x128xi32, #tpu.memory_space<vmem>>
        %dma_wait3A_208 = tpu.memref_squeeze %dma_wait3A_207 : memref<1x128xi32, #tpu.memory_space<vmem>> -> memref<128xi32, #tpu.memory_space<vmem>>
        %dma_wait3A_209 = arith.constant 0 : i32
        %dma_wait3A_210 = arith.constant 0 : i32
        %dma_wait3A_211 = tpu.memref_slice %arg2[%dma_wait3A_209, %dma_wait3A_210] : memref<10000x128xf32, #tpu.memory_space<hbm>> -> memref<10000x128xf32, #tpu.memory_space<hbm>>
        tpu.wait_indirect_dma semaphore(%arg13 : memref<!tpu.dma_semaphore, #tpu.memory_space<semaphore_mem>>) src(%dma_wait3A_211 : memref<10000x128xf32, #tpu.memory_space<hbm>>) dst(%dma_wait3A_205 : memref<128x128xf32, #tpu.memory_space<vmem>>)
        %dma_start3A_212 = arith.constant 2 : i32
        %dma_start3A_213 = arith.constant 2 : i32
        %dma_start3A_214 = arith.constant 0 : i32
        %dma_start3A_215 = arith.constant 0 : i32
        %dma_start3A_216 = tpu.memref_slice %arg10[%dma_start3A_212, %dma_start3A_214, %dma_start3A_215] : memref<3x128x128xf32, #tpu.memory_space<vmem>> -> memref<1x128x128xf32, #tpu.memory_space<vmem>>
        %dma_start3A_217 = tpu.memref_squeeze %dma_start3A_216 : memref<1x128x128xf32, #tpu.memory_space<vmem>> -> memref<128x128xf32, #tpu.memory_space<vmem>>
        %dma_start3A_218 = arith.constant 0 : i32
        %dma_start3A_219 = tpu.memref_slice %arg9[%dma_start3A_213, %dma_start3A_218] : memref<3x128xi32, #tpu.memory_space<vmem>> -> memref<1x128xi32, #tpu.memory_space<vmem>>
        %dma_start3A_220 = tpu.memref_squeeze %dma_start3A_219 : memref<1x128xi32, #tpu.memory_space<vmem>> -> memref<128xi32, #tpu.memory_space<vmem>>
        %dma_start3A_221 = arith.constant 0 : i32
        %dma_start3A_222 = arith.constant 0 : i32
        %dma_start3A_223 = tpu.memref_slice %arg7[%dma_start3A_221, %dma_start3A_222] : memref<10000x128xf32, #tpu.memory_space<vmem_shared>> -> memref<10000x128xf32, #tpu.memory_space<vmem_shared>>
        tpu.enqueue_indirect_dma source(%dma_start3A_217 : memref<128x128xf32, #tpu.memory_space<vmem>>) target(%dma_start3A_223 : memref<10000x128xf32, #tpu.memory_space<vmem_shared>>) offsets(%dma_start3A_220 : memref<128xi32, #tpu.memory_space<vmem>>) semaphore(%arg16 : memref<!tpu.dma_semaphore, #tpu.memory_space<semaphore_mem>>) {add = true}
      } else {
      }
      %add3A_194 = arith.constant 2 : i32
      %add3A_195 = arith.addi %add3A_183, %add3A_194 : i32
      %lt3A_196 = arith.cmpi slt, %add3A_195, %select_n3A : i32
      %convert_element_type3A_197 = arith.extui %lt3A_196 : i1 to i32
      %cond3A_198 = arith.constant 0 : i32
      %cond3A_199 = arith.cmpi ne, %convert_element_type3A_197, %cond3A_198 : i32
      scf.if %cond3A_199 {
        %ge3A = arith.constant 3 : i32
        %ge3A_200 = arith.cmpi sge, %add3A_195, %ge3A : i32
        %convert_element_type3A_201 = arith.extui %ge3A_200 : i1 to i32
        %cond3A_202 = arith.constant 0 : i32
        %cond3A_203 = arith.cmpi ne, %convert_element_type3A_201, %cond3A_202 : i32
        scf.if %cond3A_203 {
          %dma_wait3A_228 = arith.constant 1 : i32
          %dma_wait3A_229 = arith.constant 1 : i32
          %dma_wait3A_230 = arith.constant 0 : i32
          %dma_wait3A_231 = arith.constant 0 : i32
          %dma_wait3A_232 = tpu.memref_slice %arg10[%dma_wait3A_228, %dma_wait3A_230, %dma_wait3A_231] : memref<3x128x128xf32, #tpu.memory_space<vmem>> -> memref<1x128x128xf32, #tpu.memory_space<vmem>>
          %dma_wait3A_233 = tpu.memref_squeeze %dma_wait3A_232 : memref<1x128x128xf32, #tpu.memory_space<vmem>> -> memref<128x128xf32, #tpu.memory_space<vmem>>
          %dma_wait3A_234 = arith.constant 0 : i32
          %dma_wait3A_235 = tpu.memref_slice %arg9[%dma_wait3A_229, %dma_wait3A_234] : memref<3x128xi32, #tpu.memory_space<vmem>> -> memref<1x128xi32, #tpu.memory_space<vmem>>
          %dma_wait3A_236 = tpu.memref_squeeze %dma_wait3A_235 : memref<1x128xi32, #tpu.memory_space<vmem>> -> memref<128xi32, #tpu.memory_space<vmem>>
          %dma_wait3A_237 = arith.constant 0 : i32
          %dma_wait3A_238 = arith.constant 0 : i32
          %dma_wait3A_239 = tpu.memref_slice %arg7[%dma_wait3A_237, %dma_wait3A_238] : memref<10000x128xf32, #tpu.memory_space<vmem_shared>> -> memref<10000x128xf32, #tpu.memory_space<vmem_shared>>
          tpu.wait_indirect_dma semaphore(%arg15 : memref<!tpu.dma_semaphore, #tpu.memory_space<semaphore_mem>>) src(%dma_wait3A_233 : memref<128x128xf32, #tpu.memory_space<vmem>>) dst(%dma_wait3A_239 : memref<10000x128xf32, #tpu.memory_space<vmem_shared>>)
        } else {
        }
        %mul3A_204 = arith.constant 9984 : i32
        %mul3A_205 = arith.muli %add3A, %mul3A_204 : i32
        %mul3A_206 = arith.constant 128 : i32
        %mul3A_207 = arith.muli %add3A_195, %mul3A_206 : i32
        %add3A_208 = arith.addi %mul3A_205, %mul3A_207 : i32
        %multiple_of3A_209 = tpu.assume_multiple %add3A_208, 8 : i32
        %dma_start3A_210 = arith.constant 1 : i32
        %dma_start3A_211 = arith.constant 0 : i32
        %dma_start3A_212 = tpu.memref_slice %arg8[%dma_start3A_210, %dma_start3A_211] : memref<3x128xi32, #tpu.memory_space<vmem>> -> memref<1x128xi32, #tpu.memory_space<vmem>>
        %dma_start3A_213 = tpu.memref_squeeze %dma_start3A_212 : memref<1x128xi32, #tpu.memory_space<vmem>> -> memref<128xi32, #tpu.memory_space<vmem>>
        %dma_start3A_214 = tpu.memref_slice %arg3[%multiple_of3A_209] : memref<320000xi32, #tpu.memory_space<hbm>> -> memref<128xi32, #tpu.memory_space<hbm>>
        %dma_start3A_215 = arith.constant 0 : i32
        %dma_start3A_216 = tpu.memref_slice %arg8[%dma_start3A_210, %dma_start3A_215] : memref<3x128xi32, #tpu.memory_space<vmem>> -> memref<1x128xi32, #tpu.memory_space<vmem>>
        %dma_start3A_217 = tpu.memref_squeeze %dma_start3A_216 : memref<1x128xi32, #tpu.memory_space<vmem>> -> memref<128xi32, #tpu.memory_space<vmem>>
        %dma_start3A_218 = tpu.memref_slice %arg3[%multiple_of3A_209] : memref<320000xi32, #tpu.memory_space<hbm>> -> memref<128xi32, #tpu.memory_space<hbm>>
        tpu.enqueue_dma source(%dma_start3A_218 : memref<128xi32, #tpu.memory_space<hbm>>) target(%dma_start3A_217 : memref<128xi32, #tpu.memory_space<vmem>>) target_semaphore(%arg18 : memref<!tpu.dma_semaphore, #tpu.memory_space<semaphore_mem>>)
        %dma_start3A_219 = arith.constant 1 : i32
        %dma_start3A_220 = arith.constant 0 : i32
        %dma_start3A_221 = tpu.memref_slice %arg9[%dma_start3A_219, %dma_start3A_220] : memref<3x128xi32, #tpu.memory_space<vmem>> -> memref<1x128xi32, #tpu.memory_space<vmem>>
        %dma_start3A_222 = tpu.memref_squeeze %dma_start3A_221 : memref<1x128xi32, #tpu.memory_space<vmem>> -> memref<128xi32, #tpu.memory_space<vmem>>
        %dma_start3A_223 = tpu.memref_slice %arg4[%multiple_of3A_209] : memref<320000xi32, #tpu.memory_space<hbm>> -> memref<128xi32, #tpu.memory_space<hbm>>
        %dma_start3A_224 = arith.constant 0 : i32
        %dma_start3A_225 = tpu.memref_slice %arg9[%dma_start3A_219, %dma_start3A_224] : memref<3x128xi32, #tpu.memory_space<vmem>> -> memref<1x128xi32, #tpu.memory_space<vmem>>
        %dma_start3A_226 = tpu.memref_squeeze %dma_start3A_225 : memref<1x128xi32, #tpu.memory_space<vmem>> -> memref<128xi32, #tpu.memory_space<vmem>>
        %dma_start3A_227 = tpu.memref_slice %arg4[%multiple_of3A_209] : memref<320000xi32, #tpu.memory_space<hbm>> -> memref<128xi32, #tpu.memory_space<hbm>>
        tpu.enqueue_dma source(%dma_start3A_227 : memref<128xi32, #tpu.memory_space<hbm>>) target(%dma_start3A_226 : memref<128xi32, #tpu.memory_space<vmem>>) target_semaphore(%arg18 : memref<!tpu.dma_semaphore, #tpu.memory_space<semaphore_mem>>)
      } else {
      }
    }
    %scan3A_91 = arith.constant 28 : i32
    %dma_wait3A_92 = arith.constant 0 : i32
    %dma_wait3A_93 = arith.constant 0 : i32
    %dma_wait3A_94 = arith.constant 0 : i32
    %dma_wait3A_95 = arith.constant 0 : i32
    %dma_wait3A_96 = tpu.memref_slice %arg10[%dma_wait3A_92, %dma_wait3A_94, %dma_wait3A_95] : memref<3x128x128xf32, #tpu.memory_space<vmem>> -> memref<1x128x128xf32, #tpu.memory_space<vmem>>
    %dma_wait3A_97 = tpu.memref_squeeze %dma_wait3A_96 : memref<1x128x128xf32, #tpu.memory_space<vmem>> -> memref<128x128xf32, #tpu.memory_space<vmem>>
    %dma_wait3A_98 = arith.constant 0 : i32
    %dma_wait3A_99 = tpu.memref_slice %arg9[%dma_wait3A_93, %dma_wait3A_98] : memref<3x128xi32, #tpu.memory_space<vmem>> -> memref<1x128xi32, #tpu.memory_space<vmem>>
    %dma_wait3A_100 = tpu.memref_squeeze %dma_wait3A_99 : memref<1x128xi32, #tpu.memory_space<vmem>> -> memref<128xi32, #tpu.memory_space<vmem>>
    %dma_wait3A_101 = arith.constant 0 : i32
    %dma_wait3A_102 = arith.constant 0 : i32
    %dma_wait3A_103 = tpu.memref_slice %arg7[%dma_wait3A_101, %dma_wait3A_102] : memref<10000x128xf32, #tpu.memory_space<vmem_shared>> -> memref<10000x128xf32, #tpu.memory_space<vmem_shared>>
    tpu.wait_indirect_dma semaphore(%arg14 : memref<!tpu.dma_semaphore, #tpu.memory_space<semaphore_mem>>) src(%dma_wait3A_97 : memref<128x128xf32, #tpu.memory_space<vmem>>) dst(%dma_wait3A_103 : memref<10000x128xf32, #tpu.memory_space<vmem_shared>>)
    %dma_wait3A_104 = arith.constant 1 : i32
    %dma_wait3A_105 = arith.constant 1 : i32
    %dma_wait3A_106 = arith.constant 0 : i32
    %dma_wait3A_107 = arith.constant 0 : i32
    %dma_wait3A_108 = tpu.memref_slice %arg10[%dma_wait3A_104, %dma_wait3A_106, %dma_wait3A_107] : memref<3x128x128xf32, #tpu.memory_space<vmem>> -> memref<1x128x128xf32, #tpu.memory_space<vmem>>
    %dma_wait3A_109 = tpu.memref_squeeze %dma_wait3A_108 : memref<1x128x128xf32, #tpu.memory_space<vmem>> -> memref<128x128xf32, #tpu.memory_space<vmem>>
    %dma_wait3A_110 = arith.constant 0 : i32
    %dma_wait3A_111 = tpu.memref_slice %arg9[%dma_wait3A_105, %dma_wait3A_110] : memref<3x128xi32, #tpu.memory_space<vmem>> -> memref<1x128xi32, #tpu.memory_space<vmem>>
    %dma_wait3A_112 = tpu.memref_squeeze %dma_wait3A_111 : memref<1x128xi32, #tpu.memory_space<vmem>> -> memref<128xi32, #tpu.memory_space<vmem>>
    %dma_wait3A_113 = arith.constant 0 : i32
    %dma_wait3A_114 = arith.constant 0 : i32
    %dma_wait3A_115 = tpu.memref_slice %arg7[%dma_wait3A_113, %dma_wait3A_114] : memref<10000x128xf32, #tpu.memory_space<vmem_shared>> -> memref<10000x128xf32, #tpu.memory_space<vmem_shared>>
    tpu.wait_indirect_dma semaphore(%arg15 : memref<!tpu.dma_semaphore, #tpu.memory_space<semaphore_mem>>) src(%dma_wait3A_109 : memref<128x128xf32, #tpu.memory_space<vmem>>) dst(%dma_wait3A_115 : memref<10000x128xf32, #tpu.memory_space<vmem_shared>>)
    %dma_wait3A_116 = arith.constant 2 : i32
    %dma_wait3A_117 = arith.constant 2 : i32
    %dma_wait3A_118 = arith.constant 0 : i32
    %dma_wait3A_119 = arith.constant 0 : i32
    %dma_wait3A_120 = tpu.memref_slice %arg10[%dma_wait3A_116, %dma_wait3A_118, %dma_wait3A_119] : memref<3x128x128xf32, #tpu.memory_space<vmem>> -> memref<1x128x128xf32, #tpu.memory_space<vmem>>
    %dma_wait3A_121 = tpu.memref_squeeze %dma_wait3A_120 : memref<1x128x128xf32, #tpu.memory_space<vmem>> -> memref<128x128xf32, #tpu.memory_space<vmem>>
    %dma_wait3A_122 = arith.constant 0 : i32
    %dma_wait3A_123 = tpu.memref_slice %arg9[%dma_wait3A_117, %dma_wait3A_122] : memref<3x128xi32, #tpu.memory_space<vmem>> -> memref<1x128xi32, #tpu.memory_space<vmem>>
    %dma_wait3A_124 = tpu.memref_squeeze %dma_wait3A_123 : memref<1x128xi32, #tpu.memory_space<vmem>> -> memref<128xi32, #tpu.memory_space<vmem>>
    %dma_wait3A_125 = arith.constant 0 : i32
    %dma_wait3A_126 = arith.constant 0 : i32
    %dma_wait3A_127 = tpu.memref_slice %arg7[%dma_wait3A_125, %dma_wait3A_126] : memref<10000x128xf32, #tpu.memory_space<vmem_shared>> -> memref<10000x128xf32, #tpu.memory_space<vmem_shared>>
    tpu.wait_indirect_dma semaphore(%arg16 : memref<!tpu.dma_semaphore, #tpu.memory_space<semaphore_mem>>) src(%dma_wait3A_121 : memref<128x128xf32, #tpu.memory_space<vmem>>) dst(%dma_wait3A_127 : memref<10000x128xf32, #tpu.memory_space<vmem_shared>>)
    %barrier3A_128 = arith.constant 0 : index
    tpu.barrier barrier_id(%barrier3A_128)
    %lt3A_129 = arith.constant 15 : i32
    %lt3A_130 = arith.cmpi slt, %arg1, %lt3A_129 : i32
    %convert_element_type3A_131 = arith.extui %lt3A_130 : i1 to i32
    %cond3A_132 = arith.constant 0 : i32
    %cond3A_133 = arith.cmpi ne, %convert_element_type3A_131, %cond3A_132 : i32
    scf.if %cond3A_133 {
      %mul3A_139 = arith.constant 624 : i32
      %mul3A_140 = arith.muli %arg1, %mul3A_139 : i32
      %multiple_of3A_141 = tpu.assume_multiple %mul3A_140, 8 : i32
      %mul3A_142 = arith.constant 10000 : i32
      %mul3A_143 = arith.muli %arg0, %mul3A_142 : i32
      %add3A_144 = arith.addi %mul3A_143, %multiple_of3A_141 : i32
      %multiple_of3A_145 = tpu.assume_multiple %add3A_144, 8 : i32
      "tpu.region"() ({
        %run_scoped3A = tpu.sem_alloc : memref<!tpu.dma_semaphore, #tpu.memory_space<semaphore_mem>>
        %dma_start3A_146 = arith.constant 0 : i32
        %dma_start3A_147 = tpu.memref_slice %arg6[%multiple_of3A_145, %dma_start3A_146] : memref<20000x128xf32, #tpu.memory_space<hbm>> -> memref<624x128xf32, #tpu.memory_space<hbm>>
        %dma_start3A_148 = arith.constant 0 : i32
        %dma_start3A_149 = tpu.memref_slice %arg7[%multiple_of3A_141, %dma_start3A_148] : memref<10000x128xf32, #tpu.memory_space<vmem_shared>> -> memref<624x128xf32, #tpu.memory_space<vmem_shared>>
        tpu.enqueue_dma source(%dma_start3A_149 : memref<624x128xf32, #tpu.memory_space<vmem_shared>>) target(%dma_start3A_147 : memref<624x128xf32, #tpu.memory_space<hbm>>) target_semaphore(%run_scoped3A : memref<!tpu.dma_semaphore, #tpu.memory_space<semaphore_mem>>)
        %dma_wait3A_150 = arith.constant 0 : i32
        %dma_wait3A_151 = tpu.memref_slice %arg6[%multiple_of3A_145, %dma_wait3A_150] : memref<20000x128xf32, #tpu.memory_space<hbm>> -> memref<624x128xf32, #tpu.memory_space<hbm>>
        %dma_wait3A_152 = arith.constant 0 : i32
        %dma_wait3A_153 = tpu.memref_slice %arg7[%multiple_of3A_141, %dma_wait3A_152] : memref<10000x128xf32, #tpu.memory_space<vmem_shared>> -> memref<624x128xf32, #tpu.memory_space<vmem_shared>>
        tpu.wait_dma2 semaphore(%run_scoped3A : memref<!tpu.dma_semaphore, #tpu.memory_space<semaphore_mem>>) src(%dma_wait3A_153 : memref<624x128xf32, #tpu.memory_space<vmem_shared>>) dst(%dma_wait3A_151 : memref<624x128xf32, #tpu.memory_space<hbm>>)
        tpu.yield
      }) : () -> ()
    } else {
    }
    %eq3A_134 = arith.constant 15 : i32
    %eq3A_135 = arith.cmpi eq, %arg1, %eq3A_134 : i32
    %convert_element_type3A_136 = arith.extui %eq3A_135 : i1 to i32
    %cond3A_137 = arith.constant 0 : i32
    %cond3A_138 = arith.cmpi ne, %convert_element_type3A_136, %cond3A_137 : i32
    scf.if %cond3A_138 {
      %mul3A_139 = arith.constant 10000 : i32
      %mul3A_140 = arith.muli %arg0, %mul3A_139 : i32
      %add3A_141 = arith.constant 9360 : i32
      %add3A_142 = arith.addi %mul3A_140, %add3A_141 : i32
      %multiple_of3A_143 = tpu.assume_multiple %add3A_142, 8 : i32
      "tpu.region"() ({
        %run_scoped3A = tpu.sem_alloc : memref<!tpu.dma_semaphore, #tpu.memory_space<semaphore_mem>>
        %dma_start3A_144 = arith.constant 0 : i32
        %dma_start3A_145 = tpu.memref_slice %arg6[%multiple_of3A_143, %dma_start3A_144] : memref<20000x128xf32, #tpu.memory_space<hbm>> -> memref<640x128xf32, #tpu.memory_space<hbm>>
        %dma_start3A_146 = arith.constant 9360 : i32
        %dma_start3A_147 = arith.constant 0 : i32
        %dma_start3A_148 = tpu.memref_slice %arg7[%dma_start3A_146, %dma_start3A_147] : memref<10000x128xf32, #tpu.memory_space<vmem_shared>> -> memref<640x128xf32, #tpu.memory_space<vmem_shared>>
        tpu.enqueue_dma source(%dma_start3A_148 : memref<640x128xf32, #tpu.memory_space<vmem_shared>>) target(%dma_start3A_145 : memref<640x128xf32, #tpu.memory_space<hbm>>) target_semaphore(%run_scoped3A : memref<!tpu.dma_semaphore, #tpu.memory_space<semaphore_mem>>)
        %dma_wait3A_149 = arith.constant 0 : i32
        %dma_wait3A_150 = tpu.memref_slice %arg6[%multiple_of3A_143, %dma_wait3A_149] : memref<20000x128xf32, #tpu.memory_space<hbm>> -> memref<640x128xf32, #tpu.memory_space<hbm>>
        %dma_wait3A_151 = arith.constant 9360 : i32
        %dma_wait3A_152 = arith.constant 0 : i32
        %dma_wait3A_153 = tpu.memref_slice %arg7[%dma_wait3A_151, %dma_wait3A_152] : memref<10000x128xf32, #tpu.memory_space<vmem_shared>> -> memref<640x128xf32, #tpu.memory_space<vmem_shared>>
        tpu.wait_dma2 semaphore(%run_scoped3A : memref<!tpu.dma_semaphore, #tpu.memory_space<semaphore_mem>>) src(%dma_wait3A_153 : memref<640x128xf32, #tpu.memory_space<vmem_shared>>) dst(%dma_wait3A_150 : memref<640x128xf32, #tpu.memory_space<hbm>>)
        tpu.yield
      }) : () -> ()
    } else {
    }
    return
  }
}

module attributes {stable_mosaic.version = 14 : i64} {
  func.func @_k0_body(%arg0: i32, %arg1: memref<1000x128xf32, #tpu.memory_space<vmem>>, %arg2: memref<128x128xf32, #tpu.memory_space<vmem>>, %arg3: memref<1000x128xf32, #tpu.memory_space<vmem>>) attributes {dimension_semantics = [#tpu.dimension_semantics<arbitrary>], iteration_bounds = array<i64: 10>, scalar_prefetch = 0 : i64, scratch_operands = 0 : i64, tpu.core_type = #tpu.core_type<tc>, window_params = [{transform_indices = @transform_0, window_bounds = array<i64: 1000, 128>}, {pipeline_mode = #tpu.pipeline_mode<synchronous>, transform_indices = @transform_1, window_bounds = array<i64: 128, 128>}, {transform_indices = @transform_2, window_bounds = array<i64: 1000, 128>}]} {
    %get3A = arith.constant 0 : index
    %get3A_0 = arith.constant 0 : index
    %get3A_1 = vector.load %arg1[%get3A, %get3A_0] : memref<1000x128xf32, #tpu.memory_space<vmem>>, vector<1000x128xf32>
    %get3A_2 = arith.constant 0 : index
    %get3A_3 = arith.constant 0 : index
    %get3A_4 = vector.load %arg2[%get3A_2, %get3A_3] : memref<128x128xf32, #tpu.memory_space<vmem>>, vector<128x128xf32>
    %dot_general3A = arith.constant dense<0.000000e+00> : vector<1000x128xf32>
    %dot_general3A_5 = tpu.matmul %get3A_1, %get3A_4, %dot_general3A {dimension_numbers = #tpu.dot_dimension_numbers<[1], [0], [0], [1], [0, 0, 1, 1], [], []>, transpose_lhs_hint = false} : vector<1000x128xf32>, vector<128x128xf32>, vector<1000x128xf32> -> vector<1000x128xf32>
    %swap3A = arith.constant 0 : index
    %swap3A_6 = arith.constant 0 : index
    %swap3A_7 = vector.load %arg3[%swap3A, %swap3A_6] : memref<1000x128xf32, #tpu.memory_space<vmem>>, vector<1000x128xf32>
    tpu.vector_store %arg3[%swap3A, %swap3A_6], %dot_general3A_5 {strides = array<i32>} : memref<1000x128xf32, #tpu.memory_space<vmem>>, vector<1000x128xf32>,
    return
  }
  func.func @transform_0(%arg0: i32) -> (i32, i32) {
    %c0_i32 = arith.constant 0 : i32
    %c0_i32_0 = arith.constant 0 : i32
    return %arg0, %c0_i32 : i32, i32
  }
  func.func @transform_1(%arg0: i32) -> (i32, i32) {
    %c0_i32 = arith.constant 0 : i32
    %c0_i32_0 = arith.constant 0 : i32
    %c0_i32_1 = arith.constant 0 : i32
    return %c0_i32, %c0_i32_0 : i32, i32
  }
  func.func @transform_2(%arg0: i32) -> (i32, i32) {
    %c0_i32 = arith.constant 0 : i32
    %c0_i32_0 = arith.constant 0 : i32
    return %arg0, %c0_i32 : i32, i32
  }
}

module attributes {stable_mosaic.version = 14 : i64} {
  func.func @_k1_body(%arg0: i32, %arg1: memref<1000x128xf32, #tpu.memory_space<vmem>>, %arg2: memref<1000x1xf32, #tpu.memory_space<vmem>>, %arg3: memref<1000x1xf32, #tpu.memory_space<vmem>>, %arg4: memref<1000x128xf32, #tpu.memory_space<vmem>>, %arg5: memref<1000x1xf32, #tpu.memory_space<vmem>>) attributes {dimension_semantics = [#tpu.dimension_semantics<arbitrary>], iteration_bounds = array<i64: 10>, scalar_prefetch = 0 : i64, scratch_operands = 0 : i64, tpu.core_type = #tpu.core_type<tc>, window_params = [{transform_indices = @transform_0, window_bounds = array<i64: 1000, 128>}, {transform_indices = @transform_1, window_bounds = array<i64: 1000, 1>}, {transform_indices = @transform_2, window_bounds = array<i64: 1000, 1>}, {transform_indices = @transform_3, window_bounds = array<i64: 1000, 128>}, {transform_indices = @transform_4, window_bounds = array<i64: 1000, 1>}]} {
    %get3A = arith.constant 0 : index
    %get3A_0 = arith.constant 0 : index
    %get3A_1 = vector.load %arg2[%get3A, %get3A_0] : memref<1000x1xf32, #tpu.memory_space<vmem>>, vector<1000x1xf32>
    %get3A_2 = arith.constant 0 : index
    %get3A_3 = arith.constant 0 : index
    %get3A_4 = vector.load %arg3[%get3A_2, %get3A_3] : memref<1000x1xf32, #tpu.memory_space<vmem>>, vector<1000x1xf32>
    %add3A = arith.addf %get3A_1, %get3A_4 : vector<1000x1xf32>
    %add3A_5 = arith.constant 1.000000e+00 : f32
    %add3A_6 = vector.broadcast %add3A_5 : f32 to vector<1000x1xf32>
    %add3A_7 = arith.addf %add3A, %add3A_6 : vector<1000x1xf32>
    %rsqrt3A = math.rsqrt %add3A_7 : vector<1000x1xf32>
    %swap3A = arith.constant 0 : index
    %swap3A_8 = arith.constant 0 : index
    %swap3A_9 = vector.load %arg5[%swap3A, %swap3A_8] : memref<1000x1xf32, #tpu.memory_space<vmem>>, vector<1000x1xf32>
    tpu.vector_store %arg5[%swap3A, %swap3A_8], %rsqrt3A {strides = array<i32>} : memref<1000x1xf32, #tpu.memory_space<vmem>>, vector<1000x1xf32>,
    %get3A_10 = arith.constant 0 : index
    %get3A_11 = arith.constant 0 : index
    %get3A_12 = vector.load %arg1[%get3A_10, %get3A_11] : memref<1000x128xf32, #tpu.memory_space<vmem>>, vector<1000x128xf32>
    %mul3A = vector.broadcast %rsqrt3A : vector<1000x1xf32> to vector<1000x128xf32>
    %mul3A_13 = arith.mulf %get3A_12, %mul3A : vector<1000x128xf32>
    %swap3A_14 = arith.constant 0 : index
    %swap3A_15 = arith.constant 0 : index
    %swap3A_16 = vector.load %arg4[%swap3A_14, %swap3A_15] : memref<1000x128xf32, #tpu.memory_space<vmem>>, vector<1000x128xf32>
    tpu.vector_store %arg4[%swap3A_14, %swap3A_15], %mul3A_13 {strides = array<i32>} : memref<1000x128xf32, #tpu.memory_space<vmem>>, vector<1000x128xf32>,
    return
  }
  func.func @transform_0(%arg0: i32) -> (i32, i32) {
    %c0_i32 = arith.constant 0 : i32
    %c0_i32_0 = arith.constant 0 : i32
    return %arg0, %c0_i32 : i32, i32
  }
  func.func @transform_1(%arg0: i32) -> (i32, i32) {
    %c0_i32 = arith.constant 0 : i32
    %c0_i32_0 = arith.constant 0 : i32
    return %arg0, %c0_i32 : i32, i32
  }
  func.func @transform_2(%arg0: i32) -> (i32, i32) {
    %add3A = arith.constant 10 : i32
    %add3A_0 = arith.addi %arg0, %add3A : i32
    %c0_i32 = arith.constant 0 : i32
    %c0_i32_1 = arith.constant 0 : i32
    return %add3A_0, %c0_i32 : i32, i32
  }
  func.func @transform_3(%arg0: i32) -> (i32, i32) {
    %c0_i32 = arith.constant 0 : i32
    %c0_i32_0 = arith.constant 0 : i32
    return %arg0, %c0_i32 : i32, i32
  }
  func.func @transform_4(%arg0: i32) -> (i32, i32) {
    %c0_i32 = arith.constant 0 : i32
    %c0_i32_0 = arith.constant 0 : i32
    return %arg0, %c0_i32 : i32, i32
  }
}

module attributes {stable_mosaic.version = 14 : i64} {
  func.func @_k2_body(%arg0: i32, %arg1: memref<1000x128xf32, #tpu.memory_space<vmem>>, %arg2: memref<1000x128xf32, #tpu.memory_space<vmem>>, %arg3: memref<1000x1xf32, #tpu.memory_space<vmem>>, %arg4: memref<1x128xf32, #tpu.memory_space<vmem>>, %arg5: memref<128x128xf32, #tpu.memory_space<vmem>>, %arg6: memref<1000x128xf32, #tpu.memory_space<vmem>>) attributes {dimension_semantics = [#tpu.dimension_semantics<arbitrary>], iteration_bounds = array<i64: 10>, scalar_prefetch = 0 : i64, scratch_operands = 0 : i64, tpu.core_type = #tpu.core_type<tc>, window_params = [{transform_indices = @transform_0, window_bounds = array<i64: 1000, 128>}, {transform_indices = @transform_1, window_bounds = array<i64: 1000, 128>}, {transform_indices = @transform_2, window_bounds = array<i64: 1000, 1>}, {pipeline_mode = #tpu.pipeline_mode<synchronous>, transform_indices = @transform_3, window_bounds = array<i64: 1, 128>}, {pipeline_mode = #tpu.pipeline_mode<synchronous>, transform_indices = @transform_4, window_bounds = array<i64: 128, 128>}, {transform_indices = @transform_5, window_bounds = array<i64: 1000, 128>}]} {
    %get3A = arith.constant 0 : index
    %get3A_0 = arith.constant 0 : index
    %get3A_1 = vector.load %arg3[%get3A, %get3A_0] : memref<1000x1xf32, #tpu.memory_space<vmem>>, vector<1000x1xf32>
    %get3A_2 = arith.constant 0 : index
    %get3A_3 = arith.constant 0 : index
    %get3A_4 = vector.load %arg1[%get3A_2, %get3A_3] : memref<1000x128xf32, #tpu.memory_space<vmem>>, vector<1000x128xf32>
    %get3A_5 = arith.constant 0 : index
    %get3A_6 = arith.constant 0 : index
    %get3A_7 = vector.load %arg2[%get3A_5, %get3A_6] : memref<1000x128xf32, #tpu.memory_space<vmem>>, vector<1000x128xf32>
    %add3A = arith.addf %get3A_4, %get3A_7 : vector<1000x128xf32>
    %mul3A = vector.broadcast %get3A_1 : vector<1000x1xf32> to vector<1000x128xf32>
    %mul3A_8 = arith.mulf %mul3A, %add3A : vector<1000x128xf32>
    %get3A_9 = arith.constant 0 : index
    %get3A_10 = arith.constant 0 : index
    %get3A_11 = vector.load %arg4[%get3A_9, %get3A_10] : memref<1x128xf32, #tpu.memory_space<vmem>>, vector<1x128xf32>
    %add3A_12 = vector.broadcast %get3A_11 : vector<1x128xf32> to vector<1000x128xf32>
    %add3A_13 = arith.addf %mul3A_8, %add3A_12 : vector<1000x128xf32>
    %max3A = arith.constant 0.000000e+00 : f32
    %max3A_14 = vector.broadcast %max3A : f32 to vector<1000x128xf32>
    %max3A_15 = arith.maximumf %add3A_13, %max3A_14 : vector<1000x128xf32>
    %get3A_16 = arith.constant 0 : index
    %get3A_17 = arith.constant 0 : index
    %get3A_18 = vector.load %arg5[%get3A_16, %get3A_17] : memref<128x128xf32, #tpu.memory_space<vmem>>, vector<128x128xf32>
    %dot_general3A = arith.constant dense<0.000000e+00> : vector<1000x128xf32>
    %dot_general3A_19 = tpu.matmul %max3A_15, %get3A_18, %dot_general3A {dimension_numbers = #tpu.dot_dimension_numbers<[1], [0], [0], [1], [0, 0, 1, 1], [], []>, transpose_lhs_hint = false} : vector<1000x128xf32>, vector<128x128xf32>, vector<1000x128xf32> -> vector<1000x128xf32>
    %mul3A_20 = vector.broadcast %get3A_1 : vector<1000x1xf32> to vector<1000x128xf32>
    %mul3A_21 = arith.mulf %dot_general3A_19, %mul3A_20 : vector<1000x128xf32>
    %swap3A = arith.constant 0 : index
    %swap3A_22 = arith.constant 0 : index
    %swap3A_23 = vector.load %arg6[%swap3A, %swap3A_22] : memref<1000x128xf32, #tpu.memory_space<vmem>>, vector<1000x128xf32>
    tpu.vector_store %arg6[%swap3A, %swap3A_22], %mul3A_21 {strides = array<i32>} : memref<1000x128xf32, #tpu.memory_space<vmem>>, vector<1000x128xf32>,
    return
  }
  func.func @transform_0(%arg0: i32) -> (i32, i32) {
    %c0_i32 = arith.constant 0 : i32
    %c0_i32_0 = arith.constant 0 : i32
    return %arg0, %c0_i32 : i32, i32
  }
  func.func @transform_1(%arg0: i32) -> (i32, i32) {
    %add3A = arith.constant 10 : i32
    %add3A_0 = arith.addi %arg0, %add3A : i32
    %c0_i32 = arith.constant 0 : i32
    %c0_i32_1 = arith.constant 0 : i32
    return %add3A_0, %c0_i32 : i32, i32
  }
  func.func @transform_2(%arg0: i32) -> (i32, i32) {
    %c0_i32 = arith.constant 0 : i32
    %c0_i32_0 = arith.constant 0 : i32
    return %arg0, %c0_i32 : i32, i32
  }
  func.func @transform_3(%arg0: i32) -> (i32, i32) {
    %c0_i32 = arith.constant 0 : i32
    %c0_i32_0 = arith.constant 0 : i32
    %c0_i32_1 = arith.constant 0 : i32
    return %c0_i32, %c0_i32_0 : i32, i32
  }
  func.func @transform_4(%arg0: i32) -> (i32, i32) {
    %c0_i32 = arith.constant 0 : i32
    %c0_i32_0 = arith.constant 0 : i32
    %c0_i32_1 = arith.constant 0 : i32
    return %c0_i32, %c0_i32_0 : i32, i32
  }
  func.func @transform_5(%arg0: i32) -> (i32, i32) {
    %c0_i32 = arith.constant 0 : i32
    %c0_i32_0 = arith.constant 0 : i32
    return %arg0, %c0_i32 : i32, i32
  }
}

module attributes {stable_mosaic.version = 14 : i64} {
  func.func @_k3_body(%arg0: i32, %arg1: memref<1000x128xf32, #tpu.memory_space<vmem>>, %arg2: memref<1000x128xf32, #tpu.memory_space<vmem>>, %arg3: memref<1000x1xf32, #tpu.memory_space<vmem>>, %arg4: memref<1x128xf32, #tpu.memory_space<vmem>>, %arg5: memref<1000x128xf32, #tpu.memory_space<vmem>>) attributes {dimension_semantics = [#tpu.dimension_semantics<arbitrary>], iteration_bounds = array<i64: 10>, scalar_prefetch = 0 : i64, scratch_operands = 0 : i64, tpu.core_type = #tpu.core_type<tc>, window_params = [{transform_indices = @transform_0, window_bounds = array<i64: 1000, 128>}, {transform_indices = @transform_1, window_bounds = array<i64: 1000, 128>}, {transform_indices = @transform_2, window_bounds = array<i64: 1000, 1>}, {pipeline_mode = #tpu.pipeline_mode<synchronous>, transform_indices = @transform_3, window_bounds = array<i64: 1, 128>}, {transform_indices = @transform_4, window_bounds = array<i64: 1000, 128>}]} {
    %get3A = arith.constant 0 : index
    %get3A_0 = arith.constant 0 : index
    %get3A_1 = vector.load %arg3[%get3A, %get3A_0] : memref<1000x1xf32, #tpu.memory_space<vmem>>, vector<1000x1xf32>
    %get3A_2 = arith.constant 0 : index
    %get3A_3 = arith.constant 0 : index
    %get3A_4 = vector.load %arg1[%get3A_2, %get3A_3] : memref<1000x128xf32, #tpu.memory_space<vmem>>, vector<1000x128xf32>
    %get3A_5 = arith.constant 0 : index
    %get3A_6 = arith.constant 0 : index
    %get3A_7 = vector.load %arg2[%get3A_5, %get3A_6] : memref<1000x128xf32, #tpu.memory_space<vmem>>, vector<1000x128xf32>
    %add3A = arith.addf %get3A_4, %get3A_7 : vector<1000x128xf32>
    %mul3A = vector.broadcast %get3A_1 : vector<1000x1xf32> to vector<1000x128xf32>
    %mul3A_8 = arith.mulf %mul3A, %add3A : vector<1000x128xf32>
    %get3A_9 = arith.constant 0 : index
    %get3A_10 = arith.constant 0 : index
    %get3A_11 = vector.load %arg4[%get3A_9, %get3A_10] : memref<1x128xf32, #tpu.memory_space<vmem>>, vector<1x128xf32>
    %add3A_12 = vector.broadcast %get3A_11 : vector<1x128xf32> to vector<1000x128xf32>
    %add3A_13 = arith.addf %mul3A_8, %add3A_12 : vector<1000x128xf32>
    %swap3A = arith.constant 0 : index
    %swap3A_14 = arith.constant 0 : index
    %swap3A_15 = vector.load %arg5[%swap3A, %swap3A_14] : memref<1000x128xf32, #tpu.memory_space<vmem>>, vector<1000x128xf32>
    tpu.vector_store %arg5[%swap3A, %swap3A_14], %add3A_13 {strides = array<i32>} : memref<1000x128xf32, #tpu.memory_space<vmem>>, vector<1000x128xf32>,
    return
  }
  func.func @transform_0(%arg0: i32) -> (i32, i32) {
    %c0_i32 = arith.constant 0 : i32
    %c0_i32_0 = arith.constant 0 : i32
    return %arg0, %c0_i32 : i32, i32
  }
  func.func @transform_1(%arg0: i32) -> (i32, i32) {
    %add3A = arith.constant 10 : i32
    %add3A_0 = arith.addi %arg0, %add3A : i32
    %c0_i32 = arith.constant 0 : i32
    %c0_i32_1 = arith.constant 0 : i32
    return %add3A_0, %c0_i32 : i32, i32
  }
  func.func @transform_2(%arg0: i32) -> (i32, i32) {
    %c0_i32 = arith.constant 0 : i32
    %c0_i32_0 = arith.constant 0 : i32
    return %arg0, %c0_i32 : i32, i32
  }
  func.func @transform_3(%arg0: i32) -> (i32, i32) {
    %c0_i32 = arith.constant 0 : i32
    %c0_i32_0 = arith.constant 0 : i32
    %c0_i32_1 = arith.constant 0 : i32
    return %c0_i32, %c0_i32_0 : i32, i32
  }
  func.func @transform_4(%arg0: i32) -> (i32, i32) {
    %c0_i32 = arith.constant 0 : i32
    %c0_i32_0 = arith.constant 0 : i32
    return %arg0, %c0_i32 : i32, i32
  }
}

</mosaic_0001>

<sc_bundles>
// kernel: kernel.12.cloned.1.call-start
scs
__scs_entry_jumppad:
0x0: {  	(pc) =	sbr.rel $0x88, $3  }
0x1: {  	(tag) =	ssettag $0x0;
	lr =	simm.s32 $0x1  }
0x2: {  	[smem:$0x3F9B] =	sst lr;
	_ =	strace $0xD0000000  }
0x3: {  	_ = 	snop  }
0x4: {  	_ = 	snop  }
0x5: {  	_ = 	snop  }
0x6: {  	_ = 	snop  }
0x7: {  	_ = 	snop  }
__scs_overlays_trampoline_lowered:
0x8: {  	[smem:$0x3FAA] =	sst s0  }
0x9: {  	[smem:$0x3FAB] =	sst s1  }
0xa: {  	[smem:$0x3FAC] =	sst s2  }
0xb: {  	[smem:$0x3FAD] =	sst s3  }
0xc: {  	[smem:$0x3FAE] =	sst s4  }
0xd: {  	[smem:$0x3FAF] =	sst s5  }
0xe: {  	[smem:$0x3FB0] =	sst s6  }
0xf: {  	[smem:$0x3FB1] =	sst s7  }
0x10: {  	[smem:$0x3FB2] =	sst s8  }
0x11: {  	[smem:$0x3FB3] =	sst s9;
	s0 =	simm.s32 @!p0 $0x0  }
0x12: {  	s1 =	sld [smem:$0x3F99];
	s0 =	simm.s32 @p0 $0x1  }
0x13: {  	[smem:$0x3FB4] =	sst s0;
	s0 =	simm.s32 @!p1 $0x0  }
0x14: {  	s2 =	sld [smem:$0x3F98];
	s0 =	simm.s32 @p1 $0x1  }
0x15: {  	[smem:$0x3FB5] =	sst s0;
	s0 =	simm.s32 @!p2 $0x0  }
0x16: {  	s3 =	sld [smem:$0x3FDB];
	s0 =	simm.s32 @p2 $0x1  }
0x17: {  	s4 =	simm.s32 $0x1BF5;
	[smem:$0x3FB7] =	sst s0  }
0x18: {  	s0 =	sld [smem:$0x3F9A];
	_ =	swait.ge [sflag:s4], $0x0  }
0x19: {  	s7 =	sld [smem:$0x3F9B]  }
0x1a: {  	s8 =	sadd.s32 $0xFFFFE003, lr  }
0x1b: {  	s9 =	sadd.s32 $0xFFFFFEF7, lr;
	s5 =	simm.s32 $0xFFFFFFFF;
	p2 =	slt.u32 s8, $0xFFFFF086  }
0x1c: {  	p1 =	slt.u32 s9, $0xF7A;
	s5 =	simm.s32 @!p2 $0x0  }
0x1d: {  	s5 =	simm.s32 @p1 $0x1;
	p0 =	seq.s32 s7, s2  }
0x1e: {  	s7 =	smul.u32 @!p0 $0xF7A, s2;
	p2 =	seq.s32 @!p0 s5, $0x0  }
0x1f: {  	s9 =	smul.u32 $0xF7A, s1;
	s8 =	simm.s32 @!p0 $0x1BF5;
	p2 =	por !p2, p0  }
0x20: {  	[sflag:s8] =	ssyncset.s32 @!p0 $0xFFFFF086;
	s6 =	sadd.s32 @!p0 s3, s7;
	s7 =	simm.s32 @!p0 $0x108  }
0x21: {  	s3 =	sadd.s32 s3, s9;
	s6 =	sadd.s32 @!p0 $0x88, s6;
	s7 =	simm.s32 @p2 $0x1082  }
0x22: {  	[simem:s7], [sflag:s8] =	dma.local @!p0 [hbm:s6], $0xF7A  }
0x23: {  	s9 =	sor.u32 $0xD0000000, s2;
	s6 =	simm.s32 $0x108;
	_ =	swait.ge @!p0 [sflag:s8], $0x0  }
0x24: {  	s3 =	sadd.s32 $0x88, s3;
	s6 =	simm.s32 @!p1 $0x1082;
	[sflag:s4] =	ssyncset.s32 $0xFFFFF086  }
0x25: {  	[simem:s6], [sflag:s4] =	dma.local [hbm:s3], $0xF7A  }
0x26: {  	[smem:$0x3F9B] =	sst s1;
	(tag) =	ssettag s2;
	_ =	strace s9  }
0x27: {  	s1 =	sld [smem:$0x3FAB]  }
0x28: {  	s2 =	sld [smem:$0x3FAC]  }
0x29: {  	s4 =	sld [smem:$0x3FAE]  }
0x2a: {  	p0 =	seq.s32 s5, $0x0;
	s5 =	sld [smem:$0x3FAF]  }
0x2b: {  	s6 =	sld [smem:$0x3FB0]  }
0x2c: {  	s7 =	sld [smem:$0x3FB1]  }
0x2d: {  	s3 =	simm.s32 $0x108;
	s8 =	sld [smem:$0x3FB2]  }
0x2e: {  	s3 =	simm.s32 @!p0 $0x1082;
	s9 =	sld [smem:$0x3FB3]  }
0x2f: {  	lr =	sadd.s32 s0, s3;
	s0 =	sld [smem:$0x3FAA]  }
0x30: {  	s3 =	sld [smem:$0x3FAD]  }
0x31: {  	[smem:$0x3FB6] =	sst s10  }
0x32: {  	s10 =	sld [smem:$0x3FB4];
	_ =	sdelay $0x3  }
0x33: {  	p0 =	seq.s32 s10, $0x1;
	s10 =	sld [smem:$0x3FB6];
	_ =	sdelay $0x3  }
0x34: {  	[smem:$0x3FB6] =	sst s10  }
0x35: {  	s10 =	sld [smem:$0x3FB5];
	_ =	sdelay $0x3  }
0x36: {  	p1 =	seq.s32 s10, $0x1;
	s10 =	sld [smem:$0x3FB6];
	_ =	sdelay $0x3  }
0x37: {  	[smem:$0x3FB6] =	sst s10  }
0x38: {  	s10 =	sld [smem:$0x3FB7]  }
0x39: {  	_ = 	snop;
	(pc) =	sbr.ind lr, $3  }
0x3a: {  	_ = 	snop  }
0x3b: {  	_ = 	snop  }
0x3c: {  	p2 =	seq.s32 s10, $0x1;
	s10 =	sld [smem:$0x3FB6]  }
0x3d: {  	_ =	shalt  }
0x3e: {  	_ =	shalt  }
0x3f: {  	_ =	shalt  }
0x40: {  	_ =	shalt  }
0x41: {  	_ =	shalt  }
0x42: {  	_ =	shalt  }
0x43: {  	_ =	shalt  }
0x44: {  	_ =	shalt  }
0x45: {  	_ =	shalt  }
0x46: {  	_ =	shalt  }
0x47: {  	_ =	shalt  }
0x48: {  	_ =	shalt  }
0x49: {  	_ =	shalt  }
0x4a: {  	_ =	shalt  }
0x4b: {  	_ =	shalt  }
0x4c: {  	_ =	shalt  }
0x4d: {  	_ =	shalt  }
0x4e: {  	_ =	shalt  }
0x4f: {  	_ =	shalt  }
0x50: {  	_ =	shalt  }
0x51: {  	_ =	shalt  }
0x52: {  	_ =	shalt  }
0x53: {  	_ =	shalt  }
0x54: {  	_ =	shalt  }
0x55: {  	_ =	shalt  }
0x56: {  	_ =	shalt  }
0x57: {  	_ =	shalt  }
0x58: {  	_ =	shalt  }
0x59: {  	_ =	shalt  }
0x5a: {  	_ =	shalt  }
0x5b: {  	_ =	shalt  }
0x5c: {  	_ =	shalt  }
0x5d: {  	_ =	shalt  }
0x5e: {  	_ =	shalt  }
0x5f: {  	_ =	shalt  }
0x60: {  	_ =	shalt  }
0x61: {  	_ =	shalt  }
0x62: {  	_ =	shalt  }
0x63: {  	_ =	shalt  }
0x64: {  	_ =	shalt  }
0x65: {  	_ =	shalt  }
0x66: {  	_ =	shalt  }
0x67: {  	_ =	shalt  }
0x68: {  	_ =	shalt  }
0x69: {  	_ =	shalt  }
0x6a: {  	_ =	shalt  }
0x6b: {  	_ =	shalt  }
0x6c: {  	_ =	shalt  }
0x6d: {  	_ =	shalt  }
0x6e: {  	_ =	shalt  }
0x6f: {  	_ =	shalt  }
0x70: {  	_ =	shalt  }
0x71: {  	_ =	shalt  }
0x72: {  	_ =	shalt  }
0x73: {  	_ =	shalt  }
0x74: {  	_ =	shalt  }
0x75: {  	_ =	shalt  }
0x76: {  	_ =	shalt  }
0x77: {  	_ =	shalt  }
0x78: {  	_ =	shalt  }
0x79: {  	_ =	shalt  }
0x7a: {  	_ =	shalt  }
0x7b: {  	_ =	shalt  }
0x7c: {  	_ =	shalt  }
0x7d: {  	_ =	shalt  }
0x7e: {  	_ =	shalt  }
0x7f: {  	_ =	shalt  }
0x80: {  	_ =	shalt  }
0x81: {  	_ =	shalt  }
0x82: {  	_ =	shalt  }
0x83: {  	_ =	shalt  }
0x84: {  	_ =	shalt  }
0x85: {  	_ =	shalt  }
0x86: {  	_ =	shalt  }
0x87: {  	_ =	shalt  }
.Lfunc_end0:
.L_simem_size_0:
called_computation.1_lowered:
.L_overlay_start_0:
0x88: {  	s2 =	sld [smem:$0x3FD9]  }
0x89: {  	s3 =	sld [smem:$0x3FFE];
	_ =	sdelay $0x1  }
0x8a: {  	s1 =	srdreg.scid  }
0x8b: {  	s0 =	sand.u32 $0x1, s1  }
0x8c: {  	s17 =	sshll.u32 s0, $0xA;
	s2 =	sadd.s32 s3, s2  }
0x8d: {  	s2 =	sadd.s32 s2, s17  }
0x8e: {  	[smem:$0x3FC2] =	sst s2  }
0x8f: {  	_ = 	snop  }
0x90: {  	s2 =	sld [smem:$0x3FD0];
	(tm) =	ssettm $0x1  }
0x91: {  	s18 =	sld [smem:$0x3FFB];
	_ =	sdelay $0x3  }
0x92: {  	_ =	strace s18  }
0x93: {  	s3 =	sld [smem:$0x3FFC];
	_ =	sdelay $0x3  }
0x94: {  	_ =	strace s3  }
0x95: {  	s3 =	sld [smem:$0x3FFD];
	_ =	sdelay $0x3  }
0x96: {  	_ =	strace s3  }
0x97: {  	_ =	strace $0x8FFFFFFF  }
0x98: {  	s19 =	sld [smem:$0x3FDB];
	_ =	sdelay $0x1  }
0x99: {  	s4 =	simm.s32 $_scs_section_size  }
0x9a: {  	s5 =	simm.s32 $_size__tile_overlayer_lowered;
	s6 =	simm.s32 $_tile_overlayer_lowered  }
0x9b: {  	s22 =	simm.s32 $0x1BFF;
	s21 =	sshll.u32 s6, $0x1;
	s3 =	sadd.s32 s4, s19  }
0x9c: {  	s7 =	simm.s32 $0x0;
	s20 =	sshll.u32 s5, $0x1;
	s5 =	sadd.s32 s21, s3  }
0x9d: {  	[timem:s7], [sflag:s22] =	dma.local [hbm:s5], s20  }
0x9e: {  	_ =	swait.ge [sflag:s22], s20  }
0x9f: {  	s4 =	ssub.s32 $0x0, s20;
	[sflag:s22] =	ssyncset.done $0x0  }
0xa0: {  	[sflag:s22] =	ssyncadd.s32 s4;
	_ =	sdelay $0x1  }
0xa1: {  	s23 =	simm.s32 $0x1B8B  }
0xa2: {  	_ =	swait.ge [sflag:s23], $0x1  }
0xa3: {  	[sflag:s23] =	ssyncset.done $0x0  }
0xa4: {  	s25 =	simm.s32 $0x1B8E;
	s24 =	sld [smem:$0x3FFE];
	[sflag:s23] =	ssyncadd.s32 $0xFFFFFFFF  }
0xa5: {  	s26 =	simm.s32 $execute0_lowered;
	[smem:$0x3FD2] =	sst s25  }
0xa6: {  	s5 =	sshll.u32 s26, $0x1;
	_ =	strace $0x80000049;
	[dreg:$0x1] =	wrdreg $0xFFFFFFFF  }
0xa7: {  	s28 =	simm.s32 $_size_execute0_lowered;
	s3 =	sadd.s32 s3, s5;
	[dreg:$0x0] =	wrdreg $0x0  }
0xa8: {  	s5 =	sshll.u32 s28, $0x1;
	[dreg:$0x2] =	wrdreg s3  }
0xa9: {  	[dreg:$0x3] =	wrdreg s5  }
0xaa: {  	[dreg:$0x4] =	wrdreg $0xC0  }
0xab: {  	_ =	task [dreg:s7], $0x5FFFF  }
0xac: {  	[dreg:$0x1] =	wrdreg $0xFFFFFFFF  }
0xad: {  	[dreg:$0x0] =	wrdreg $0x60  }
0xae: {  	[dreg:$0x2] =	wrdreg s24  }
0xaf: {  	[dreg:$0x3] =	wrdreg s2  }
0xb0: {  	[dreg:$0x4] =	wrdreg $0x0  }
0xb1: {  	[dreg:$0x5] =	wrdreg $0x9  }
0xb2: {  	_ =	task.clear_ibuf [dreg:s7], $0x6FFFF;
	_ =	strace $0x90000049  }
0xb3: {  	s29 =	simm.s32 $0x9;
	_ =	strace $0x8000004B  }
0xb4: {  	_ =	swait.ge [sflag:s29], $0x1  }
0xb5: {  	[sflag:s29] =	ssyncadd.s32 $0xFFFFFFFF  }
0xb6: {  	_ =	strace $0x9000004B  }
0xb7: {  	_ =	sfence  }
0xb8: {  	s30 =	sld [smem:$0x0];
	_ =	sdelay $0x2  }
0xb9: {  	s31 =	sshll.u32 s1, $0xD;
	s1 =	sshrl.u32 s1, $0x2  }
0xba: {  	s3 =	sand.u32 $0x4000, s31;
	s1 =	sadd.s32 s1, s30  }
0xbb: {  	s0 =	sor.u32 s3, s0;
	s1 =	sshll.u32 s1, $0x11  }
0xbc: {  	s0 =	sor.u32 s1, s0  }
0xbd: {  	s0 =	sadd.s32 $0x8F2B, s0  }
0xbe: {  	[sflag:s0] =	ssyncadd.remote.s32 $0x1  }
0xbf: {  	_ =	sfence.sel $0xFFFF  }
0xc0: {  	[dreg:$0x0] =	wrdreg $0xFFFFFFFF;
	(pc) =	sbr.abs _section_cstart, $3  }
0xc1: {  	[dreg:$0x1] =	wrdreg $0xFFFFFFFF  }
0xc2: {  	_ =	task.clear_ibuf [dreg:s7], $0x2FFFF;
	_ =	strace $0x9FFFFFFF  }
0xc3: {  	(tm) =	ssettm $0x7FFFFFFF  }
tec
execute0_lowered:
.L_overlay_start_1:
0x0: {  	(tag) =	ssettag $0x1  }
0x1: {  	s0 =	rddreg [dreg:$0x0]  }
0x2: {  	s5 =	rddreg [dreg:$0x1]  }
0x3: {  	s1 =	rddreg [dreg:$0x2];
	s2 =	simm.s32 $0x0  }
0x4: {  	s6 =	srdreg.scid;
	s3 =	stileid.u32;
	s29 =	simm.s32 $0x7  }
0x5: {  	s28 =	simm.s32 $0x0;
	[smem:$0x7FF] =	sst s2;
	s4 =	sadd.s32 $0x15A00, s0  }
0x6: {  	s31 =	sadd.s32 $0x1E00, s0;
	s30 =	sadd.s32 $0xBC00, s0;
	s10 =	smul.u32 $0x4E000, s3  }
0x7: {  	s6 =	sand.u32 $0x1, s6;
	s7 =	sshll.u32 s3, $0x1;
	s13 =	smul.u32 $0x2700, s3  }
0x8: {  	s12 =	sadd.s32 $0x3CC00, s0;
	s0 =	sadd.s32 $0x3A300, s0;
	s18 =	smul.u32 $0x4E00, s3  }
0x9: {  	_ =	strace $0x8000004A;
	s8 =	ssub.s32 $0x2, s6;
	s9 =	sor.u32 s6, s7  }
0xa: {  	s7 =	simm.s32 $0x52;
	s24 =	smul.u32 $0x27100, s6;
	[dreg:$0x8] =	wrdreg s0  }
0xb: {  	s26 =	smul.u32 $0x138800, s6;
	s11 =	sshrl.u32 s8, $0x1;
	p0 =	seq.s32 s9, $0x1F  }
0xc: {  	s10 =	sshrl.u32 s10, $0x2;
	s22 =	sadd.s32 s5, s13;
	s23 =	sadd.s32 s4, s13  }
0xd: {  	s9 =	smul.u32 $0x2700, s9;
	s5 =	sadd.s32 $0x24900, s5;
	[dreg:$0x5] =	wrdreg s22  }
0xe: {  	s14 =	ssub.s32 s8, s11;
	s7 =	simm.s32 @!p0 $0x4E;
	[dreg:$0x6] =	wrdreg s23  }
0xf: {  	s8 =	sadd.s32 s10, s1;
	s11 =	sadd.s32 $0x124800, s1;
	[dreg:$0x7] =	wrdreg s5  }
0x10: {  	s20 =	sadd.s32 s13, s24;
	s21 =	sshrl.u32 s26, $0x3;
	p0 =	seq.s32 s3, $0xF  }
0x11: {  	s25 =	sshrl.u32 s9, $0x3;
	s15 =	sadd.s32 $0xFFFFFFFF, s7;
	s23 =	sadd.s32 s12, s21  }
0x12: {  	p1 =	sne.s32 @p0 s6, $0x0;
	p2 =	sne.s32 @!p0 s6, $0x0;
	s16 =	sadd.s32 s31, s25  }
0x13: {  	s17 =	sadd.s32 s30, s25;
	s0 =	sor.u32 $0x10, s25;
	[dreg:$0x4] =	wrdreg s15  }
0x14: {  	s25 =	smax.u32 s14, $0x1;
	p3 =	por !p1, !p0;
	[dreg:$0x9] =	wrdreg s16  }
0x15: {  	p1 =	por p1, !p0;
	p4 =	por p2, p0;
	[dreg:$0xa] =	wrdreg s17  }
0x16: {  	s19 =	sadd.s32 s31, s0;
	s0 =	sadd.s32 s30, s0;
	[dreg:$0xf] =	wrdreg s25  }
0x17: {  	s16 =	smul.u32 $0x2700, s6;
	[dreg:$0xc] =	wrdreg s0;
	s0 =	sadd.s32 s12, s20  }
0x18: {  	s25 =	simm.s32 $0x5;
	[dreg:$0xd] =	wrdreg s0;
	s0 =	sadd.s32 $0x24900, s23  }
0x19: {  	s22 =	sadd.s32 s16, s18;
	[dreg:$0xe] =	wrdreg s0;
	s0 =	simm.s32 @!p3 $0x0  }
0x1a: {  	[dreg:$0xb] =	wrdreg s19;
	s24 =	sadd.s32 $0x200, s22;
	s0 =	simm.s32 @p3 $0x1  }
0x1b: {  	s10 =	sadd.s32 $0x180, s22;
	[smem:$0x7FB] =	sst s0;
	s0 =	simm.s32 @!p1 $0x0  }
0x1c: {  	s26 =	sadd.s32 $0x100, s22;
	s0 =	simm.s32 @p1 $0x1;
	p1 =	por !p2, p0  }
0x1d: {  	s21 =	sshrl.u32 s24, $0x3;
	[smem:$0x7FC] =	sst s0;
	s0 =	simm.s32 @!p1 $0x0  }
0x1e: {  	s23 =	sshrl.u32 s26, $0x3;
	s24 =	simm.s32 $0x13880;
	s0 =	simm.s32 @p1 $0x1  }
0x1f: {  	s26 =	simm.s32 $0x6;
	[smem:$0x7FD] =	sst s0;
	s0 =	simm.s32 $0x4  }
.LBB2_1:
0x20: {  	s5 =	sld [smem:$0x7FB];
	_ =	sdelay $0x2  }
0x21: {  	p1 =	seq.s32 s5, $0x1  }
0x22: {  	s9 =	rddreg [dreg:$0x7];
	s5 =	sshrl.u32 @!p1 s11, $0x3;
	s6 =	simm.s32 @!p1 $0x1FCA  }
0x23: {  	[spmem:s5], [sflag:s6] =	dma.local @!p1 [hbm:s9], $0x2800  }
0x24: {  	s5 =	simm.s32 @!p1 $0xA  }
0x25: {  	_ =	swait.ge @!p1 [sflag:s5], $0x2800  }
0x26: {  	s6 =	sld [smem:$0x7FC];
	_ =	sdelay $0x1  }
0x27: {  	[sflag:s5] =	ssyncset.done @!p1 $0x0  }
0x28: {  	[sflag:s5] =	ssyncadd.s32 @!p1 $0xFFFFD800;
	p1 =	seq.s32 s6, $0x1  }
0x29: {  	s9 =	rddreg [dreg:$0x8];
	s5 =	sshrl.u32 @!p1 s11, $0x3;
	s6 =	simm.s32 @!p1 $0x1FCA  }
0x2a: {  	[spmem:s5], [sflag:s6] =	dma.local @!p1 [hbm:s9], $0x2800  }
0x2b: {  	s5 =	simm.s32 @!p1 $0xA  }
0x2c: {  	_ =	swait.ge @!p1 [sflag:s5], $0x2800  }
0x2d: {  	s9 =	sld [smem:$0x7FD];
	_ =	sdelay $0x2  }
0x2e: {  	[sflag:s5] =	ssyncset.done @!p1 $0x0;
	p2 =	seq.s32 s9, $0x1  }
0x2f: {  	[sflag:s5] =	ssyncadd.s32 @!p1 $0xFFFFD800;
	s6 =	sshll.u32 @!p2 s3, $0x6  }
0x30: {  	s9 =	rddreg [dreg:$0x5];
	s5 =	sor.u32 @!p2 $0x1C0A, s6;
	s6 =	sshrl.u32 @!p2 s8, $0x3  }
0x31: {  	[spmem:s6], [sflag:s5] =	dma.local @!p2 [hbm:s9], $0x2700  }
0x32: {  	s5 =	simm.s32 @!p2 $0xA  }
0x33: {  	_ =	swait.ge @!p2 [sflag:s5], $0x2700  }
0x34: {  	s6 =	sshll.u32 @!p4 s3, $0x6;
	[sflag:s5] =	ssyncset.done @!p2 $0x0;
	s9 =	rddreg [dreg:$0x6]  }
0x35: {  	[sflag:s5] =	ssyncadd.s32 @!p2 $0xFFFFD900;
	s5 =	sor.u32 @!p4 $0x1C0A, s6;
	s6 =	sshrl.u32 @!p4 s8, $0x3  }
0x36: {  	[spmem:s6], [sflag:s5] =	dma.local @!p4 [hbm:s9], $0x2700  }
0x37: {  	s5 =	simm.s32 @!p4 $0xA  }
0x38: {  	_ =	swait.ge @!p4 [sflag:s5], $0x2700  }
0x39: {  	[sflag:s5] =	ssyncset.done @!p4 $0x0  }
0x3a: {  	[sflag:s5] =	ssyncadd.s32 @!p4 $0xFFFFD900  }
0x3b: {  	[bflag:$0x0] =	sbarrier.arrive $0xFFFF  }
0x3c: {  	s12 =	rddreg [dreg:$0x9]  }
0x3d: {  	[tilespmem:s24], [sflag:$0x7] =	stream.linear.gather [hbm4b:s12+s2], $0x80, $0x38;
	[tilespmem:$0x1FC80] =	vst v63  }
0x3e: {  	s14 =	simm.s32 $0x13A80;
	s13 =	rddreg [dreg:$0xa]  }
0x3f: {  	[tilespmem:s14], [sflag:$0x7] =	stream.linear.gather [hbm4b:s13+s2], $0x80, $0x38;
	[tilespmem:$0x1FC80] =	vst v63  }
0x40: {  	s16 =	simm.s32 $0x13900;
	s15 =	rddreg [dreg:$0xb]  }
0x41: {  	[tilespmem:s16], [sflag:$0x8] =	stream.linear.gather [hbm4b:s15+s2], $0x80, $0x38;
	[tilespmem:$0x1FC80] =	vst v63  }
0x42: {  	s18 =	simm.s32 $0x13B00;
	s17 =	rddreg [dreg:$0xc]  }
0x43: {  	[tilespmem:s18], [sflag:$0x8] =	stream.linear.gather [hbm4b:s17+s2], $0x80, $0x38;
	[tilespmem:$0x1FC80] =	vst v63  }
0x44: {  	_ =	swait.ge [sflag:s29], $0x80  }
0x45: {  	[sflag:s29] =	ssyncset.done $0x0  }
0x46: {  	[sflag:s29] =	ssyncadd.s32 $0xFFFFFF80  }
0x47: {  	_ =	swait.ge [sflag:s29], $0x80  }
0x48: {  	s20 =	simm.s32 $0x80;
	[sflag:s29] =	ssyncset.done $0x0;
	s19 =	rddreg [dreg:$0x4]  }
0x49: {  	s22 =	simm.s32 $0x13C80;
	[sflag:s29] =	ssyncadd.s32 $0xFFFFFF80;
	p5 =	sle.u32 s19, $0x0  }
0x4a: {  	[tilespmem:s22], [sflag:$0x1] =	stream.indirect.gather [hbm4b:s4+s20], $0x80, s24, s20, $0xb8;
	[tilespmem:$0x1FC80] =	vst v63  }
0x4b: {  	s5 =	simm.s32 @!p5 $0x8  }
0x4c: {  	_ =	swait.ge @!p5 [sflag:s5], $0x80  }
0x4d: {  	[sflag:s5] =	ssyncset.done @!p5 $0x0  }
0x4e: {  	[sflag:s5] =	ssyncadd.s32 @!p5 $0xFFFFFF80  }
0x4f: {  	p2 =	sle.u32 s7, $0x0;
	_ =	swait.ge @!p5 [sflag:s5], $0x80  }
0x50: {  	s13 =	simm.s32 @!p2 $0x1;
	s6 =	simm.s32 @!p5 $0x13900;
	[sflag:s5] =	ssyncset.done @!p5 $0x0  }
0x51: {  	s9 =	simm.s32 @!p5 $0x17C80;
	s12 =	simm.s32 @!p5 $0x80;
	[sflag:s5] =	ssyncadd.s32 @!p5 $0xFFFFFF80  }
0x52: {  	[tilespmem:s9], [sflag:$0x2] =	stream.indirect.gather @!p5 [hbm4b:s4+s12], $0x80, s6, s12, $0xb8;
	[tilespmem:$0x1FC80] =	vst v63  }
0x53: {  	_ =	swait.ge @!p2 [sflag:s13], $0x4000  }
0x54: {  	p1 =	sle.u32 s7, $0x2;
	s5 =	simm.s32 @!p2 $0x13C80;
	[sflag:s13] =	ssyncset.done @!p2 $0x0  }
0x55: {  	s6 =	simm.s32 @!p2 $0x80;
	[sflag:s13] =	ssyncadd.s32 @!p2 $0xFFFFC000;
	s13 =	simm.s32 @!p2 $0x13A80  }
0x56: {  	[spmem:s1] =	stream.indirect.scatter.add.f32 @!p2 [tilespmem:s5], [sflag:$0x4], $0x80, s13, s6, $0xb8;
	[tilespmem:$0x1FC80] =	vst v63  }
0x57: {  	p2 =	por @!p1 $0x1, $0x1  }
0x58: {  	p2 =	por p2, p1  }
0x59: {  	s5 =	simm.s32 @!p2 $0x6  }
0x5a: {  	_ =	swait.ge @!p2 [sflag:s5], $0x4000  }
0x5b: {  	s6 =	sadd.s32 @!p1 s31, s23;
	[sflag:s5] =	ssyncset.done @!p2 $0x0  }
0x5c: {  	s13 =	simm.s32 @!p1 $0x0;
	[sflag:s5] =	ssyncadd.s32 @!p2 $0xFFFFC000;
	s5 =	simm.s32 @!p1 $0x13980  }
0x5d: {  	[tilespmem:s5], [sflag:$0x9] =	stream.linear.gather @!p1 [hbm4b:s6+s13], $0x80, $0x38;
	[tilespmem:$0x1FC80] =	vst v63  }
0x5e: {  	s14 =	simm.s32 @!p1 $0x13B80;
	s15 =	simm.s32 @!p1 $0x9;
	s6 =	sadd.s32 @!p1 s30, s23  }
0x5f: {  	[tilespmem:s14], [sflag:$0x9] =	stream.linear.gather @!p1 [hbm4b:s6+s13], $0x80, $0x38;
	[tilespmem:$0x1FC80] =	vst v63  }
0x60: {  	_ =	swait.ge @!p1 [sflag:s15], $0x80  }
0x61: {  	[sflag:s15] =	ssyncset.done @!p1 $0x0  }
0x62: {  	[sflag:s15] =	ssyncadd.s32 @!p1 $0xFFFFFF80  }
0x63: {  	_ =	swait.ge @!p1 [sflag:s15], $0x80  }
0x64: {  	s6 =	simm.s32 @!p1 $0x80;
	[sflag:s15] =	ssyncset.done @!p1 $0x0  }
0x65: {  	s13 =	simm.s32 @!p1 $0x1BC80;
	[sflag:s15] =	ssyncadd.s32 @!p1 $0xFFFFFF80;
	s15 =	simm.s32 @!p5 $0x2  }
0x66: {  	[tilespmem:s13], [sflag:$0x3] =	stream.indirect.gather @!p1 [hbm4b:s4+s6], $0x80, s5, s6, $0xb8;
	[tilespmem:$0x1FC80] =	vst v63  }
0x67: {  	_ =	swait.ge @!p5 [sflag:s15], $0x4000  }
0x68: {  	[sflag:s15] =	ssyncset.done @!p5 $0x0  }
0x69: {  	p2 =	sle.u32 s7, $0x3;
	s5 =	simm.s32 @!p5 $0x13B00;
	[sflag:s15] =	ssyncadd.s32 @!p5 $0xFFFFC000  }
0x6a: {  	[spmem:s1] =	stream.indirect.scatter.add.f32 @!p5 [tilespmem:s9], [sflag:$0x5], $0x80, s5, s12, $0xb8;
	[tilespmem:$0x1FC80] =	vst v63  }
0x6b: {  	s5 =	simm.s32 @!p2 $0x4  }
0x6c: {  	_ =	swait.ge @!p2 [sflag:s5], $0x4000  }
0x6d: {  	s15 =	simm.s32 @!p2 $0x0;
	s9 =	sshrl.u32 @!p2 s10, $0x3;
	[sflag:s5] =	ssyncset.done @!p2 $0x0  }
0x6e: {  	s12 =	sadd.s32 @!p2 s31, s9;
	[sflag:s5] =	ssyncadd.s32 @!p2 $0xFFFFC000;
	s5 =	simm.s32 @!p2 $0x13880  }
0x6f: {  	[tilespmem:s5], [sflag:$0x7] =	stream.linear.gather @!p2 [hbm4b:s12+s15], $0x80, $0x38;
	[tilespmem:$0x1FC80] =	vst v63  }
0x70: {  	s9 =	sadd.s32 @!p2 s30, s9;
	s12 =	simm.s32 @!p2 $0x13A80  }
0x71: {  	[tilespmem:s12], [sflag:$0x7] =	stream.linear.gather @!p2 [hbm4b:s9+s15], $0x80, $0x38;
	[tilespmem:$0x1FC80] =	vst v63  }
0x72: {  	s9 =	simm.s32 @!p2 $0x7  }
0x73: {  	_ =	swait.ge @!p2 [sflag:s9], $0x80  }
0x74: {  	[sflag:s9] =	ssyncset.done @!p2 $0x0  }
0x75: {  	[sflag:s9] =	ssyncadd.s32 @!p2 $0xFFFFFF80  }
0x76: {  	_ =	swait.ge @!p2 [sflag:s9], $0x80  }
0x77: {  	[sflag:s9] =	ssyncset.done @!p2 $0x0  }
0x78: {  	s12 =	simm.s32 @!p2 $0x80;
	[sflag:s9] =	ssyncadd.s32 @!p2 $0xFFFFFF80;
	s9 =	simm.s32 @!p2 $0x13C80  }
0x79: {  	[tilespmem:s9], [sflag:$0x1] =	stream.indirect.gather @!p2 [hbm4b:s4+s12], $0x80, s5, s12, $0xb8;
	[tilespmem:$0x1FC80] =	vst v63  }
0x7a: {  	s5 =	simm.s32 @!p1 $0x3  }
0x7b: {  	_ =	swait.ge @!p1 [sflag:s5], $0x4000  }
0x7c: {  	s22 =	smov.u32 s10;
	[sflag:s5] =	ssyncset.done @!p1 $0x0  }
0x7d: {  	p2 =	sle.u32 s7, $0x4;
	s9 =	simm.s32 $0x3;
	[sflag:s5] =	ssyncadd.s32 @!p1 $0xFFFFC000  }
0x7e: {  	[spmem:s1] =	stream.indirect.scatter.add.f32 @!p1 [tilespmem:s13], [sflag:$0x6], $0x80, s14, s6, $0xb8;
	[tilespmem:$0x1FC80] =	vst v63  }
0x7f: {  	s5 =	smov.u32 s31;
	s14 =	simm.s32 @!p2 $0x5;
	s6 =	smov.u32 s30  }
.LBB2_2:
0x80: {  	_ =	swait.ge @!p2 [sflag:s14], $0x4000;
	s12 =	smov.u32 s9;
	s15 =	simm.s32 @!p2 $0x13900  }
0x81: {  	s16 =	simm.s32 @!p2 $0x0;
	s13 =	rddreg [dreg:$0x4];
	[sflag:s14] =	ssyncset.done @!p2 $0x0  }
0x82: {  	[sflag:s14] =	ssyncadd.s32 @!p2 $0xFFFFC000;
	s14 =	sadd.s32 @!p2 s5, s21;
	p1 =	sge.u32 s12, s13  }
0x83: {  	[tilespmem:s15], [sflag:$0x8] =	stream.linear.gather @!p2 [hbm4b:s14+s16], $0x80, $0x38;
	[tilespmem:$0x1FC80] =	vst v63  }
0x84: {  	s13 =	sadd.s32 @!p2 s6, s21;
	s14 =	simm.s32 @!p2 $0x13B00;
	s17 =	simm.s32 @!p1 $0x8  }
0x85: {  	[tilespmem:s14], [sflag:$0x8] =	stream.linear.gather @!p2 [hbm4b:s13+s16], $0x80, $0x38;
	[tilespmem:$0x1FC80] =	vst v63  }
0x86: {  	_ =	swait.ge @!p1 [sflag:s17], $0x80  }
0x87: {  	s20 =	sadd.s32 $0x2, s12;
	[sflag:s17] =	ssyncset.done @!p1 $0x0  }
0x88: {  	p6 =	sge.u32 s20, s7;
	[sflag:s17] =	ssyncadd.s32 @!p1 $0xFFFFFF80  }
0x89: {  	s15 =	simm.s32 @!p1 $0x80;
	p3 =	seq.s32 @!p6 s12, $0x0;
	_ =	swait.ge @!p1 [sflag:s17], $0x80  }
0x8a: {  	s13 =	simm.s32 @!p1 $0x13900;
	p2 =	sge.u32 s12, s7;
	[sflag:s17] =	ssyncset.done @!p1 $0x0  }
0x8b: {  	s14 =	simm.s32 @!p1 $0x17C80;
	s18 =	simm.s32 @!p2 $0x1;
	[sflag:s17] =	ssyncadd.s32 @!p1 $0xFFFFFF80  }
0x8c: {  	[tilespmem:s14], [sflag:$0x2] =	stream.indirect.gather @!p1 [hbm4b:s4+s15], $0x80, s13, s15, $0xb8;
	[tilespmem:$0x1FC80] =	vst v63  }
0x8d: {  	p3 =	por p3, p6;
	_ =	swait.ge @!p2 [sflag:s18], $0x4000  }
0x8e: {  	s16 =	simm.s32 @!p2 $0x80;
	s17 =	simm.s32 @!p2 $0x13A80;
	[sflag:s18] =	ssyncset.done @!p2 $0x0  }
0x8f: {  	s13 =	simm.s32 @!p2 $0x13C80;
	[sflag:s18] =	ssyncadd.s32 @!p2 $0xFFFFC000;
	s18 =	simm.s32 @!p3 $0x6  }
0x90: {  	[spmem:s1] =	stream.indirect.scatter.add.f32 @!p2 [tilespmem:s13], [sflag:$0x4], $0x80, s17, s16, $0xb8;
	[tilespmem:$0x1FC80] =	vst v63  }
0x91: {  	s5 =	sadd.s32 $0x30, s5;
	_ =	swait.ge @!p3 [sflag:s18], $0x4000  }
0x92: {  	s6 =	sadd.s32 $0x30, s6;
	s19 =	simm.s32 @!p6 $0x13980;
	[sflag:s18] =	ssyncset.done @!p3 $0x0  }
0x93: {  	s16 =	sadd.s32 @!p6 s5, s23;
	s17 =	simm.s32 @!p6 $0x0;
	[sflag:s18] =	ssyncadd.s32 @!p3 $0xFFFFC000  }
0x94: {  	[tilespmem:s19], [sflag:$0x9] =	stream.linear.gather @!p6 [hbm4b:s16+s17], $0x80, $0x38;
	[tilespmem:$0x1FC80] =	vst v63  }
0x95: {  	s20 =	simm.s32 @!p6 $0x9;
	s13 =	simm.s32 @!p6 $0x13B80;
	s18 =	sadd.s32 @!p6 s6, s23  }
0x96: {  	[tilespmem:s13], [sflag:$0x9] =	stream.linear.gather @!p6 [hbm4b:s18+s17], $0x80, $0x38;
	[tilespmem:$0x1FC80] =	vst v63  }
0x97: {  	_ =	swait.ge @!p6 [sflag:s20], $0x80  }
0x98: {  	[sflag:s20] =	ssyncset.done @!p6 $0x0  }
0x99: {  	[sflag:s20] =	ssyncadd.s32 @!p6 $0xFFFFFF80  }
0x9a: {  	_ =	swait.ge @!p6 [sflag:s20], $0x80  }
0x9b: {  	s16 =	simm.s32 @!p6 $0x80;
	[sflag:s20] =	ssyncset.done @!p6 $0x0  }
0x9c: {  	s17 =	simm.s32 @!p6 $0x1BC80;
	s18 =	simm.s32 @!p1 $0x2;
	[sflag:s20] =	ssyncadd.s32 @!p6 $0xFFFFFF80  }
0x9d: {  	[tilespmem:s17], [sflag:$0x3] =	stream.indirect.gather @!p6 [hbm4b:s4+s16], $0x80, s19, s16, $0xb8;
	[tilespmem:$0x1FC80] =	vst v63  }
0x9e: {  	s9 =	sadd.s32 $0x3, s9;
	_ =	swait.ge @!p1 [sflag:s18], $0x4000  }
0x9f: {  	s22 =	sadd.s32 $0x180, s22;
	p2 =	sge.u32 s9, s7;
	[sflag:s18] =	ssyncset.done @!p1 $0x0  }
0xa0: {  	s19 =	simm.s32 @!p1 $0x13B00;
	[sflag:s18] =	ssyncadd.s32 @!p1 $0xFFFFC000;
	s18 =	simm.s32 @!p2 $0x4  }
0xa1: {  	[spmem:s1] =	stream.indirect.scatter.add.f32 @!p1 [tilespmem:s14], [sflag:$0x5], $0x80, s19, s15, $0xb8;
	[tilespmem:$0x1FC80] =	vst v63  }
0xa2: {  	s20 =	sshrl.u32 @!p2 s22, $0x3;
	_ =	swait.ge @!p2 [sflag:s18], $0x4000  }
0xa3: {  	s14 =	sadd.s32 @!p2 s31, s20;
	s15 =	sadd.s32 @!p2 s30, s20;
	[sflag:s18] =	ssyncset.done @!p2 $0x0  }
0xa4: {  	s19 =	simm.s32 @!p2 $0x0;
	s20 =	simm.s32 @!p2 $0x13880;
	[sflag:s18] =	ssyncadd.s32 @!p2 $0xFFFFC000  }
0xa5: {  	[tilespmem:s20], [sflag:$0x7] =	stream.linear.gather @!p2 [hbm4b:s14+s19], $0x80, $0x38;
	[tilespmem:$0x1FC80] =	vst v63  }
0xa6: {  	s18 =	simm.s32 @!p2 $0x13A80;
	s14 =	simm.s32 @!p2 $0x7  }
0xa7: {  	[tilespmem:s18], [sflag:$0x7] =	stream.linear.gather @!p2 [hbm4b:s15+s19], $0x80, $0x38;
	[tilespmem:$0x1FC80] =	vst v63  }
0xa8: {  	_ =	swait.ge @!p2 [sflag:s14], $0x80  }
0xa9: {  	[sflag:s14] =	ssyncset.done @!p2 $0x0  }
0xaa: {  	[sflag:s14] =	ssyncadd.s32 @!p2 $0xFFFFFF80  }
0xab: {  	_ =	swait.ge @!p2 [sflag:s14], $0x80  }
0xac: {  	p5 =	sne.s32 s9, $0x54;
	[sflag:s14] =	ssyncset.done @!p2 $0x0  }
0xad: {  	s15 =	simm.s32 @!p2 $0x80;
	s18 =	simm.s32 @!p2 $0x13C80;
	[sflag:s14] =	ssyncadd.s32 @!p2 $0xFFFFFF80  }
0xae: {  	[tilespmem:s18], [sflag:$0x1] =	stream.indirect.gather @!p2 [hbm4b:s4+s15], $0x80, s20, s15, $0xb8;
	[tilespmem:$0x1FC80] =	vst v63  }
.Ltmp0:
0xaf: {  	s14 =	simm.s32 @!p6 $0x3;
	(pc) =	sbr.rel @p5 .LBB2_2-.Ltmp0, $4  }
0xb0: {  	s12 =	sadd.s32 $0x4, s12;
	_ =	swait.ge @!p6 [sflag:s14], $0x4000  }
0xb1: {  	p2 =	sge.u32 s12, s7;
	[sflag:s14] =	ssyncset.done @!p6 $0x0  }
0xb2: {  	[sflag:s14] =	ssyncadd.s32 @!p6 $0xFFFFC000;
	s14 =	simm.s32 @!p2 $0x5  }
0xb3: {  	[spmem:s1] =	stream.indirect.scatter.add.f32 @!p6 [tilespmem:s17], [sflag:$0x6], $0x80, s13, s16, $0xb8;
	[tilespmem:$0x1FC80] =	vst v63  }
0xb4: {  	_ =	swait.ge @!p2 [sflag:s14], $0x4000  }
0xb5: {  	s9 =	simm.s32 @!p2 $0x13900;
	[sflag:s14] =	ssyncset.done @!p2 $0x0  }
0xb6: {  	s5 =	sadd.s32 @!p2 s5, s21;
	s12 =	simm.s32 @!p2 $0x0;
	[sflag:s14] =	ssyncadd.s32 @!p2 $0xFFFFC000  }
0xb7: {  	[tilespmem:s9], [sflag:$0x8] =	stream.linear.gather @!p2 [hbm4b:s5+s12], $0x80, $0x38;
	[tilespmem:$0x1FC80] =	vst v63  }
0xb8: {  	s5 =	sadd.s32 @!p2 s6, s21;
	s6 =	simm.s32 @!p2 $0x13B00  }
0xb9: {  	[tilespmem:s6], [sflag:$0x8] =	stream.linear.gather @!p2 [hbm4b:s5+s12], $0x80, $0x38;
	[tilespmem:$0x1FC80] =	vst v63  }
0xba: {  	_ =	swait.ge [sflag:s0], $0x4000  }
0xbb: {  	[sflag:s0] =	ssyncset.done $0x0  }
0xbc: {  	[sflag:s0] =	ssyncadd.s32 $0xFFFFC000  }
0xbd: {  	_ =	swait.ge [sflag:s25], $0x4000  }
0xbe: {  	[sflag:s25] =	ssyncset.done $0x0  }
0xbf: {  	[sflag:s25] =	ssyncadd.s32 $0xFFFFC000  }
0xc0: {  	_ =	swait.ge [sflag:s26], $0x4000  }
0xc1: {  	[sflag:s26] =	ssyncset.done $0x0  }
0xc2: {  	[sflag:s26] =	ssyncadd.s32 $0xFFFFC000  }
0xc3: {  	[bflag:$0x0] =	sbarrier.arrive $0xFFFF  }
0xc4: {  	s5 =	sshrl.u32 @p0 s11, $0x3;
	s6 =	simm.s32 @p0 $0x1FCA;
	s9 =	rddreg [dreg:$0xe]  }
0xc5: {  	[hbm:s9], [sflag:s6] =	dma.local @p0 [spmem:s5], $0x2800  }
0xc6: {  	s5 =	simm.s32 @p0 $0xA  }
0xc7: {  	_ =	swait.ge @p0 [sflag:s5], $0x2800  }
0xc8: {  	s6 =	sshll.u32 @!p0 s3, $0x6;
	[sflag:s5] =	ssyncset.done @p0 $0x0;
	s9 =	rddreg [dreg:$0xd]  }
0xc9: {  	[sflag:s5] =	ssyncadd.s32 @p0 $0xFFFFD800;
	s5 =	sor.u32 @!p0 $0x1C0A, s6;
	s6 =	sshrl.u32 @!p0 s8, $0x3  }
0xca: {  	[hbm:s9], [sflag:s5] =	dma.local @!p0 [spmem:s6], $0x2700  }
0xcb: {  	s5 =	simm.s32 @!p0 $0xA  }
0xcc: {  	_ =	swait.ge @!p0 [sflag:s5], $0x2700  }
0xcd: {  	s28 =	sadd.s32 $0x1, s28;
	s22 =	rddreg [dreg:$0xf]  }
0xce: {  	p1 =	sne.s32 s28, s22  }
.Ltmp1:
0xcf: {  	_ = 	snop;
	(pc) =	sbr.rel @p1 .LBB2_1-.Ltmp1, $3  }
0xd0: {  	_ =	sdelay $0x1  }
0xd1: {  	[sflag:s5] =	ssyncset.done @!p0 $0x0  }
0xd2: {  	[sflag:s5] =	ssyncadd.s32 @!p0 $0xFFFFD900  }
0xd3: {  	_ =	sfence.sel $0x180000  }
0xd4: {  	[bflag:$0x0] =	sbarrier.arrive $0xFFFF  }
0xd5: {  	_ =	strace $0x9000004A  }
0xd6: {  	[bflag:$0x2] =	sbarrier.arrive $0xFFFF  }
0xd7: {  	p0 =	sne.s32 s3, $0x0;
	s0 =	rddreg [dreg:$0x3]  }
0xd8: {  	s0 =	sadd.s32 @!p0 $0x100000, s0  }
0xd9: {  	[sflag:s0] =	ssyncadd.tile.s32 @!p0 $0x1;
	_ =	shalt  }
.Lfunc_end2:
_tile_overlayer_lowered:
.L_overlay_start_2:
0xda: {  	(tag) =	ssettag $0x2  }
0xdb: {  	s0 =	rddreg [dreg:$0x0];
	s2 =	stileid.u32  }
0xdc: {  	s1 =	rddreg [dreg:$0x1];
	p0 =	sne.s32 s2, $0x0  }
0xdd: {  	s3 =	rddreg [dreg:$0x2];
	[bflag:$0x3] =	sbarrier.arrive $0xFFFF;
	s2 =	simm.s32 @!p0 $0x1C0A  }
0xde: {  	[timem:s3], [sflag:s2] =	dma.local @!p0 [hbm:s0], s1  }
0xdf: {  	s0 =	simm.s32 @!p0 $0xA  }
0xe0: {  	_ =	swait.ge @!p0 [sflag:s0], s1  }
0xe1: {  	s1 =	ssub.s32 @!p0 $0x0, s1;
	[sflag:s0] =	ssyncset.done @!p0 $0x0  }
0xe2: {  	[sflag:s0] =	ssyncadd.s32 @!p0 s1  }
0xe3: {  	[bflag:$0x3] =	sbarrier.arrive $0xFFFF  }
0xe4: {  	_ =	shalt  }

// kernel: kernel.15.cloned.1.call-start
scs
__scs_entry_jumppad:
0x0: {  	(pc) =	sbr.rel $0x88, $3  }
0x1: {  	(tag) =	ssettag $0x0;
	lr =	simm.s32 $0x1  }
0x2: {  	[smem:$0x3F9B] =	sst lr;
	_ =	strace $0xD0000000  }
0x3: {  	_ = 	snop  }
0x4: {  	_ = 	snop  }
0x5: {  	_ = 	snop  }
0x6: {  	_ = 	snop  }
0x7: {  	_ = 	snop  }
__scs_overlays_trampoline_lowered:
0x8: {  	[smem:$0x3FAA] =	sst s0  }
0x9: {  	[smem:$0x3FAB] =	sst s1  }
0xa: {  	[smem:$0x3FAC] =	sst s2  }
0xb: {  	[smem:$0x3FAD] =	sst s3  }
0xc: {  	[smem:$0x3FAE] =	sst s4  }
0xd: {  	[smem:$0x3FAF] =	sst s5  }
0xe: {  	[smem:$0x3FB0] =	sst s6  }
0xf: {  	[smem:$0x3FB1] =	sst s7  }
0x10: {  	[smem:$0x3FB2] =	sst s8  }
0x11: {  	[smem:$0x3FB3] =	sst s9;
	s0 =	simm.s32 @!p0 $0x0  }
0x12: {  	s1 =	sld [smem:$0x3F99];
	s0 =	simm.s32 @p0 $0x1  }
0x13: {  	[smem:$0x3FB4] =	sst s0;
	s0 =	simm.s32 @!p1 $0x0  }
0x14: {  	s2 =	sld [smem:$0x3F98];
	s0 =	simm.s32 @p1 $0x1  }
0x15: {  	[smem:$0x3FB5] =	sst s0;
	s0 =	simm.s32 @!p2 $0x0  }
0x16: {  	s3 =	sld [smem:$0x3FDB];
	s0 =	simm.s32 @p2 $0x1  }
0x17: {  	s4 =	simm.s32 $0x1BF5;
	[smem:$0x3FB7] =	sst s0  }
0x18: {  	s0 =	sld [smem:$0x3F9A];
	_ =	swait.ge [sflag:s4], $0x0  }
0x19: {  	s7 =	sld [smem:$0x3F9B]  }
0x1a: {  	s8 =	sadd.s32 $0xFFFFE003, lr  }
0x1b: {  	s9 =	sadd.s32 $0xFFFFFEF7, lr;
	s5 =	simm.s32 $0xFFFFFFFF;
	p2 =	slt.u32 s8, $0xFFFFF086  }
0x1c: {  	p1 =	slt.u32 s9, $0xF7A;
	s5 =	simm.s32 @!p2 $0x0  }
0x1d: {  	s5 =	simm.s32 @p1 $0x1;
	p0 =	seq.s32 s7, s2  }
0x1e: {  	s7 =	smul.u32 @!p0 $0xF7A, s2;
	p2 =	seq.s32 @!p0 s5, $0x0  }
0x1f: {  	s9 =	smul.u32 $0xF7A, s1;
	s8 =	simm.s32 @!p0 $0x1BF5;
	p2 =	por !p2, p0  }
0x20: {  	[sflag:s8] =	ssyncset.s32 @!p0 $0xFFFFF086;
	s6 =	sadd.s32 @!p0 s3, s7;
	s7 =	simm.s32 @!p0 $0x108  }
0x21: {  	s3 =	sadd.s32 s3, s9;
	s6 =	sadd.s32 @!p0 $0x88, s6;
	s7 =	simm.s32 @p2 $0x1082  }
0x22: {  	[simem:s7], [sflag:s8] =	dma.local @!p0 [hbm:s6], $0xF7A  }
0x23: {  	s9 =	sor.u32 $0xD0000000, s2;
	s6 =	simm.s32 $0x108;
	_ =	swait.ge @!p0 [sflag:s8], $0x0  }
0x24: {  	s3 =	sadd.s32 $0x88, s3;
	s6 =	simm.s32 @!p1 $0x1082;
	[sflag:s4] =	ssyncset.s32 $0xFFFFF086  }
0x25: {  	[simem:s6], [sflag:s4] =	dma.local [hbm:s3], $0xF7A  }
0x26: {  	[smem:$0x3F9B] =	sst s1;
	(tag) =	ssettag s2;
	_ =	strace s9  }
0x27: {  	s1 =	sld [smem:$0x3FAB]  }
0x28: {  	s2 =	sld [smem:$0x3FAC]  }
0x29: {  	s4 =	sld [smem:$0x3FAE]  }
0x2a: {  	p0 =	seq.s32 s5, $0x0;
	s5 =	sld [smem:$0x3FAF]  }
0x2b: {  	s6 =	sld [smem:$0x3FB0]  }
0x2c: {  	s7 =	sld [smem:$0x3FB1]  }
0x2d: {  	s3 =	simm.s32 $0x108;
	s8 =	sld [smem:$0x3FB2]  }
0x2e: {  	s3 =	simm.s32 @!p0 $0x1082;
	s9 =	sld [smem:$0x3FB3]  }
0x2f: {  	lr =	sadd.s32 s0, s3;
	s0 =	sld [smem:$0x3FAA]  }
0x30: {  	s3 =	sld [smem:$0x3FAD]  }
0x31: {  	[smem:$0x3FB6] =	sst s10  }
0x32: {  	s10 =	sld [smem:$0x3FB4];
	_ =	sdelay $0x3  }
0x33: {  	p0 =	seq.s32 s10, $0x1;
	s10 =	sld [smem:$0x3FB6];
	_ =	sdelay $0x3  }
0x34: {  	[smem:$0x3FB6] =	sst s10  }
0x35: {  	s10 =	sld [smem:$0x3FB5];
	_ =	sdelay $0x3  }
0x36: {  	p1 =	seq.s32 s10, $0x1;
	s10 =	sld [smem:$0x3FB6];
	_ =	sdelay $0x3  }
0x37: {  	[smem:$0x3FB6] =	sst s10  }
0x38: {  	s10 =	sld [smem:$0x3FB7]  }
0x39: {  	_ = 	snop;
	(pc) =	sbr.ind lr, $3  }
0x3a: {  	_ = 	snop  }
0x3b: {  	_ = 	snop  }
0x3c: {  	p2 =	seq.s32 s10, $0x1;
	s10 =	sld [smem:$0x3FB6]  }
0x3d: {  	_ =	shalt  }
0x3e: {  	_ =	shalt  }
0x3f: {  	_ =	shalt  }
0x40: {  	_ =	shalt  }
0x41: {  	_ =	shalt  }
0x42: {  	_ =	shalt  }
0x43: {  	_ =	shalt  }
0x44: {  	_ =	shalt  }
0x45: {  	_ =	shalt  }
0x46: {  	_ =	shalt  }
0x47: {  	_ =	shalt  }
0x48: {  	_ =	shalt  }
0x49: {  	_ =	shalt  }
0x4a: {  	_ =	shalt  }
0x4b: {  	_ =	shalt  }
0x4c: {  	_ =	shalt  }
0x4d: {  	_ =	shalt  }
0x4e: {  	_ =	shalt  }
0x4f: {  	_ =	shalt  }
0x50: {  	_ =	shalt  }
0x51: {  	_ =	shalt  }
0x52: {  	_ =	shalt  }
0x53: {  	_ =	shalt  }
0x54: {  	_ =	shalt  }
0x55: {  	_ =	shalt  }
0x56: {  	_ =	shalt  }
0x57: {  	_ =	shalt  }
0x58: {  	_ =	shalt  }
0x59: {  	_ =	shalt  }
0x5a: {  	_ =	shalt  }
0x5b: {  	_ =	shalt  }
0x5c: {  	_ =	shalt  }
0x5d: {  	_ =	shalt  }
0x5e: {  	_ =	shalt  }
0x5f: {  	_ =	shalt  }
0x60: {  	_ =	shalt  }
0x61: {  	_ =	shalt  }
0x62: {  	_ =	shalt  }
0x63: {  	_ =	shalt  }
0x64: {  	_ =	shalt  }
0x65: {  	_ =	shalt  }
0x66: {  	_ =	shalt  }
0x67: {  	_ =	shalt  }
0x68: {  	_ =	shalt  }
0x69: {  	_ =	shalt  }
0x6a: {  	_ =	shalt  }
0x6b: {  	_ =	shalt  }
0x6c: {  	_ =	shalt  }
0x6d: {  	_ =	shalt  }
0x6e: {  	_ =	shalt  }
0x6f: {  	_ =	shalt  }
0x70: {  	_ =	shalt  }
0x71: {  	_ =	shalt  }
0x72: {  	_ =	shalt  }
0x73: {  	_ =	shalt  }
0x74: {  	_ =	shalt  }
0x75: {  	_ =	shalt  }
0x76: {  	_ =	shalt  }
0x77: {  	_ =	shalt  }
0x78: {  	_ =	shalt  }
0x79: {  	_ =	shalt  }
0x7a: {  	_ =	shalt  }
0x7b: {  	_ =	shalt  }
0x7c: {  	_ =	shalt  }
0x7d: {  	_ =	shalt  }
0x7e: {  	_ =	shalt  }
0x7f: {  	_ =	shalt  }
0x80: {  	_ =	shalt  }
0x81: {  	_ =	shalt  }
0x82: {  	_ =	shalt  }
0x83: {  	_ =	shalt  }
0x84: {  	_ =	shalt  }
0x85: {  	_ =	shalt  }
0x86: {  	_ =	shalt  }
0x87: {  	_ =	shalt  }
.Lfunc_end0:
.L_simem_size_0:
called_computation.2_lowered:
.L_overlay_start_0:
0x88: {  	s2 =	sld [smem:$0x3FD9]  }
0x89: {  	s3 =	sld [smem:$0x3FFE];
	_ =	sdelay $0x1  }
0x8a: {  	s1 =	srdreg.scid  }
0x8b: {  	s0 =	sand.u32 $0x1, s1  }
0x8c: {  	s17 =	sshll.u32 s0, $0xA;
	s2 =	sadd.s32 s3, s2  }
0x8d: {  	s2 =	sadd.s32 s2, s17  }
0x8e: {  	[smem:$0x3FC2] =	sst s2  }
0x8f: {  	_ = 	snop  }
0x90: {  	s2 =	sld [smem:$0x3FD0];
	(tm) =	ssettm $0x1  }
0x91: {  	s18 =	sld [smem:$0x3FFB];
	_ =	sdelay $0x3  }
0x92: {  	_ =	strace s18  }
0x93: {  	s3 =	sld [smem:$0x3FFC];
	_ =	sdelay $0x3  }
0x94: {  	_ =	strace s3  }
0x95: {  	s3 =	sld [smem:$0x3FFD];
	_ =	sdelay $0x3  }
0x96: {  	_ =	strace s3  }
0x97: {  	_ =	strace $0x8FFFFFFF  }
0x98: {  	s19 =	sld [smem:$0x3FDB];
	_ =	sdelay $0x1  }
0x99: {  	s4 =	simm.s32 $_scs_section_size  }
0x9a: {  	s5 =	simm.s32 $_size__tile_overlayer_lowered;
	s6 =	simm.s32 $_tile_overlayer_lowered  }
0x9b: {  	s22 =	simm.s32 $0x1BFF;
	s21 =	sshll.u32 s6, $0x1;
	s3 =	sadd.s32 s4, s19  }
0x9c: {  	s7 =	simm.s32 $0x0;
	s20 =	sshll.u32 s5, $0x1;
	s5 =	sadd.s32 s21, s3  }
0x9d: {  	[timem:s7], [sflag:s22] =	dma.local [hbm:s5], s20  }
0x9e: {  	_ =	swait.ge [sflag:s22], s20  }
0x9f: {  	s4 =	ssub.s32 $0x0, s20;
	[sflag:s22] =	ssyncset.done $0x0  }
0xa0: {  	[sflag:s22] =	ssyncadd.s32 s4;
	_ =	sdelay $0x1  }
0xa1: {  	s23 =	simm.s32 $0x1B8B  }
0xa2: {  	_ =	swait.ge [sflag:s23], $0x1  }
0xa3: {  	[sflag:s23] =	ssyncset.done $0x0  }
0xa4: {  	s25 =	simm.s32 $0x1B8E;
	s24 =	sld [smem:$0x3FFE];
	[sflag:s23] =	ssyncadd.s32 $0xFFFFFFFF  }
0xa5: {  	s26 =	simm.s32 $execute0_lowered;
	[smem:$0x3FD2] =	sst s25  }
0xa6: {  	s5 =	sshll.u32 s26, $0x1;
	_ =	strace $0x8000004C;
	[dreg:$0x1] =	wrdreg $0xFFFFFFFF  }
0xa7: {  	s28 =	simm.s32 $_size_execute0_lowered;
	s3 =	sadd.s32 s3, s5;
	[dreg:$0x0] =	wrdreg $0x0  }
0xa8: {  	s5 =	sshll.u32 s28, $0x1;
	[dreg:$0x2] =	wrdreg s3  }
0xa9: {  	[dreg:$0x3] =	wrdreg s5  }
0xaa: {  	[dreg:$0x4] =	wrdreg $0xC0  }
0xab: {  	_ =	task [dreg:s7], $0x5FFFF  }
0xac: {  	[dreg:$0x1] =	wrdreg $0xFFFFFFFF  }
0xad: {  	[dreg:$0x0] =	wrdreg $0x60  }
0xae: {  	[dreg:$0x2] =	wrdreg s24  }
0xaf: {  	[dreg:$0x3] =	wrdreg s2  }
0xb0: {  	[dreg:$0x4] =	wrdreg $0x0  }
0xb1: {  	[dreg:$0x5] =	wrdreg $0x9  }
0xb2: {  	_ =	task.clear_ibuf [dreg:s7], $0x6FFFF;
	_ =	strace $0x9000004C  }
0xb3: {  	s29 =	simm.s32 $0x9;
	_ =	strace $0x8000004E  }
0xb4: {  	_ =	swait.ge [sflag:s29], $0x1  }
0xb5: {  	[sflag:s29] =	ssyncadd.s32 $0xFFFFFFFF  }
0xb6: {  	_ =	strace $0x9000004E  }
0xb7: {  	_ =	sfence  }
0xb8: {  	s30 =	sld [smem:$0x0];
	_ =	sdelay $0x2  }
0xb9: {  	s31 =	sshll.u32 s1, $0xD;
	s1 =	sshrl.u32 s1, $0x2  }
0xba: {  	s3 =	sand.u32 $0x4000, s31;
	s1 =	sadd.s32 s1, s30  }
0xbb: {  	s0 =	sor.u32 s3, s0;
	s1 =	sshll.u32 s1, $0x11  }
0xbc: {  	s0 =	sor.u32 s1, s0  }
0xbd: {  	s0 =	sadd.s32 $0x8F2B, s0  }
0xbe: {  	[sflag:s0] =	ssyncadd.remote.s32 $0x1  }
0xbf: {  	_ =	sfence.sel $0xFFFF  }
0xc0: {  	[dreg:$0x0] =	wrdreg $0xFFFFFFFF;
	(pc) =	sbr.abs _section_cstart, $3  }
0xc1: {  	[dreg:$0x1] =	wrdreg $0xFFFFFFFF  }
0xc2: {  	_ =	task.clear_ibuf [dreg:s7], $0x2FFFF;
	_ =	strace $0x9FFFFFFF  }
0xc3: {  	(tm) =	ssettm $0x7FFFFFFF  }
tec
execute0_lowered:
.L_overlay_start_1:
0x0: {  	(tag) =	ssettag $0x1  }
0x1: {  	s0 =	rddreg [dreg:$0x0]  }
0x2: {  	s5 =	rddreg [dreg:$0x1]  }
0x3: {  	s1 =	rddreg [dreg:$0x2];
	s2 =	simm.s32 $0x0  }
0x4: {  	s6 =	srdreg.scid;
	s3 =	stileid.u32;
	s29 =	simm.s32 $0x7  }
0x5: {  	s28 =	simm.s32 $0x0;
	[smem:$0x7FF] =	sst s2;
	s4 =	sadd.s32 $0x15A00, s0  }
0x6: {  	s31 =	sadd.s32 $0x1E00, s0;
	s30 =	sadd.s32 $0xBC00, s0;
	s10 =	smul.u32 $0x4E000, s3  }
0x7: {  	s6 =	sand.u32 $0x1, s6;
	s7 =	sshll.u32 s3, $0x1;
	s13 =	smul.u32 $0x2700, s3  }
0x8: {  	s12 =	sadd.s32 $0x3CC00, s0;
	s0 =	sadd.s32 $0x3A300, s0;
	s18 =	smul.u32 $0x4E00, s3  }
0x9: {  	_ =	strace $0x8000004D;
	s8 =	ssub.s32 $0x2, s6;
	s9 =	sor.u32 s6, s7  }
0xa: {  	s7 =	simm.s32 $0x52;
	s24 =	smul.u32 $0x27100, s6;
	[dreg:$0x8] =	wrdreg s0  }
0xb: {  	s26 =	smul.u32 $0x138800, s6;
	s11 =	sshrl.u32 s8, $0x1;
	p0 =	seq.s32 s9, $0x1F  }
0xc: {  	s10 =	sshrl.u32 s10, $0x2;
	s22 =	sadd.s32 s5, s13;
	s23 =	sadd.s32 s4, s13  }
0xd: {  	s9 =	smul.u32 $0x2700, s9;
	s5 =	sadd.s32 $0x24900, s5;
	[dreg:$0x5] =	wrdreg s22  }
0xe: {  	s14 =	ssub.s32 s8, s11;
	s7 =	simm.s32 @!p0 $0x4E;
	[dreg:$0x6] =	wrdreg s23  }
0xf: {  	s8 =	sadd.s32 s10, s1;
	s11 =	sadd.s32 $0x124800, s1;
	[dreg:$0x7] =	wrdreg s5  }
0x10: {  	s20 =	sadd.s32 s13, s24;
	s21 =	sshrl.u32 s26, $0x3;
	p0 =	seq.s32 s3, $0xF  }
0x11: {  	s25 =	sshrl.u32 s9, $0x3;
	s15 =	sadd.s32 $0xFFFFFFFF, s7;
	s23 =	sadd.s32 s12, s21  }
0x12: {  	p1 =	sne.s32 @p0 s6, $0x0;
	p2 =	sne.s32 @!p0 s6, $0x0;
	s16 =	sadd.s32 s31, s25  }
0x13: {  	s17 =	sadd.s32 s30, s25;
	s0 =	sor.u32 $0x10, s25;
	[dreg:$0x4] =	wrdreg s15  }
0x14: {  	s25 =	smax.u32 s14, $0x1;
	p3 =	por !p1, !p0;
	[dreg:$0x9] =	wrdreg s16  }
0x15: {  	p1 =	por p1, !p0;
	p4 =	por p2, p0;
	[dreg:$0xa] =	wrdreg s17  }
0x16: {  	s19 =	sadd.s32 s31, s0;
	s0 =	sadd.s32 s30, s0;
	[dreg:$0xf] =	wrdreg s25  }
0x17: {  	s16 =	smul.u32 $0x2700, s6;
	[dreg:$0xc] =	wrdreg s0;
	s0 =	sadd.s32 s12, s20  }
0x18: {  	s25 =	simm.s32 $0x5;
	[dreg:$0xd] =	wrdreg s0;
	s0 =	sadd.s32 $0x24900, s23  }
0x19: {  	s22 =	sadd.s32 s16, s18;
	[dreg:$0xe] =	wrdreg s0;
	s0 =	simm.s32 @!p3 $0x0  }
0x1a: {  	[dreg:$0xb] =	wrdreg s19;
	s24 =	sadd.s32 $0x200, s22;
	s0 =	simm.s32 @p3 $0x1  }
0x1b: {  	s10 =	sadd.s32 $0x180, s22;
	[smem:$0x7FB] =	sst s0;
	s0 =	simm.s32 @!p1 $0x0  }
0x1c: {  	s26 =	sadd.s32 $0x100, s22;
	s0 =	simm.s32 @p1 $0x1;
	p1 =	por !p2, p0  }
0x1d: {  	s21 =	sshrl.u32 s24, $0x3;
	[smem:$0x7FC] =	sst s0;
	s0 =	simm.s32 @!p1 $0x0  }
0x1e: {  	s23 =	sshrl.u32 s26, $0x3;
	s24 =	simm.s32 $0x13880;
	s0 =	simm.s32 @p1 $0x1  }
0x1f: {  	s26 =	simm.s32 $0x6;
	[smem:$0x7FD] =	sst s0;
	s0 =	simm.s32 $0x4  }
.LBB2_1:
0x20: {  	s5 =	sld [smem:$0x7FB];
	_ =	sdelay $0x2  }
0x21: {  	p1 =	seq.s32 s5, $0x1  }
0x22: {  	s9 =	rddreg [dreg:$0x7];
	s5 =	sshrl.u32 @!p1 s11, $0x3;
	s6 =	simm.s32 @!p1 $0x1FCA  }
0x23: {  	[spmem:s5], [sflag:s6] =	dma.local @!p1 [hbm:s9], $0x2800  }
0x24: {  	s5 =	simm.s32 @!p1 $0xA  }
0x25: {  	_ =	swait.ge @!p1 [sflag:s5], $0x2800  }
0x26: {  	s6 =	sld [smem:$0x7FC];
	_ =	sdelay $0x1  }
0x27: {  	[sflag:s5] =	ssyncset.done @!p1 $0x0  }
0x28: {  	[sflag:s5] =	ssyncadd.s32 @!p1 $0xFFFFD800;
	p1 =	seq.s32 s6, $0x1  }
0x29: {  	s9 =	rddreg [dreg:$0x8];
	s5 =	sshrl.u32 @!p1 s11, $0x3;
	s6 =	simm.s32 @!p1 $0x1FCA  }
0x2a: {  	[spmem:s5], [sflag:s6] =	dma.local @!p1 [hbm:s9], $0x2800  }
0x2b: {  	s5 =	simm.s32 @!p1 $0xA  }
0x2c: {  	_ =	swait.ge @!p1 [sflag:s5], $0x2800  }
0x2d: {  	s9 =	sld [smem:$0x7FD];
	_ =	sdelay $0x2  }
0x2e: {  	[sflag:s5] =	ssyncset.done @!p1 $0x0;
	p2 =	seq.s32 s9, $0x1  }
0x2f: {  	[sflag:s5] =	ssyncadd.s32 @!p1 $0xFFFFD800;
	s6 =	sshll.u32 @!p2 s3, $0x6  }
0x30: {  	s9 =	rddreg [dreg:$0x5];
	s5 =	sor.u32 @!p2 $0x1C0A, s6;
	s6 =	sshrl.u32 @!p2 s8, $0x3  }
0x31: {  	[spmem:s6], [sflag:s5] =	dma.local @!p2 [hbm:s9], $0x2700  }
0x32: {  	s5 =	simm.s32 @!p2 $0xA  }
0x33: {  	_ =	swait.ge @!p2 [sflag:s5], $0x2700  }
0x34: {  	s6 =	sshll.u32 @!p4 s3, $0x6;
	[sflag:s5] =	ssyncset.done @!p2 $0x0;
	s9 =	rddreg [dreg:$0x6]  }
0x35: {  	[sflag:s5] =	ssyncadd.s32 @!p2 $0xFFFFD900;
	s5 =	sor.u32 @!p4 $0x1C0A, s6;
	s6 =	sshrl.u32 @!p4 s8, $0x3  }
0x36: {  	[spmem:s6], [sflag:s5] =	dma.local @!p4 [hbm:s9], $0x2700  }
0x37: {  	s5 =	simm.s32 @!p4 $0xA  }
0x38: {  	_ =	swait.ge @!p4 [sflag:s5], $0x2700  }
0x39: {  	[sflag:s5] =	ssyncset.done @!p4 $0x0  }
0x3a: {  	[sflag:s5] =	ssyncadd.s32 @!p4 $0xFFFFD900  }
0x3b: {  	[bflag:$0x0] =	sbarrier.arrive $0xFFFF  }
0x3c: {  	s12 =	rddreg [dreg:$0x9]  }
0x3d: {  	[tilespmem:s24], [sflag:$0x7] =	stream.linear.gather [hbm4b:s12+s2], $0x80, $0x38;
	[tilespmem:$0x1FC80] =	vst v63  }
0x3e: {  	s14 =	simm.s32 $0x13A80;
	s13 =	rddreg [dreg:$0xa]  }
0x3f: {  	[tilespmem:s14], [sflag:$0x7] =	stream.linear.gather [hbm4b:s13+s2], $0x80, $0x38;
	[tilespmem:$0x1FC80] =	vst v63  }
0x40: {  	s16 =	simm.s32 $0x13900;
	s15 =	rddreg [dreg:$0xb]  }
0x41: {  	[tilespmem:s16], [sflag:$0x8] =	stream.linear.gather [hbm4b:s15+s2], $0x80, $0x38;
	[tilespmem:$0x1FC80] =	vst v63  }
0x42: {  	s18 =	simm.s32 $0x13B00;
	s17 =	rddreg [dreg:$0xc]  }
0x43: {  	[tilespmem:s18], [sflag:$0x8] =	stream.linear.gather [hbm4b:s17+s2], $0x80, $0x38;
	[tilespmem:$0x1FC80] =	vst v63  }
0x44: {  	_ =	swait.ge [sflag:s29], $0x80  }
0x45: {  	[sflag:s29] =	ssyncset.done $0x0  }
0x46: {  	[sflag:s29] =	ssyncadd.s32 $0xFFFFFF80  }
0x47: {  	_ =	swait.ge [sflag:s29], $0x80  }
0x48: {  	s20 =	simm.s32 $0x80;
	[sflag:s29] =	ssyncset.done $0x0;
	s19 =	rddreg [dreg:$0x4]  }
0x49: {  	s22 =	simm.s32 $0x13C80;
	[sflag:s29] =	ssyncadd.s32 $0xFFFFFF80;
	p5 =	sle.u32 s19, $0x0  }
0x4a: {  	[tilespmem:s22], [sflag:$0x1] =	stream.indirect.gather [hbm4b:s4+s20], $0x80, s24, s20, $0xb8;
	[tilespmem:$0x1FC80] =	vst v63  }
0x4b: {  	s5 =	simm.s32 @!p5 $0x8  }
0x4c: {  	_ =	swait.ge @!p5 [sflag:s5], $0x80  }
0x4d: {  	[sflag:s5] =	ssyncset.done @!p5 $0x0  }
0x4e: {  	[sflag:s5] =	ssyncadd.s32 @!p5 $0xFFFFFF80  }
0x4f: {  	p2 =	sle.u32 s7, $0x0;
	_ =	swait.ge @!p5 [sflag:s5], $0x80  }
0x50: {  	s13 =	simm.s32 @!p2 $0x1;
	s6 =	simm.s32 @!p5 $0x13900;
	[sflag:s5] =	ssyncset.done @!p5 $0x0  }
0x51: {  	s9 =	simm.s32 @!p5 $0x17C80;
	s12 =	simm.s32 @!p5 $0x80;
	[sflag:s5] =	ssyncadd.s32 @!p5 $0xFFFFFF80  }
0x52: {  	[tilespmem:s9], [sflag:$0x2] =	stream.indirect.gather @!p5 [hbm4b:s4+s12], $0x80, s6, s12, $0xb8;
	[tilespmem:$0x1FC80] =	vst v63  }
0x53: {  	_ =	swait.ge @!p2 [sflag:s13], $0x4000  }
0x54: {  	p1 =	sle.u32 s7, $0x2;
	s5 =	simm.s32 @!p2 $0x13C80;
	[sflag:s13] =	ssyncset.done @!p2 $0x0  }
0x55: {  	s6 =	simm.s32 @!p2 $0x80;
	[sflag:s13] =	ssyncadd.s32 @!p2 $0xFFFFC000;
	s13 =	simm.s32 @!p2 $0x13A80  }
0x56: {  	[spmem:s1] =	stream.indirect.scatter.add.f32 @!p2 [tilespmem:s5], [sflag:$0x4], $0x80, s13, s6, $0xb8;
	[tilespmem:$0x1FC80] =	vst v63  }
0x57: {  	p2 =	por @!p1 $0x1, $0x1  }
0x58: {  	p2 =	por p2, p1  }
0x59: {  	s5 =	simm.s32 @!p2 $0x6  }
0x5a: {  	_ =	swait.ge @!p2 [sflag:s5], $0x4000  }
0x5b: {  	s6 =	sadd.s32 @!p1 s31, s23;
	[sflag:s5] =	ssyncset.done @!p2 $0x0  }
0x5c: {  	s13 =	simm.s32 @!p1 $0x0;
	[sflag:s5] =	ssyncadd.s32 @!p2 $0xFFFFC000;
	s5 =	simm.s32 @!p1 $0x13980  }
0x5d: {  	[tilespmem:s5], [sflag:$0x9] =	stream.linear.gather @!p1 [hbm4b:s6+s13], $0x80, $0x38;
	[tilespmem:$0x1FC80] =	vst v63  }
0x5e: {  	s14 =	simm.s32 @!p1 $0x13B80;
	s15 =	simm.s32 @!p1 $0x9;
	s6 =	sadd.s32 @!p1 s30, s23  }
0x5f: {  	[tilespmem:s14], [sflag:$0x9] =	stream.linear.gather @!p1 [hbm4b:s6+s13], $0x80, $0x38;
	[tilespmem:$0x1FC80] =	vst v63  }
0x60: {  	_ =	swait.ge @!p1 [sflag:s15], $0x80  }
0x61: {  	[sflag:s15] =	ssyncset.done @!p1 $0x0  }
0x62: {  	[sflag:s15] =	ssyncadd.s32 @!p1 $0xFFFFFF80  }
0x63: {  	_ =	swait.ge @!p1 [sflag:s15], $0x80  }
0x64: {  	s6 =	simm.s32 @!p1 $0x80;
	[sflag:s15] =	ssyncset.done @!p1 $0x0  }
0x65: {  	s13 =	simm.s32 @!p1 $0x1BC80;
	[sflag:s15] =	ssyncadd.s32 @!p1 $0xFFFFFF80;
	s15 =	simm.s32 @!p5 $0x2  }
0x66: {  	[tilespmem:s13], [sflag:$0x3] =	stream.indirect.gather @!p1 [hbm4b:s4+s6], $0x80, s5, s6, $0xb8;
	[tilespmem:$0x1FC80] =	vst v63  }
0x67: {  	_ =	swait.ge @!p5 [sflag:s15], $0x4000  }
0x68: {  	[sflag:s15] =	ssyncset.done @!p5 $0x0  }
0x69: {  	p2 =	sle.u32 s7, $0x3;
	s5 =	simm.s32 @!p5 $0x13B00;
	[sflag:s15] =	ssyncadd.s32 @!p5 $0xFFFFC000  }
0x6a: {  	[spmem:s1] =	stream.indirect.scatter.add.f32 @!p5 [tilespmem:s9], [sflag:$0x5], $0x80, s5, s12, $0xb8;
	[tilespmem:$0x1FC80] =	vst v63  }
0x6b: {  	s5 =	simm.s32 @!p2 $0x4  }
0x6c: {  	_ =	swait.ge @!p2 [sflag:s5], $0x4000  }
0x6d: {  	s15 =	simm.s32 @!p2 $0x0;
	s9 =	sshrl.u32 @!p2 s10, $0x3;
	[sflag:s5] =	ssyncset.done @!p2 $0x0  }
0x6e: {  	s12 =	sadd.s32 @!p2 s31, s9;
	[sflag:s5] =	ssyncadd.s32 @!p2 $0xFFFFC000;
	s5 =	simm.s32 @!p2 $0x13880  }
0x6f: {  	[tilespmem:s5], [sflag:$0x7] =	stream.linear.gather @!p2 [hbm4b:s12+s15], $0x80, $0x38;
	[tilespmem:$0x1FC80] =	vst v63  }
0x70: {  	s9 =	sadd.s32 @!p2 s30, s9;
	s12 =	simm.s32 @!p2 $0x13A80  }
0x71: {  	[tilespmem:s12], [sflag:$0x7] =	stream.linear.gather @!p2 [hbm4b:s9+s15], $0x80, $0x38;
	[tilespmem:$0x1FC80] =	vst v63  }
0x72: {  	s9 =	simm.s32 @!p2 $0x7  }
0x73: {  	_ =	swait.ge @!p2 [sflag:s9], $0x80  }
0x74: {  	[sflag:s9] =	ssyncset.done @!p2 $0x0  }
0x75: {  	[sflag:s9] =	ssyncadd.s32 @!p2 $0xFFFFFF80  }
0x76: {  	_ =	swait.ge @!p2 [sflag:s9], $0x80  }
0x77: {  	[sflag:s9] =	ssyncset.done @!p2 $0x0  }
0x78: {  	s12 =	simm.s32 @!p2 $0x80;
	[sflag:s9] =	ssyncadd.s32 @!p2 $0xFFFFFF80;
	s9 =	simm.s32 @!p2 $0x13C80  }
0x79: {  	[tilespmem:s9], [sflag:$0x1] =	stream.indirect.gather @!p2 [hbm4b:s4+s12], $0x80, s5, s12, $0xb8;
	[tilespmem:$0x1FC80] =	vst v63  }
0x7a: {  	s5 =	simm.s32 @!p1 $0x3  }
0x7b: {  	_ =	swait.ge @!p1 [sflag:s5], $0x4000  }
0x7c: {  	s22 =	smov.u32 s10;
	[sflag:s5] =	ssyncset.done @!p1 $0x0  }
0x7d: {  	p2 =	sle.u32 s7, $0x4;
	s9 =	simm.s32 $0x3;
	[sflag:s5] =	ssyncadd.s32 @!p1 $0xFFFFC000  }
0x7e: {  	[spmem:s1] =	stream.indirect.scatter.add.f32 @!p1 [tilespmem:s13], [sflag:$0x6], $0x80, s14, s6, $0xb8;
	[tilespmem:$0x1FC80] =	vst v63  }
0x7f: {  	s5 =	smov.u32 s31;
	s14 =	simm.s32 @!p2 $0x5;
	s6 =	smov.u32 s30  }
.LBB2_2:
0x80: {  	_ =	swait.ge @!p2 [sflag:s14], $0x4000;
	s12 =	smov.u32 s9;
	s15 =	simm.s32 @!p2 $0x13900  }
0x81: {  	s16 =	simm.s32 @!p2 $0x0;
	s13 =	rddreg [dreg:$0x4];
	[sflag:s14] =	ssyncset.done @!p2 $0x0  }
0x82: {  	[sflag:s14] =	ssyncadd.s32 @!p2 $0xFFFFC000;
	s14 =	sadd.s32 @!p2 s5, s21;
	p1 =	sge.u32 s12, s13  }
0x83: {  	[tilespmem:s15], [sflag:$0x8] =	stream.linear.gather @!p2 [hbm4b:s14+s16], $0x80, $0x38;
	[tilespmem:$0x1FC80] =	vst v63  }
0x84: {  	s13 =	sadd.s32 @!p2 s6, s21;
	s14 =	simm.s32 @!p2 $0x13B00;
	s17 =	simm.s32 @!p1 $0x8  }
0x85: {  	[tilespmem:s14], [sflag:$0x8] =	stream.linear.gather @!p2 [hbm4b:s13+s16], $0x80, $0x38;
	[tilespmem:$0x1FC80] =	vst v63  }
0x86: {  	_ =	swait.ge @!p1 [sflag:s17], $0x80  }
0x87: {  	s20 =	sadd.s32 $0x2, s12;
	[sflag:s17] =	ssyncset.done @!p1 $0x0  }
0x88: {  	p6 =	sge.u32 s20, s7;
	[sflag:s17] =	ssyncadd.s32 @!p1 $0xFFFFFF80  }
0x89: {  	s15 =	simm.s32 @!p1 $0x80;
	p3 =	seq.s32 @!p6 s12, $0x0;
	_ =	swait.ge @!p1 [sflag:s17], $0x80  }
0x8a: {  	s13 =	simm.s32 @!p1 $0x13900;
	p2 =	sge.u32 s12, s7;
	[sflag:s17] =	ssyncset.done @!p1 $0x0  }
0x8b: {  	s14 =	simm.s32 @!p1 $0x17C80;
	s18 =	simm.s32 @!p2 $0x1;
	[sflag:s17] =	ssyncadd.s32 @!p1 $0xFFFFFF80  }
0x8c: {  	[tilespmem:s14], [sflag:$0x2] =	stream.indirect.gather @!p1 [hbm4b:s4+s15], $0x80, s13, s15, $0xb8;
	[tilespmem:$0x1FC80] =	vst v63  }
0x8d: {  	p3 =	por p3, p6;
	_ =	swait.ge @!p2 [sflag:s18], $0x4000  }
0x8e: {  	s16 =	simm.s32 @!p2 $0x80;
	s17 =	simm.s32 @!p2 $0x13A80;
	[sflag:s18] =	ssyncset.done @!p2 $0x0  }
0x8f: {  	s13 =	simm.s32 @!p2 $0x13C80;
	[sflag:s18] =	ssyncadd.s32 @!p2 $0xFFFFC000;
	s18 =	simm.s32 @!p3 $0x6  }
0x90: {  	[spmem:s1] =	stream.indirect.scatter.add.f32 @!p2 [tilespmem:s13], [sflag:$0x4], $0x80, s17, s16, $0xb8;
	[tilespmem:$0x1FC80] =	vst v63  }
0x91: {  	s5 =	sadd.s32 $0x30, s5;
	_ =	swait.ge @!p3 [sflag:s18], $0x4000  }
0x92: {  	s6 =	sadd.s32 $0x30, s6;
	s19 =	simm.s32 @!p6 $0x13980;
	[sflag:s18] =	ssyncset.done @!p3 $0x0  }
0x93: {  	s16 =	sadd.s32 @!p6 s5, s23;
	s17 =	simm.s32 @!p6 $0x0;
	[sflag:s18] =	ssyncadd.s32 @!p3 $0xFFFFC000  }
0x94: {  	[tilespmem:s19], [sflag:$0x9] =	stream.linear.gather @!p6 [hbm4b:s16+s17], $0x80, $0x38;
	[tilespmem:$0x1FC80] =	vst v63  }
0x95: {  	s20 =	simm.s32 @!p6 $0x9;
	s13 =	simm.s32 @!p6 $0x13B80;
	s18 =	sadd.s32 @!p6 s6, s23  }
0x96: {  	[tilespmem:s13], [sflag:$0x9] =	stream.linear.gather @!p6 [hbm4b:s18+s17], $0x80, $0x38;
	[tilespmem:$0x1FC80] =	vst v63  }
0x97: {  	_ =	swait.ge @!p6 [sflag:s20], $0x80  }
0x98: {  	[sflag:s20] =	ssyncset.done @!p6 $0x0  }
0x99: {  	[sflag:s20] =	ssyncadd.s32 @!p6 $0xFFFFFF80  }
0x9a: {  	_ =	swait.ge @!p6 [sflag:s20], $0x80  }
0x9b: {  	s16 =	simm.s32 @!p6 $0x80;
	[sflag:s20] =	ssyncset.done @!p6 $0x0  }
0x9c: {  	s17 =	simm.s32 @!p6 $0x1BC80;
	s18 =	simm.s32 @!p1 $0x2;
	[sflag:s20] =	ssyncadd.s32 @!p6 $0xFFFFFF80  }
0x9d: {  	[tilespmem:s17], [sflag:$0x3] =	stream.indirect.gather @!p6 [hbm4b:s4+s16], $0x80, s19, s16, $0xb8;
	[tilespmem:$0x1FC80] =	vst v63  }
0x9e: {  	s9 =	sadd.s32 $0x3, s9;
	_ =	swait.ge @!p1 [sflag:s18], $0x4000  }
0x9f: {  	s22 =	sadd.s32 $0x180, s22;
	p2 =	sge.u32 s9, s7;
	[sflag:s18] =	ssyncset.done @!p1 $0x0  }
0xa0: {  	s19 =	simm.s32 @!p1 $0x13B00;
	[sflag:s18] =	ssyncadd.s32 @!p1 $0xFFFFC000;
	s18 =	simm.s32 @!p2 $0x4  }
0xa1: {  	[spmem:s1] =	stream.indirect.scatter.add.f32 @!p1 [tilespmem:s14], [sflag:$0x5], $0x80, s19, s15, $0xb8;
	[tilespmem:$0x1FC80] =	vst v63  }
0xa2: {  	s20 =	sshrl.u32 @!p2 s22, $0x3;
	_ =	swait.ge @!p2 [sflag:s18], $0x4000  }
0xa3: {  	s14 =	sadd.s32 @!p2 s31, s20;
	s15 =	sadd.s32 @!p2 s30, s20;
	[sflag:s18] =	ssyncset.done @!p2 $0x0  }
0xa4: {  	s19 =	simm.s32 @!p2 $0x0;
	s20 =	simm.s32 @!p2 $0x13880;
	[sflag:s18] =	ssyncadd.s32 @!p2 $0xFFFFC000  }
0xa5: {  	[tilespmem:s20], [sflag:$0x7] =	stream.linear.gather @!p2 [hbm4b:s14+s19], $0x80, $0x38;
	[tilespmem:$0x1FC80] =	vst v63  }
0xa6: {  	s18 =	simm.s32 @!p2 $0x13A80;
	s14 =	simm.s32 @!p2 $0x7  }
0xa7: {  	[tilespmem:s18], [sflag:$0x7] =	stream.linear.gather @!p2 [hbm4b:s15+s19], $0x80, $0x38;
	[tilespmem:$0x1FC80] =	vst v63  }
0xa8: {  	_ =	swait.ge @!p2 [sflag:s14], $0x80  }
0xa9: {  	[sflag:s14] =	ssyncset.done @!p2 $0x0  }
0xaa: {  	[sflag:s14] =	ssyncadd.s32 @!p2 $0xFFFFFF80  }
0xab: {  	_ =	swait.ge @!p2 [sflag:s14], $0x80  }
0xac: {  	p5 =	sne.s32 s9, $0x54;
	[sflag:s14] =	ssyncset.done @!p2 $0x0  }
0xad: {  	s15 =	simm.s32 @!p2 $0x80;
	s18 =	simm.s32 @!p2 $0x13C80;
	[sflag:s14] =	ssyncadd.s32 @!p2 $0xFFFFFF80  }
0xae: {  	[tilespmem:s18], [sflag:$0x1] =	stream.indirect.gather @!p2 [hbm4b:s4+s15], $0x80, s20, s15, $0xb8;
	[tilespmem:$0x1FC80] =	vst v63  }
.Ltmp0:
0xaf: {  	s14 =	simm.s32 @!p6 $0x3;
	(pc) =	sbr.rel @p5 .LBB2_2-.Ltmp0, $4  }
0xb0: {  	s12 =	sadd.s32 $0x4, s12;
	_ =	swait.ge @!p6 [sflag:s14], $0x4000  }
0xb1: {  	p2 =	sge.u32 s12, s7;
	[sflag:s14] =	ssyncset.done @!p6 $0x0  }
0xb2: {  	[sflag:s14] =	ssyncadd.s32 @!p6 $0xFFFFC000;
	s14 =	simm.s32 @!p2 $0x5  }
0xb3: {  	[spmem:s1] =	stream.indirect.scatter.add.f32 @!p6 [tilespmem:s17], [sflag:$0x6], $0x80, s13, s16, $0xb8;
	[tilespmem:$0x1FC80] =	vst v63  }
0xb4: {  	_ =	swait.ge @!p2 [sflag:s14], $0x4000  }
0xb5: {  	s9 =	simm.s32 @!p2 $0x13900;
	[sflag:s14] =	ssyncset.done @!p2 $0x0  }
0xb6: {  	s5 =	sadd.s32 @!p2 s5, s21;
	s12 =	simm.s32 @!p2 $0x0;
	[sflag:s14] =	ssyncadd.s32 @!p2 $0xFFFFC000  }
0xb7: {  	[tilespmem:s9], [sflag:$0x8] =	stream.linear.gather @!p2 [hbm4b:s5+s12], $0x80, $0x38;
	[tilespmem:$0x1FC80] =	vst v63  }
0xb8: {  	s5 =	sadd.s32 @!p2 s6, s21;
	s6 =	simm.s32 @!p2 $0x13B00  }
0xb9: {  	[tilespmem:s6], [sflag:$0x8] =	stream.linear.gather @!p2 [hbm4b:s5+s12], $0x80, $0x38;
	[tilespmem:$0x1FC80] =	vst v63  }
0xba: {  	_ =	swait.ge [sflag:s0], $0x4000  }
0xbb: {  	[sflag:s0] =	ssyncset.done $0x0  }
0xbc: {  	[sflag:s0] =	ssyncadd.s32 $0xFFFFC000  }
0xbd: {  	_ =	swait.ge [sflag:s25], $0x4000  }
0xbe: {  	[sflag:s25] =	ssyncset.done $0x0  }
0xbf: {  	[sflag:s25] =	ssyncadd.s32 $0xFFFFC000  }
0xc0: {  	_ =	swait.ge [sflag:s26], $0x4000  }
0xc1: {  	[sflag:s26] =	ssyncset.done $0x0  }
0xc2: {  	[sflag:s26] =	ssyncadd.s32 $0xFFFFC000  }
0xc3: {  	[bflag:$0x0] =	sbarrier.arrive $0xFFFF  }
0xc4: {  	s5 =	sshrl.u32 @p0 s11, $0x3;
	s6 =	simm.s32 @p0 $0x1FCA;
	s9 =	rddreg [dreg:$0xe]  }
0xc5: {  	[hbm:s9], [sflag:s6] =	dma.local @p0 [spmem:s5], $0x2800  }
0xc6: {  	s5 =	simm.s32 @p0 $0xA  }
0xc7: {  	_ =	swait.ge @p0 [sflag:s5], $0x2800  }
0xc8: {  	s6 =	sshll.u32 @!p0 s3, $0x6;
	[sflag:s5] =	ssyncset.done @p0 $0x0;
	s9 =	rddreg [dreg:$0xd]  }
0xc9: {  	[sflag:s5] =	ssyncadd.s32 @p0 $0xFFFFD800;
	s5 =	sor.u32 @!p0 $0x1C0A, s6;
	s6 =	sshrl.u32 @!p0 s8, $0x3  }
0xca: {  	[hbm:s9], [sflag:s5] =	dma.local @!p0 [spmem:s6], $0x2700  }
0xcb: {  	s5 =	simm.s32 @!p0 $0xA  }
0xcc: {  	_ =	swait.ge @!p0 [sflag:s5], $0x2700  }
0xcd: {  	s28 =	sadd.s32 $0x1, s28;
	s22 =	rddreg [dreg:$0xf]  }
0xce: {  	p1 =	sne.s32 s28, s22  }
.Ltmp1:
0xcf: {  	_ = 	snop;
	(pc) =	sbr.rel @p1 .LBB2_1-.Ltmp1, $3  }
0xd0: {  	_ =	sdelay $0x1  }
0xd1: {  	[sflag:s5] =	ssyncset.done @!p0 $0x0  }
0xd2: {  	[sflag:s5] =	ssyncadd.s32 @!p0 $0xFFFFD900  }
0xd3: {  	_ =	sfence.sel $0x180000  }
0xd4: {  	[bflag:$0x0] =	sbarrier.arrive $0xFFFF  }
0xd5: {  	_ =	strace $0x9000004D  }
0xd6: {  	[bflag:$0x2] =	sbarrier.arrive $0xFFFF  }
0xd7: {  	p0 =	sne.s32 s3, $0x0;
	s0 =	rddreg [dreg:$0x3]  }
0xd8: {  	s0 =	sadd.s32 @!p0 $0x100000, s0  }
0xd9: {  	[sflag:s0] =	ssyncadd.tile.s32 @!p0 $0x1;
	_ =	shalt  }
.Lfunc_end2:
_tile_overlayer_lowered:
.L_overlay_start_2:
0xda: {  	(tag) =	ssettag $0x2  }
0xdb: {  	s0 =	rddreg [dreg:$0x0];
	s2 =	stileid.u32  }
0xdc: {  	s1 =	rddreg [dreg:$0x1];
	p0 =	sne.s32 s2, $0x0  }
0xdd: {  	s3 =	rddreg [dreg:$0x2];
	[bflag:$0x3] =	sbarrier.arrive $0xFFFF;
	s2 =	simm.s32 @!p0 $0x1C0A  }
0xde: {  	[timem:s3], [sflag:s2] =	dma.local @!p0 [hbm:s0], s1  }
0xdf: {  	s0 =	simm.s32 @!p0 $0xA  }
0xe0: {  	_ =	swait.ge @!p0 [sflag:s0], s1  }
0xe1: {  	s1 =	ssub.s32 @!p0 $0x0, s1;
	[sflag:s0] =	ssyncset.done @!p0 $0x0  }
0xe2: {  	[sflag:s0] =	ssyncadd.s32 @!p0 s1  }
0xe3: {  	[bflag:$0x3] =	sbarrier.arrive $0xFFFF  }
0xe4: {  	_ =	shalt  }

// kernel: kernel.9.cloned.1.call-start
scs
__scs_entry_jumppad:
0x0: {  	(pc) =	sbr.rel $0x88, $3  }
0x1: {  	(tag) =	ssettag $0x0;
	lr =	simm.s32 $0x1  }
0x2: {  	[smem:$0x3F9B] =	sst lr;
	_ =	strace $0xD0000000  }
0x3: {  	_ = 	snop  }
0x4: {  	_ = 	snop  }
0x5: {  	_ = 	snop  }
0x6: {  	_ = 	snop  }
0x7: {  	_ = 	snop  }
__scs_overlays_trampoline_lowered:
0x8: {  	[smem:$0x3FAA] =	sst s0  }
0x9: {  	[smem:$0x3FAB] =	sst s1  }
0xa: {  	[smem:$0x3FAC] =	sst s2  }
0xb: {  	[smem:$0x3FAD] =	sst s3  }
0xc: {  	[smem:$0x3FAE] =	sst s4  }
0xd: {  	[smem:$0x3FAF] =	sst s5  }
0xe: {  	[smem:$0x3FB0] =	sst s6  }
0xf: {  	[smem:$0x3FB1] =	sst s7  }
0x10: {  	[smem:$0x3FB2] =	sst s8  }
0x11: {  	[smem:$0x3FB3] =	sst s9;
	s0 =	simm.s32 @!p0 $0x0  }
0x12: {  	s1 =	sld [smem:$0x3F99];
	s0 =	simm.s32 @p0 $0x1  }
0x13: {  	[smem:$0x3FB4] =	sst s0;
	s0 =	simm.s32 @!p1 $0x0  }
0x14: {  	s2 =	sld [smem:$0x3F98];
	s0 =	simm.s32 @p1 $0x1  }
0x15: {  	[smem:$0x3FB5] =	sst s0;
	s0 =	simm.s32 @!p2 $0x0  }
0x16: {  	s3 =	sld [smem:$0x3FDB];
	s0 =	simm.s32 @p2 $0x1  }
0x17: {  	s4 =	simm.s32 $0x1BF5;
	[smem:$0x3FB7] =	sst s0  }
0x18: {  	s0 =	sld [smem:$0x3F9A];
	_ =	swait.ge [sflag:s4], $0x0  }
0x19: {  	s7 =	sld [smem:$0x3F9B]  }
0x1a: {  	s8 =	sadd.s32 $0xFFFFE003, lr  }
0x1b: {  	s9 =	sadd.s32 $0xFFFFFEF7, lr;
	s5 =	simm.s32 $0xFFFFFFFF;
	p2 =	slt.u32 s8, $0xFFFFF086  }
0x1c: {  	p1 =	slt.u32 s9, $0xF7A;
	s5 =	simm.s32 @!p2 $0x0  }
0x1d: {  	s5 =	simm.s32 @p1 $0x1;
	p0 =	seq.s32 s7, s2  }
0x1e: {  	s7 =	smul.u32 @!p0 $0xF7A, s2;
	p2 =	seq.s32 @!p0 s5, $0x0  }
0x1f: {  	s9 =	smul.u32 $0xF7A, s1;
	s8 =	simm.s32 @!p0 $0x1BF5;
	p2 =	por !p2, p0  }
0x20: {  	[sflag:s8] =	ssyncset.s32 @!p0 $0xFFFFF086;
	s6 =	sadd.s32 @!p0 s3, s7;
	s7 =	simm.s32 @!p0 $0x108  }
0x21: {  	s3 =	sadd.s32 s3, s9;
	s6 =	sadd.s32 @!p0 $0x88, s6;
	s7 =	simm.s32 @p2 $0x1082  }
0x22: {  	[simem:s7], [sflag:s8] =	dma.local @!p0 [hbm:s6], $0xF7A  }
0x23: {  	s9 =	sor.u32 $0xD0000000, s2;
	s6 =	simm.s32 $0x108;
	_ =	swait.ge @!p0 [sflag:s8], $0x0  }
0x24: {  	s3 =	sadd.s32 $0x88, s3;
	s6 =	simm.s32 @!p1 $0x1082;
	[sflag:s4] =	ssyncset.s32 $0xFFFFF086  }
0x25: {  	[simem:s6], [sflag:s4] =	dma.local [hbm:s3], $0xF7A  }
0x26: {  	[smem:$0x3F9B] =	sst s1;
	(tag) =	ssettag s2;
	_ =	strace s9  }
0x27: {  	s1 =	sld [smem:$0x3FAB]  }
0x28: {  	s2 =	sld [smem:$0x3FAC]  }
0x29: {  	s4 =	sld [smem:$0x3FAE]  }
0x2a: {  	p0 =	seq.s32 s5, $0x0;
	s5 =	sld [smem:$0x3FAF]  }
0x2b: {  	s6 =	sld [smem:$0x3FB0]  }
0x2c: {  	s7 =	sld [smem:$0x3FB1]  }
0x2d: {  	s3 =	simm.s32 $0x108;
	s8 =	sld [smem:$0x3FB2]  }
0x2e: {  	s3 =	simm.s32 @!p0 $0x1082;
	s9 =	sld [smem:$0x3FB3]  }
0x2f: {  	lr =	sadd.s32 s0, s3;
	s0 =	sld [smem:$0x3FAA]  }
0x30: {  	s3 =	sld [smem:$0x3FAD]  }
0x31: {  	[smem:$0x3FB6] =	sst s10  }
0x32: {  	s10 =	sld [smem:$0x3FB4];
	_ =	sdelay $0x3  }
0x33: {  	p0 =	seq.s32 s10, $0x1;
	s10 =	sld [smem:$0x3FB6];
	_ =	sdelay $0x3  }
0x34: {  	[smem:$0x3FB6] =	sst s10  }
0x35: {  	s10 =	sld [smem:$0x3FB5];
	_ =	sdelay $0x3  }
0x36: {  	p1 =	seq.s32 s10, $0x1;
	s10 =	sld [smem:$0x3FB6];
	_ =	sdelay $0x3  }
0x37: {  	[smem:$0x3FB6] =	sst s10  }
0x38: {  	s10 =	sld [smem:$0x3FB7]  }
0x39: {  	_ = 	snop;
	(pc) =	sbr.ind lr, $3  }
0x3a: {  	_ = 	snop  }
0x3b: {  	_ = 	snop  }
0x3c: {  	p2 =	seq.s32 s10, $0x1;
	s10 =	sld [smem:$0x3FB6]  }
0x3d: {  	_ =	shalt  }
0x3e: {  	_ =	shalt  }
0x3f: {  	_ =	shalt  }
0x40: {  	_ =	shalt  }
0x41: {  	_ =	shalt  }
0x42: {  	_ =	shalt  }
0x43: {  	_ =	shalt  }
0x44: {  	_ =	shalt  }
0x45: {  	_ =	shalt  }
0x46: {  	_ =	shalt  }
0x47: {  	_ =	shalt  }
0x48: {  	_ =	shalt  }
0x49: {  	_ =	shalt  }
0x4a: {  	_ =	shalt  }
0x4b: {  	_ =	shalt  }
0x4c: {  	_ =	shalt  }
0x4d: {  	_ =	shalt  }
0x4e: {  	_ =	shalt  }
0x4f: {  	_ =	shalt  }
0x50: {  	_ =	shalt  }
0x51: {  	_ =	shalt  }
0x52: {  	_ =	shalt  }
0x53: {  	_ =	shalt  }
0x54: {  	_ =	shalt  }
0x55: {  	_ =	shalt  }
0x56: {  	_ =	shalt  }
0x57: {  	_ =	shalt  }
0x58: {  	_ =	shalt  }
0x59: {  	_ =	shalt  }
0x5a: {  	_ =	shalt  }
0x5b: {  	_ =	shalt  }
0x5c: {  	_ =	shalt  }
0x5d: {  	_ =	shalt  }
0x5e: {  	_ =	shalt  }
0x5f: {  	_ =	shalt  }
0x60: {  	_ =	shalt  }
0x61: {  	_ =	shalt  }
0x62: {  	_ =	shalt  }
0x63: {  	_ =	shalt  }
0x64: {  	_ =	shalt  }
0x65: {  	_ =	shalt  }
0x66: {  	_ =	shalt  }
0x67: {  	_ =	shalt  }
0x68: {  	_ =	shalt  }
0x69: {  	_ =	shalt  }
0x6a: {  	_ =	shalt  }
0x6b: {  	_ =	shalt  }
0x6c: {  	_ =	shalt  }
0x6d: {  	_ =	shalt  }
0x6e: {  	_ =	shalt  }
0x6f: {  	_ =	shalt  }
0x70: {  	_ =	shalt  }
0x71: {  	_ =	shalt  }
0x72: {  	_ =	shalt  }
0x73: {  	_ =	shalt  }
0x74: {  	_ =	shalt  }
0x75: {  	_ =	shalt  }
0x76: {  	_ =	shalt  }
0x77: {  	_ =	shalt  }
0x78: {  	_ =	shalt  }
0x79: {  	_ =	shalt  }
0x7a: {  	_ =	shalt  }
0x7b: {  	_ =	shalt  }
0x7c: {  	_ =	shalt  }
0x7d: {  	_ =	shalt  }
0x7e: {  	_ =	shalt  }
0x7f: {  	_ =	shalt  }
0x80: {  	_ =	shalt  }
0x81: {  	_ =	shalt  }
0x82: {  	_ =	shalt  }
0x83: {  	_ =	shalt  }
0x84: {  	_ =	shalt  }
0x85: {  	_ =	shalt  }
0x86: {  	_ =	shalt  }
0x87: {  	_ =	shalt  }
.Lfunc_end0:
.L_simem_size_0:
called_computation_lowered:
.L_overlay_start_0:
0x88: {  	s2 =	sld [smem:$0x3FD9]  }
0x89: {  	s3 =	sld [smem:$0x3FFE];
	_ =	sdelay $0x1  }
0x8a: {  	s1 =	srdreg.scid  }
0x8b: {  	s0 =	sand.u32 $0x1, s1  }
0x8c: {  	s17 =	sshll.u32 s0, $0xA;
	s2 =	sadd.s32 s3, s2  }
0x8d: {  	s2 =	sadd.s32 s2, s17  }
0x8e: {  	[smem:$0x3FC2] =	sst s2  }
0x8f: {  	_ = 	snop  }
0x90: {  	s2 =	sld [smem:$0x3FD0];
	(tm) =	ssettm $0x1  }
0x91: {  	s18 =	sld [smem:$0x3FFB];
	_ =	sdelay $0x3  }
0x92: {  	_ =	strace s18  }
0x93: {  	s3 =	sld [smem:$0x3FFC];
	_ =	sdelay $0x3  }
0x94: {  	_ =	strace s3  }
0x95: {  	s3 =	sld [smem:$0x3FFD];
	_ =	sdelay $0x3  }
0x96: {  	_ =	strace s3  }
0x97: {  	_ =	strace $0x8FFFFFFF  }
0x98: {  	s19 =	sld [smem:$0x3FDB];
	_ =	sdelay $0x1  }
0x99: {  	s4 =	simm.s32 $_scs_section_size  }
0x9a: {  	s5 =	simm.s32 $_size__tile_overlayer_lowered;
	s6 =	simm.s32 $_tile_overlayer_lowered  }
0x9b: {  	s22 =	simm.s32 $0x1BFF;
	s21 =	sshll.u32 s6, $0x1;
	s3 =	sadd.s32 s4, s19  }
0x9c: {  	s7 =	simm.s32 $0x0;
	s20 =	sshll.u32 s5, $0x1;
	s5 =	sadd.s32 s21, s3  }
0x9d: {  	[timem:s7], [sflag:s22] =	dma.local [hbm:s5], s20  }
0x9e: {  	_ =	swait.ge [sflag:s22], s20  }
0x9f: {  	s4 =	ssub.s32 $0x0, s20;
	[sflag:s22] =	ssyncset.done $0x0  }
0xa0: {  	[sflag:s22] =	ssyncadd.s32 s4;
	_ =	sdelay $0x1  }
0xa1: {  	s23 =	simm.s32 $0x1B8B  }
0xa2: {  	_ =	swait.ge [sflag:s23], $0x1  }
0xa3: {  	[sflag:s23] =	ssyncset.done $0x0  }
0xa4: {  	s25 =	simm.s32 $0x1B8E;
	s24 =	sld [smem:$0x3FFE];
	[sflag:s23] =	ssyncadd.s32 $0xFFFFFFFF  }
0xa5: {  	s26 =	simm.s32 $execute0_lowered;
	[smem:$0x3FD2] =	sst s25  }
0xa6: {  	s5 =	sshll.u32 s26, $0x1;
	_ =	strace $0x80000046;
	[dreg:$0x1] =	wrdreg $0xFFFFFFFF  }
0xa7: {  	s28 =	simm.s32 $_size_execute0_lowered;
	s3 =	sadd.s32 s3, s5;
	[dreg:$0x0] =	wrdreg $0x0  }
0xa8: {  	s5 =	sshll.u32 s28, $0x1;
	[dreg:$0x2] =	wrdreg s3  }
0xa9: {  	[dreg:$0x3] =	wrdreg s5  }
0xaa: {  	[dreg:$0x4] =	wrdreg $0xC0  }
0xab: {  	_ =	task [dreg:s7], $0x5FFFF  }
0xac: {  	[dreg:$0x1] =	wrdreg $0xFFFFFFFF  }
0xad: {  	[dreg:$0x0] =	wrdreg $0x60  }
0xae: {  	[dreg:$0x2] =	wrdreg s24  }
0xaf: {  	[dreg:$0x3] =	wrdreg s2  }
0xb0: {  	[dreg:$0x4] =	wrdreg $0x0  }
0xb1: {  	[dreg:$0x5] =	wrdreg $0x9  }
0xb2: {  	_ =	task.clear_ibuf [dreg:s7], $0x6FFFF;
	_ =	strace $0x90000046  }
0xb3: {  	s29 =	simm.s32 $0x9;
	_ =	strace $0x80000048  }
0xb4: {  	_ =	swait.ge [sflag:s29], $0x1  }
0xb5: {  	[sflag:s29] =	ssyncadd.s32 $0xFFFFFFFF  }
0xb6: {  	_ =	strace $0x90000048  }
0xb7: {  	_ =	sfence  }
0xb8: {  	s30 =	sld [smem:$0x0];
	_ =	sdelay $0x2  }
0xb9: {  	s31 =	sshll.u32 s1, $0xD;
	s1 =	sshrl.u32 s1, $0x2  }
0xba: {  	s3 =	sand.u32 $0x4000, s31;
	s1 =	sadd.s32 s1, s30  }
0xbb: {  	s0 =	sor.u32 s3, s0;
	s1 =	sshll.u32 s1, $0x11  }
0xbc: {  	s0 =	sor.u32 s1, s0  }
0xbd: {  	s0 =	sadd.s32 $0x8F2B, s0  }
0xbe: {  	[sflag:s0] =	ssyncadd.remote.s32 $0x1  }
0xbf: {  	_ =	sfence.sel $0xFFFF  }
0xc0: {  	[dreg:$0x0] =	wrdreg $0xFFFFFFFF;
	(pc) =	sbr.abs _section_cstart, $3  }
0xc1: {  	[dreg:$0x1] =	wrdreg $0xFFFFFFFF  }
0xc2: {  	_ =	task.clear_ibuf [dreg:s7], $0x2FFFF;
	_ =	strace $0x9FFFFFFF  }
0xc3: {  	(tm) =	ssettm $0x7FFFFFFF  }
tec
execute0_lowered:
.L_overlay_start_1:
0x0: {  	(tag) =	ssettag $0x1  }
0x1: {  	s0 =	rddreg [dreg:$0x0]  }
0x2: {  	s3 =	rddreg [dreg:$0x1]  }
0x3: {  	s1 =	rddreg [dreg:$0x2];
	s2 =	simm.s32 $0x0;
	s11 =	srdreg.scid  }
0x4: {  	s13 =	stileid.u32;
	s28 =	simm.s32 $0x80;
	s30 =	simm.s32 $0x5  }
0x5: {  	s31 =	simm.s32 $0x1;
	[smem:$0x7FF] =	sst s2;
	s4 =	sadd.s32 $0xBC00, s0  }
0x6: {  	s5 =	sadd.s32 $0x15A00, s0;
	s0 =	sadd.s32 $0x16200, s0;
	s8 =	smul.u32 $0x4E000, s13  }
0x7: {  	s6 =	sand.u32 $0x1, s11;
	s11 =	smul.u32 $0x2700, s13;
	s16 =	sadd.s32 $0x124800, s1  }
0x8: {  	s12 =	sshll.u32 s13, $0x1;
	s20 =	smul.u32 $0x4E00, s13;
	_ =	strace $0x80000047  }
0x9: {  	[dreg:$0x4] =	wrdreg s5;
	s7 =	ssub.s32 $0x2, s6;
	s17 =	smul.u32 $0x138800, s6  }
0xa: {  	s10 =	sor.u32 s6, s12;
	s5 =	simm.s32 $0x52;
	s19 =	smul.u32 $0x27100, s6  }
0xb: {  	[dreg:$0x7] =	wrdreg s16;
	s6 =	smul.u32 $0x2700, s6;
	s9 =	sshrl.u32 s7, $0x1  }
0xc: {  	p0 =	seq.s32 s10, $0x1F;
	s10 =	smul.u32 $0x2700, s10;
	s8 =	sshrl.u32 s8, $0x2  }
0xd: {  	s14 =	sadd.s32 s3, s11;
	s3 =	sadd.s32 $0x24900, s3;
	s7 =	ssub.s32 s7, s9  }
0xe: {  	s5 =	simm.s32 @!p0 $0x4E;
	s8 =	sadd.s32 s8, s1;
	[dreg:$0x6] =	wrdreg s14  }
0xf: {  	[dreg:$0x9] =	wrdreg s3;
	s3 =	sadd.s32 s11, s19;
	s25 =	sadd.s32 s6, s20  }
0x10: {  	p0 =	seq.s32 s13, $0xF;
	[dreg:$0x5] =	wrdreg s8;
	s15 =	sshrl.u32 s10, $0x3  }
0x11: {  	s12 =	sadd.s32 $0xFFFFFFFF, s5;
	s8 =	sshrl.u32 s17, $0x3;
	s22 =	smax.u32 s7, $0x1  }
0x12: {  	s29 =	sadd.s32 $0x380, s25;
	s6 =	sadd.s32 $0x300, s25;
	s10 =	sadd.s32 s4, s15  }
0x13: {  	s8 =	sadd.s32 s0, s8;
	s0 =	sadd.s32 s0, s3;
	[dreg:$0xd] =	wrdreg s22  }
0x14: {  	s3 =	sshrl.u32 s29, $0x3;
	s6 =	sshrl.u32 s6, $0x3;
	[dreg:$0xb] =	wrdreg s0  }
0x15: {  	s22 =	simm.s32 $0x13A80;
	s18 =	sadd.s32 $0x10, s10;
	[dreg:$0x8] =	wrdreg s10  }
0x16: {  	s21 =	sadd.s32 $0x24900, s8;
	s23 =	sadd.s32 $0x20, s10;
	[dreg:$0xa] =	wrdreg s18  }
0x17: {  	s24 =	sadd.s32 $0x30, s10;
	s26 =	sadd.s32 $0x40, s10;
	[dreg:$0xc] =	wrdreg s21  }
0x18: {  	s0 =	sadd.s32 $0x280, s25;
	s17 =	sadd.s32 s3, s4;
	[dreg:$0xe] =	wrdreg s23  }
0x19: {  	s20 =	sadd.s32 s6, s4;
	s3 =	simm.s32 $0x2;
	[dreg:$0xf] =	wrdreg s24  }
0x1a: {  	s6 =	simm.s32 $0x0;
	[dreg:$0x10] =	wrdreg s26;
	s0 =	sshrl.u32 s0, $0x3  }
0x1b: {  	s21 =	sadd.s32 s0, s4;
	s0 =	simm.s32 $0x6;
	s4 =	simm.s32 $0x3  }
.LBB2_1:
0x1c: {  	s7 =	rddreg [dreg:$0x4];
	s18 =	simm.s32 $0x7  }
0x1d: {  	[tilespmem:s22], [sflag:$0x7] =	stream.linear.gather [hbm4b:s7+s2], $0x4000, $0x38;
	[tilespmem:$0x17A80] =	vst v63  }
0x1e: {  	_ =	swait.ge [sflag:s18], $0x4000  }
0x1f: {  	s8 =	simm.s32 @p0 $0x1FC7;
	[sflag:s18] =	ssyncset.done $0x0;
	s7 =	rddreg [dreg:$0x7]  }
0x20: {  	s9 =	rddreg [dreg:$0x9];
	[sflag:s18] =	ssyncadd.s32 $0xFFFFC000;
	s7 =	sshrl.u32 @p0 s7, $0x3  }
0x21: {  	[spmem:s7], [sflag:s8] =	dma.local @p0 [hbm:s9], $0x2800  }
0x22: {  	s8 =	simm.s32 @p0 $0x7  }
0x23: {  	s9 =	stileid.u32;
	_ =	swait.ge @p0 [sflag:s8], $0x2800  }
0x24: {  	s9 =	sshll.u32 @!p0 s9, $0x6;
	[sflag:s8] =	ssyncset.done @p0 $0x0  }
0x25: {  	[sflag:s8] =	ssyncadd.s32 @p0 $0xFFFFD800;
	s8 =	sor.u32 @!p0 $0x1C07, s9;
	s9 =	rddreg [dreg:$0x5]  }
0x26: {  	s10 =	sshrl.u32 @!p0 s9, $0x3;
	s9 =	rddreg [dreg:$0x6]  }
0x27: {  	[spmem:s10], [sflag:s8] =	dma.local @!p0 [hbm:s9], $0x2700  }
0x28: {  	s9 =	simm.s32 @!p0 $0x7  }
0x29: {  	_ =	swait.ge @!p0 [sflag:s9], $0x2700  }
0x2a: {  	[sflag:s9] =	ssyncset.done @!p0 $0x0  }
0x2b: {  	[sflag:s9] =	ssyncadd.s32 @!p0 $0xFFFFD900  }
0x2c: {  	[bflag:$0x0] =	sbarrier.arrive $0xFFFF  }
0x2d: {  	s11 =	simm.s32 $0x13880;
	s19 =	rddreg [dreg:$0x8]  }
0x2e: {  	[tilespmem:s11], [sflag:$0x4] =	stream.linear.gather [hbm4b:s19+s2], $0x80, $0x38;
	[tilespmem:$0x17A80] =	vst v63  }
0x2f: {  	s13 =	simm.s32 $0x13900;
	s24 =	simm.s32 $0x4;
	s23 =	rddreg [dreg:$0xa]  }
0x30: {  	[tilespmem:s13], [sflag:$0x5] =	stream.linear.gather [hbm4b:s23+s2], $0x80, $0x38;
	[tilespmem:$0x17A80] =	vst v63  }
0x31: {  	_ =	swait.ge [sflag:s24], $0x80  }
0x32: {  	[sflag:s24] =	ssyncset.done $0x0  }
0x33: {  	[sflag:s24] =	ssyncadd.s32 $0xFFFFFF80  }
0x34: {  	[spmem:s1] =	stream.indirect.scatter.add.f32 [tilespmem:s22], [sflag:$0x1], $0x80, s11, s28, $0xb8;
	[tilespmem:$0x17A80] =	vst v63  }
0x35: {  	s14 =	simm.s32 $0x13980;
	s25 =	rddreg [dreg:$0xe]  }
0x36: {  	[tilespmem:s14], [sflag:$0x6] =	stream.linear.gather [hbm4b:s25+s2], $0x80, $0x38;
	[tilespmem:$0x17A80] =	vst v63  }
0x37: {  	_ =	swait.ge [sflag:s30], $0x80  }
0x38: {  	[sflag:s30] =	ssyncset.done $0x0  }
0x39: {  	[sflag:s30] =	ssyncadd.s32 $0xFFFFFF80  }
0x3a: {  	[spmem:s1] =	stream.indirect.scatter.add.f32 [tilespmem:s22], [sflag:$0x2], $0x80, s13, s28, $0xb8;
	[tilespmem:$0x17A80] =	vst v63  }
0x3b: {  	_ =	swait.ge [sflag:s31], $0x4000  }
0x3c: {  	[sflag:s31] =	ssyncset.done $0x0  }
0x3d: {  	s26 =	rddreg [dreg:$0xf];
	[sflag:s31] =	ssyncadd.s32 $0xFFFFC000  }
0x3e: {  	[tilespmem:s11], [sflag:$0x4] =	stream.linear.gather [hbm4b:s26+s2], $0x80, $0x38;
	[tilespmem:$0x17A80] =	vst v63  }
0x3f: {  	_ =	swait.ge [sflag:s0], $0x80  }
0x40: {  	[sflag:s0] =	ssyncset.done $0x0  }
0x41: {  	[sflag:s0] =	ssyncadd.s32 $0xFFFFFF80  }
0x42: {  	[spmem:s1] =	stream.indirect.scatter.add.f32 [tilespmem:s22], [sflag:$0x3], $0x80, s14, s28, $0xb8;
	[tilespmem:$0x17A80] =	vst v63  }
0x43: {  	_ =	swait.ge [sflag:s3], $0x4000  }
0x44: {  	p2 =	sle.u32 s5, $0x3;
	[sflag:s3] =	ssyncset.done $0x0  }
0x45: {  	s9 =	simm.s32 @!p2 $0x4;
	s29 =	rddreg [dreg:$0x10];
	[sflag:s3] =	ssyncadd.s32 $0xFFFFC000  }
0x46: {  	[tilespmem:s13], [sflag:$0x5] =	stream.linear.gather [hbm4b:s29+s2], $0x80, $0x38;
	[tilespmem:$0x17A80] =	vst v63  }
0x47: {  	p1 =	sle.u32 s5, $0x5;
	_ =	swait.ge @!p2 [sflag:s9], $0x80  }
0x48: {  	s15 =	simm.s32 @!p2 $0x13880;
	s11 =	simm.s32 @!p2 $0x13A80;
	[sflag:s9] =	ssyncset.done @!p2 $0x0  }
0x49: {  	s14 =	simm.s32 @!p2 $0x80;
	s13 =	simm.s32 @!p1 $0x3;
	[sflag:s9] =	ssyncadd.s32 @!p2 $0xFFFFFF80  }
0x4a: {  	[spmem:s1] =	stream.indirect.scatter.add.f32 @!p2 [tilespmem:s11], [sflag:$0x1], $0x80, s15, s14, $0xb8;
	[tilespmem:$0x17A80] =	vst v63  }
0x4b: {  	_ =	swait.ge @!p1 [sflag:s13], $0x4000  }
0x4c: {  	s18 =	simm.s32 @!p1 $0x13980;
	p2 =	sle.u32 s12, $0x3;
	[sflag:s13] =	ssyncset.done @!p1 $0x0  }
0x4d: {  	s9 =	simm.s32 @!p1 $0x0;
	s11 =	simm.s32 @!p2 $0x5;
	[sflag:s13] =	ssyncadd.s32 @!p1 $0xFFFFC000  }
0x4e: {  	[tilespmem:s18], [sflag:$0x6] =	stream.linear.gather @!p1 [hbm4b:s21+s9], $0x80, $0x38;
	[tilespmem:$0x17A80] =	vst v63  }
0x4f: {  	p3 =	sle.u32 s5, $0x6;
	s16 =	simm.s32 $0xD;
	_ =	swait.ge @!p2 [sflag:s11], $0x80  }
0x50: {  	s14 =	simm.s32 @!p3 $0x1;
	s13 =	simm.s32 @!p2 $0x13900;
	[sflag:s11] =	ssyncset.done @!p2 $0x0  }
0x51: {  	s9 =	simm.s32 @!p2 $0x80;
	[sflag:s11] =	ssyncadd.s32 @!p2 $0xFFFFFF80;
	s11 =	simm.s32 @!p2 $0x13A80  }
0x52: {  	[spmem:s1] =	stream.indirect.scatter.add.f32 @!p2 [tilespmem:s11], [sflag:$0x2], $0x80, s13, s9, $0xb8;
	[tilespmem:$0x17A80] =	vst v63  }
0x53: {  	s19 =	simm.s32 @!p1 $0x6;
	s23 =	simm.s32 @!p1 $0x80;
	_ =	swait.ge @!p3 [sflag:s14], $0x4000  }
0x54: {  	s24 =	simm.s32 @!p1 $0x13A80;
	s15 =	sadd.s32 $0x30, s21;
	[sflag:s14] =	ssyncset.done @!p3 $0x0  }
0x55: {  	s9 =	simm.s32 @!p3 $0x0;
	s13 =	simm.s32 @!p3 $0x13880;
	[sflag:s14] =	ssyncadd.s32 @!p3 $0xFFFFC000  }
0x56: {  	[tilespmem:s13], [sflag:$0x4] =	stream.linear.gather @!p3 [hbm4b:s20+s9], $0x80, $0x38;
	[tilespmem:$0x17A80] =	vst v63  }
0x57: {  	s11 =	simm.s32 $0xA;
	s14 =	sadd.s32 $0x30, s20;
	_ =	swait.ge @!p1 [sflag:s19], $0x80  }
0x58: {  	s13 =	sadd.s32 $0x30, s17;
	s9 =	simm.s32 $0x6;
	[sflag:s19] =	ssyncset.done @!p1 $0x0  }
0x59: {  	p3 =	sle.u32 s5, $0x7;
	[sflag:s19] =	ssyncadd.s32 @!p1 $0xFFFFFF80;
	s19 =	smov.u32 s17  }
.LBB2_2:
0x5a: {  	s25 =	simm.s32 @!p3 $0x2;
	s26 =	simm.s32 @!p3 $0x13900  }
0x5b: {  	s29 =	smov.u32 s11;
	s11 =	smov.u32 s16;
	s16 =	sadd.s32 $0x3, s16  }
0x5c: {  	[spmem:s1] =	stream.indirect.scatter.add.f32 @!p1 [tilespmem:s24], [sflag:$0x3], $0x80, s18, s23, $0xb8;
	[tilespmem:$0x17A80] =	vst v63  }
0x5d: {  	p4 =	sge.u32 s9, s5;
	s18 =	simm.s32 @!p3 $0x0;
	_ =	swait.ge @!p3 [sflag:s25], $0x4000  }
0x5e: {  	s23 =	simm.s32 @!p4 $0x4;
	s24 =	sadd.s32 $0xFFFFFFFE, s29;
	[sflag:s25] =	ssyncset.done @!p3 $0x0  }
0x5f: {  	p2 =	sne.s32 s16, $0x58;
	p1 =	sge.u32 s24, s5;
	[sflag:s25] =	ssyncadd.s32 @!p3 $0xFFFFC000  }
0x60: {  	[tilespmem:s26], [sflag:$0x5] =	stream.linear.gather @!p3 [hbm4b:s19+s18], $0x80, $0x38;
	[tilespmem:$0x17A80] =	vst v63  }
0x61: {  	s24 =	simm.s32 @!p1 $0x3;
	s18 =	simm.s32 @!p4 $0x13A80;
	_ =	swait.ge @!p4 [sflag:s23], $0x80  }
0x62: {  	s25 =	simm.s32 @!p4 $0x80;
	s26 =	simm.s32 @!p4 $0x13880;
	[sflag:s23] =	ssyncset.done @!p4 $0x0  }
0x63: {  	p3 =	sge.u32 s9, s12;
	s19 =	smov.u32 s13;
	[sflag:s23] =	ssyncadd.s32 @!p4 $0xFFFFFF80  }
0x64: {  	[spmem:s1] =	stream.indirect.scatter.add.f32 @!p4 [tilespmem:s18], [sflag:$0x1], $0x80, s26, s25, $0xb8;
	[tilespmem:$0x17A80] =	vst v63  }
0x65: {  	s9 =	simm.s32 @!p1 $0x0;
	s23 =	simm.s32 @!p3 $0x5;
	_ =	swait.ge @!p1 [sflag:s24], $0x4000  }
0x66: {  	[sflag:s24] =	ssyncset.done @!p1 $0x0  }
0x67: {  	s18 =	simm.s32 @!p1 $0x13980;
	[sflag:s24] =	ssyncadd.s32 @!p1 $0xFFFFC000;
	s24 =	sadd.s32 $0xFFFFFFFF, s29  }
0x68: {  	[tilespmem:s18], [sflag:$0x6] =	stream.linear.gather @!p1 [hbm4b:s15+s9], $0x80, $0x38;
	[tilespmem:$0x17A80] =	vst v63  }
0x69: {  	s25 =	simm.s32 @!p3 $0x13900;
	s9 =	simm.s32 @!p3 $0x80;
	_ =	swait.ge @!p3 [sflag:s23], $0x80  }
0x6a: {  	p4 =	sge.u32 s24, s5;
	[sflag:s23] =	ssyncset.done @!p3 $0x0  }
0x6b: {  	s24 =	simm.s32 @!p4 $0x1;
	[sflag:s23] =	ssyncadd.s32 @!p3 $0xFFFFFF80;
	s23 =	simm.s32 @!p3 $0x13A80  }
0x6c: {  	[spmem:s1] =	stream.indirect.scatter.add.f32 @!p3 [tilespmem:s23], [sflag:$0x2], $0x80, s25, s9, $0xb8;
	[tilespmem:$0x17A80] =	vst v63  }
0x6d: {  	s25 =	simm.s32 @!p1 $0x6;
	_ =	swait.ge @!p4 [sflag:s24], $0x4000  }
0x6e: {  	s15 =	sadd.s32 $0x30, s15;
	s9 =	simm.s32 @!p4 $0x0;
	[sflag:s24] =	ssyncset.done @!p4 $0x0  }
.Ltmp0:
0x6f: {  	s23 =	simm.s32 @!p4 $0x13880;
	[sflag:s24] =	ssyncadd.s32 @!p4 $0xFFFFC000;
	(pc) =	sbr.rel @p2 .LBB2_2-.Ltmp0, $4  }
0x70: {  	[tilespmem:s23], [sflag:$0x4] =	stream.linear.gather @!p4 [hbm4b:s14+s9], $0x80, $0x38;
	[tilespmem:$0x17A80] =	vst v63  }
0x71: {  	s24 =	simm.s32 @!p1 $0x13A80;
	s23 =	simm.s32 @!p1 $0x80;
	_ =	swait.ge @!p1 [sflag:s25], $0x80  }
0x72: {  	s13 =	sadd.s32 $0x30, s13;
	s14 =	sadd.s32 $0x30, s14;
	[sflag:s25] =	ssyncset.done @!p1 $0x0  }
0x73: {  	p3 =	sge.u32 s29, s5;
	s9 =	sadd.s32 $0xFFFFFFFC, s11;
	[sflag:s25] =	ssyncadd.s32 @!p1 $0xFFFFFF80  }
0x74: {  	s16 =	simm.s32 @!p3 $0x2  }
0x75: {  	[spmem:s1] =	stream.indirect.scatter.add.f32 @!p1 [tilespmem:s24], [sflag:$0x3], $0x80, s18, s23, $0xb8;
	[tilespmem:$0x17A80] =	vst v63  }
0x76: {  	s18 =	simm.s32 @!p3 $0x13900;
	_ =	swait.ge @!p3 [sflag:s16], $0x4000  }
0x77: {  	p2 =	sge.u32 s9, s5;
	s23 =	simm.s32 @!p3 $0x0;
	[sflag:s16] =	ssyncset.done @!p3 $0x0  }
0x78: {  	s25 =	sadd.s32 $0xFFFFFFFE, s11;
	s24 =	simm.s32 @!p2 $0x4;
	[sflag:s16] =	ssyncadd.s32 @!p3 $0xFFFFC000  }
0x79: {  	[tilespmem:s18], [sflag:$0x5] =	stream.linear.gather @!p3 [hbm4b:s19+s23], $0x80, $0x38;
	[tilespmem:$0x17A80] =	vst v63  }
0x7a: {  	p1 =	sge.u32 s25, s5;
	_ =	swait.ge @!p2 [sflag:s24], $0x80  }
0x7b: {  	s16 =	simm.s32 @!p2 $0x13A80;
	s18 =	simm.s32 @!p1 $0x3;
	[sflag:s24] =	ssyncset.done @!p2 $0x0  }
0x7c: {  	s19 =	simm.s32 @!p2 $0x80;
	s23 =	simm.s32 @!p2 $0x13880;
	[sflag:s24] =	ssyncadd.s32 @!p2 $0xFFFFFF80  }
0x7d: {  	[spmem:s1] =	stream.indirect.scatter.add.f32 @!p2 [tilespmem:s16], [sflag:$0x1], $0x80, s23, s19, $0xb8;
	[tilespmem:$0x17A80] =	vst v63  }
0x7e: {  	s26 =	sadd.s32 $0xFFFFFFFF, s11;
	_ =	swait.ge @!p1 [sflag:s18], $0x4000  }
0x7f: {  	p2 =	sge.u32 s9, s12;
	s9 =	simm.s32 @!p1 $0x0;
	[sflag:s18] =	ssyncset.done @!p1 $0x0  }
0x80: {  	s16 =	simm.s32 @!p2 $0x5;
	[sflag:s18] =	ssyncadd.s32 @!p1 $0xFFFFC000;
	s18 =	simm.s32 @!p1 $0x13980  }
0x81: {  	[tilespmem:s18], [sflag:$0x6] =	stream.linear.gather @!p1 [hbm4b:s15+s9], $0x80, $0x38;
	[tilespmem:$0x17A80] =	vst v63  }
0x82: {  	p3 =	sge.u32 s26, s5;
	_ =	swait.ge @!p2 [sflag:s16], $0x80  }
0x83: {  	s19 =	simm.s32 @!p2 $0x13900;
	s15 =	simm.s32 @!p2 $0x80;
	[sflag:s16] =	ssyncset.done @!p2 $0x0  }
0x84: {  	s9 =	simm.s32 @!p2 $0x13A80;
	[sflag:s16] =	ssyncadd.s32 @!p2 $0xFFFFFF80;
	s16 =	simm.s32 @!p3 $0x1  }
0x85: {  	[spmem:s1] =	stream.indirect.scatter.add.f32 @!p2 [tilespmem:s9], [sflag:$0x2], $0x80, s19, s15, $0xb8;
	[tilespmem:$0x17A80] =	vst v63  }
0x86: {  	_ =	swait.ge @!p3 [sflag:s16], $0x4000  }
0x87: {  	s9 =	simm.s32 @!p1 $0x6;
	[sflag:s16] =	ssyncset.done @!p3 $0x0  }
0x88: {  	s15 =	simm.s32 @!p3 $0x0;
	[sflag:s16] =	ssyncadd.s32 @!p3 $0xFFFFC000;
	s16 =	simm.s32 @!p3 $0x13880  }
0x89: {  	[tilespmem:s16], [sflag:$0x4] =	stream.linear.gather @!p3 [hbm4b:s14+s15], $0x80, $0x38;
	[tilespmem:$0x17A80] =	vst v63  }
0x8a: {  	_ =	swait.ge @!p1 [sflag:s9], $0x80  }
0x8b: {  	p2 =	sge.u32 s11, s5;
	s11 =	simm.s32 @!p1 $0x13A80;
	[sflag:s9] =	ssyncset.done @!p1 $0x0  }
0x8c: {  	s14 =	simm.s32 @!p1 $0x80;
	[sflag:s9] =	ssyncadd.s32 @!p1 $0xFFFFFF80;
	s9 =	simm.s32 @!p2 $0x2  }
0x8d: {  	[spmem:s1] =	stream.indirect.scatter.add.f32 @!p1 [tilespmem:s11], [sflag:$0x3], $0x80, s18, s14, $0xb8;
	[tilespmem:$0x17A80] =	vst v63  }
0x8e: {  	_ =	swait.ge @!p2 [sflag:s9], $0x4000  }
0x8f: {  	[sflag:s9] =	ssyncset.done @!p2 $0x0  }
0x90: {  	s11 =	simm.s32 @!p2 $0x13900;
	s14 =	simm.s32 @!p2 $0x0;
	[sflag:s9] =	ssyncadd.s32 @!p2 $0xFFFFC000  }
0x91: {  	[tilespmem:s11], [sflag:$0x5] =	stream.linear.gather @!p2 [hbm4b:s13+s14], $0x80, $0x38;
	[tilespmem:$0x17A80] =	vst v63  }
0x92: {  	_ =	swait.ge [sflag:s31], $0x4000  }
0x93: {  	[sflag:s31] =	ssyncset.done $0x0  }
0x94: {  	[sflag:s31] =	ssyncadd.s32 $0xFFFFC000  }
0x95: {  	_ =	swait.ge [sflag:s3], $0x4000  }
0x96: {  	[sflag:s3] =	ssyncset.done $0x0  }
0x97: {  	[sflag:s3] =	ssyncadd.s32 $0xFFFFC000  }
0x98: {  	_ =	swait.ge [sflag:s4], $0x4000  }
0x99: {  	[sflag:s4] =	ssyncset.done $0x0  }
0x9a: {  	[sflag:s4] =	ssyncadd.s32 $0xFFFFC000  }
0x9b: {  	[bflag:$0x0] =	sbarrier.arrive $0xFFFF  }
0x9c: {  	s9 =	simm.s32 @p0 $0x1FC7;
	s11 =	rddreg [dreg:$0xc]  }
0x9d: {  	[hbm:s11], [sflag:s9] =	dma.local @p0 [spmem:s7], $0x2800  }
0x9e: {  	s7 =	simm.s32 @p0 $0x7  }
0x9f: {  	_ =	swait.ge @p0 [sflag:s7], $0x2800  }
0xa0: {  	[sflag:s7] =	ssyncset.done @p0 $0x0  }
0xa1: {  	[sflag:s7] =	ssyncadd.s32 @p0 $0xFFFFD800;
	s7 =	rddreg [dreg:$0xb]  }
0xa2: {  	[hbm:s7], [sflag:s8] =	dma.local @!p0 [spmem:s10], $0x2700  }
0xa3: {  	s7 =	simm.s32 @!p0 $0x7  }
0xa4: {  	_ =	swait.ge @!p0 [sflag:s7], $0x2700  }
0xa5: {  	s6 =	sadd.s32 $0x1, s6;
	s29 =	rddreg [dreg:$0xd]  }
0xa6: {  	p1 =	sne.s32 s6, s29  }
.Ltmp1:
0xa7: {  	_ = 	snop;
	(pc) =	sbr.rel @p1 .LBB2_1-.Ltmp1, $3  }
0xa8: {  	_ =	sdelay $0x1  }
0xa9: {  	[sflag:s7] =	ssyncset.done @!p0 $0x0  }
0xaa: {  	[sflag:s7] =	ssyncadd.s32 @!p0 $0xFFFFD900  }
0xab: {  	_ =	sfence.sel $0x180000  }
0xac: {  	[bflag:$0x0] =	sbarrier.arrive $0xFFFF  }
0xad: {  	_ =	strace $0x90000047  }
0xae: {  	s0 =	stileid.u32;
	[bflag:$0x2] =	sbarrier.arrive $0xFFFF  }
0xaf: {  	p0 =	sne.s32 s0, $0x0;
	s0 =	rddreg [dreg:$0x3]  }
0xb0: {  	s0 =	sadd.s32 @!p0 $0x100000, s0  }
0xb1: {  	[sflag:s0] =	ssyncadd.tile.s32 @!p0 $0x1;
	_ =	shalt  }
.Lfunc_end2:
_tile_overlayer_lowered:
.L_overlay_start_2:
0xb2: {  	(tag) =	ssettag $0x2  }
0xb3: {  	s0 =	rddreg [dreg:$0x0];
	s2 =	stileid.u32  }
0xb4: {  	s1 =	rddreg [dreg:$0x1];
	p0 =	sne.s32 s2, $0x0  }
0xb5: {  	s3 =	rddreg [dreg:$0x2];
	[bflag:$0x3] =	sbarrier.arrive $0xFFFF;
	s2 =	simm.s32 @!p0 $0x1C07  }
0xb6: {  	[timem:s3], [sflag:s2] =	dma.local @!p0 [hbm:s0], s1  }
0xb7: {  	s0 =	simm.s32 @!p0 $0x7  }
0xb8: {  	_ =	swait.ge @!p0 [sflag:s0], s1  }
0xb9: {  	s1 =	ssub.s32 @!p0 $0x0, s1;
	[sflag:s0] =	ssyncset.done @!p0 $0x0  }
0xba: {  	[sflag:s0] =	ssyncadd.s32 @!p0 s1  }
0xbb: {  	[bflag:$0x3] =	sbarrier.arrive $0xFFFF  }
0xbc: {  	_ =	shalt  }

</sc_bundles>
